<compile_context>
chip_gen: v7x
topology: tpu7x:2x2x1
jax: 0.10.2.dev20260603
libtpu: 0.0.44.dev20260713+nightly
codegen_flags: <defaults>
</compile_context>

<pallas_src>
import functools
import jax
import jax.numpy as jnp
from jax import lax
from jax.experimental import pallas as pl
from jax.experimental.pallas import tpu as pltpu
from jax.experimental.pallas import tpu_sc as plsc

B, L = 4096, 200
D = 128
OUT = 512
NC, NS = 2, 16
NW = NC * NS
RPW = B // NW
C0, C1 = 128, 72

_mesh = plsc.VectorSubcoreMesh(core_axis_name="c", subcore_axis_name="s")


@functools.partial(
    pl.kernel,
    out_type=jax.ShapeDtypeStruct((B, 2 * D), jnp.float32),
    mesh=_mesh,
    scratch_types=[
        pltpu.VMEM((L,), jnp.int32),
        pltpu.VMEM((L,), jnp.int32),
        pltpu.VMEM((L,), jnp.int32),
        pltpu.VMEM((L,), jnp.int32),
        pltpu.VMEM((L, D), jnp.float32),
        pltpu.VMEM((L, D), jnp.float32),
        pltpu.VMEM((L, D), jnp.float32),
        pltpu.VMEM((L, D), jnp.float32),
        pltpu.VMEM((2 * D,), jnp.float32),
        pltpu.VMEM((2 * D,), jnp.float32),
        pltpu.SemaphoreType.DMA,
        pltpu.SemaphoreType.DMA,
        pltpu.SemaphoreType.DMA,
        pltpu.SemaphoreType.DMA,
        pltpu.SemaphoreType.DMA,
        pltpu.SemaphoreType.DMA,
    ],
)
def _sc_pool(xp_hbm, xv_hbm, ptab_hbm, vtab_hbm, out_hbm,
             ip0, ip1, iv0, iv1, rp0, rp1, rv0, rv1, stage0, stage1,
             gsem0, gsem1, isem0, isem1, osem0, osem1):
    wid = lax.axis_index("s") * NC + lax.axis_index("c")
    base = wid * RPW

    ibufs = ((ip0, iv0, isem0), (ip1, iv1, isem1))
    rbufs = ((rp0, rv0, gsem0), (rp1, rv1, gsem1))
    obufs = ((stage0, osem0), (stage1, osem1))

    def start_idx(s, row):
        buf_p, buf_v, sem = ibufs[s]
        pltpu.async_copy(xp_hbm.at[row], buf_p, sem)
        pltpu.async_copy(xv_hbm.at[row], buf_v, sem)

    def wait_idx(s):
        buf_p, buf_v, sem = ibufs[s]
        pltpu.make_async_copy(xp_hbm.at[0], buf_p, sem).wait()
        pltpu.make_async_copy(xv_hbm.at[0], buf_v, sem).wait()

    def start_gather(s):
        buf_p, buf_v, _ = ibufs[s]
        rows_p, rows_v, sem = rbufs[s]
        pltpu.async_copy(ptab_hbm.at[buf_p.at[pl.ds(0, C0)]],
                         rows_p.at[pl.ds(0, C0)], sem)
        pltpu.async_copy(ptab_hbm.at[buf_p.at[pl.ds(C0, C1)]],
                         rows_p.at[pl.ds(C0, C1)], sem)
        pltpu.async_copy(vtab_hbm.at[buf_v.at[pl.ds(0, C0)]],
                         rows_v.at[pl.ds(0, C0)], sem)
        pltpu.async_copy(vtab_hbm.at[buf_v.at[pl.ds(C0, C1)]],
                         rows_v.at[pl.ds(C0, C1)], sem)

    def wait_gather(s):
        rows_p, rows_v, sem = rbufs[s]
        pltpu.make_async_copy(ptab_hbm.at[pl.ds(0, L)], rows_p, sem).wait()
        pltpu.make_async_copy(vtab_hbm.at[pl.ds(0, L)], rows_v, sem).wait()

    def wait_out(s):
        stage, sem = obufs[s]
        pltpu.make_async_copy(ptab_hbm.at[0], stage.at[pl.ds(0, D)], sem).wait()
        pltpu.make_async_copy(ptab_hbm.at[0], stage.at[pl.ds(D, D)], sem).wait()

    def accumulate_store(s, row):
        rows_p, rows_v, _ = rbufs[s]
        stage, sem = obufs[s]
        zero = jnp.zeros((16,), jnp.float32)

        def body(r, carry):
            new = []
            for c in range(8):
                new.append(carry[c] + rows_p[r, pl.ds(c * 16, 16)])
            for c in range(8):
                new.append(carry[8 + c] + rows_v[r, pl.ds(c * 16, 16)])
            return tuple(new)

        acc = lax.fori_loop(0, L, body, tuple(zero for _ in range(16)),
                            unroll=2)
        for c in range(16):
            stage[pl.ds(c * 16, 16)] = acc[c]
        pltpu.async_copy(stage, out_hbm.at[row], sem)

    def pair(g, drain_out):
        for b in (0, 1):
            s, o = b, 1 - b
            row = g + b
            wait_idx(o)
            start_gather(o)
            wait_gather(s)
            start_idx(s, row + 2)
            if drain_out:
                wait_out(s)
            accumulate_store(s, row)

    start_idx(0, base)
    start_idx(1, base + 1)
    wait_idx(0)
    start_gather(0)

    pair(base, drain_out=False)

    def outer(g2, _):
        pair(base + g2 * 2, drain_out=True)
        return 0

    lax.fori_loop(1, RPW // 2 - 1, outer, 0, unroll=False)

    wait_idx(1)
    start_gather(1)
    wait_gather(0)
    wait_out(0)
    accumulate_store(0, base + RPW - 2)
    wait_gather(1)
    wait_out(1)
    accumulate_store(1, base + RPW - 1)
    wait_out(0)
    wait_out(1)


BM = 512


def _tc_head(h_ref, len_ref, w_ref, b_ref, o_ref):
    h = h_ref[:] / len_ref[:]
    r = jnp.dot(h, w_ref[:], preferred_element_type=jnp.float32) + b_ref[:]
    m = jnp.max(r, axis=1, keepdims=True)
    z = r - m
    s = jnp.sum(jnp.exp(z), axis=1, keepdims=True)
    o_ref[:] = z - jnp.log(s)


def kernel(x_p, x_v, x_len, P_table, V_table, W, b):
    sums = _sc_pool(x_p, x_v, P_table, V_table)
    lens = x_len.astype(jnp.float32)
    return pl.pallas_call(
        _tc_head,
        grid=(B // BM,),
        in_specs=[
            pl.BlockSpec((BM, 2 * D), lambda i: (i, 0)),
            pl.BlockSpec((BM, 1), lambda i: (i, 0)),
            pl.BlockSpec((2 * D, OUT), lambda i: (0, 0)),
            pl.BlockSpec((1, OUT), lambda i: (0, 0)),
        ],
        out_specs=pl.BlockSpec((BM, OUT), lambda i: (i, 0)),
        out_shape=jax.ShapeDtypeStruct((B, OUT), jnp.float32),
    )(sums, lens, W, b.reshape(1, OUT))

# --- scband reference (transcript-rebuilt; emitter-appended) ---
"""Pipeline reference for scband-fast-text-14714557956201 (READ-ONLY COPY).

The authoritative reference and input builder live on the scoring server;
editing this copy changes nothing except your own understanding.
"""

import jax, jax.numpy as jnp
import numpy as np

B, L = 4096, 200
P_VOCAB, V_VOCAB, D = 1000, 100000, 128
OUT = 512


def setup_inputs(seed: int = 0) -> dict:
    key = jax.random.key(seed)
    k1, k2, k3, k4, k5, k6, k7 = jax.random.split(key, 7)
    x_p = jax.random.randint(k1, (B, L), 0, P_VOCAB, dtype=jnp.int32)
    x_v = jax.random.randint(k2, (B, L), 0, V_VOCAB, dtype=jnp.int32)
    # sequence lengths; clamp to >=1 so the division is well-defined
    x_len = jnp.maximum(jax.random.randint(k3, (B, 1), 0, L, dtype=jnp.int32), 1)
    P_table = jax.random.normal(k4, (P_VOCAB, D), dtype=jnp.float32) * 0.02
    V_table = jax.random.normal(k5, (V_VOCAB, D), dtype=jnp.float32) * 0.02
    W = jax.random.normal(k6, (2 * D, OUT), dtype=jnp.float32) * (1.0 / np.sqrt(2 * D))
    b = jax.random.normal(k7, (OUT,), dtype=jnp.float32) * 0.01
    return {"x_p": x_p, "x_v": x_v, "x_len": x_len,
            "P_table": P_table, "V_table": V_table, "W": W, "b": b}


def reference(x_p, x_v, x_len, P_table, V_table, W, b):
    # embedding lookups (gather)
    embed_p = jnp.take(P_table, x_p, axis=0)   # [B, L, D]
    embed_v = jnp.take(V_table, x_v, axis=0)   # [B, L, D]
    embed = jnp.concatenate([embed_p, embed_v], axis=-1)  # [B, L, 2D]
    hidden = embed.sum(axis=1)                 # [B, 2D]
    hidden = hidden / x_len.astype(jnp.float32)  # broadcast [B,1]
    # dropout with p=0.0 is identity
    res = hidden @ W + b                       # [B, OUT]
    return jax.nn.log_softmax(res, axis=-1)

if __name__ == "__main__":
    import jax
    _d = setup_inputs()
    print(jax.jit(kernel)(*tuple(_d.values())))

</pallas_src>

<mosaic_0001>
#map = affine_map<(d0, d1) -> (0, 0)>
module attributes {stable_mosaic.version = 14 : i64} {
  func.func @_sc_pool(%arg0: i32, %arg1: i32, %arg2: memref<4096x200xi32, #tpu.memory_space<hbm>>, %arg3: memref<4096x200xi32, #tpu.memory_space<hbm>>, %arg4: memref<1000x128xf32, #tpu.memory_space<hbm>>, %arg5: memref<100000x128xf32, #tpu.memory_space<hbm>>, %arg6: memref<4096x256xf32, #tpu.memory_space<hbm>>, %arg7: memref<200xi32, #tpu.memory_space<vmem>>, %arg8: memref<200xi32, #tpu.memory_space<vmem>>, %arg9: memref<200xi32, #tpu.memory_space<vmem>>, %arg10: memref<200xi32, #tpu.memory_space<vmem>>, %arg11: memref<200x128xf32, #tpu.memory_space<vmem>>, %arg12: memref<200x128xf32, #tpu.memory_space<vmem>>, %arg13: memref<200x128xf32, #tpu.memory_space<vmem>>, %arg14: memref<200x128xf32, #tpu.memory_space<vmem>>, %arg15: memref<256xf32, #tpu.memory_space<vmem>>, %arg16: memref<256xf32, #tpu.memory_space<vmem>>, %arg17: memref<!tpu.dma_semaphore, #tpu.memory_space<semaphore_mem>>, %arg18: memref<!tpu.dma_semaphore, #tpu.memory_space<semaphore_mem>>, %arg19: memref<!tpu.dma_semaphore, #tpu.memory_space<semaphore_mem>>, %arg20: memref<!tpu.dma_semaphore, #tpu.memory_space<semaphore_mem>>, %arg21: memref<!tpu.dma_semaphore, #tpu.memory_space<semaphore_mem>>, %arg22: memref<!tpu.dma_semaphore, #tpu.memory_space<semaphore_mem>>) attributes {dimension_semantics = [#tpu.dimension_semantics<core_parallel>, #tpu.dimension_semantics<subcore_parallel>], iteration_bounds = array<i64: 2, 16>, scalar_prefetch = 0 : i64, scratch_operands = 16 : i64, tpu.core_type = #tpu.core_type<sc_vector_subcore>, window_params = [{transform_indices = #map}, {transform_indices = #map}, {transform_indices = #map}, {transform_indices = #map}, {transform_indices = #map}]} {
    %mul3A = arith.constant 2 : i32
    %mul3A_0 = arith.muli %arg1, %mul3A : i32
    %add3A = arith.addi %mul3A_0, %arg0 : i32
    %mul3A_1 = arith.constant 128 : i32
    %mul3A_2 = arith.muli %add3A, %mul3A_1 : i32
    %dma_start3A = arith.constant 0 : i32
    %dma_start3A_3 = tpu.memref_slice %arg2[%mul3A_2, %dma_start3A] : memref<4096x200xi32, #tpu.memory_space<hbm>> -> memref<1x200xi32, #tpu.memory_space<hbm>>
    %dma_start3A_4 = tpu.memref_squeeze %dma_start3A_3 : memref<1x200xi32, #tpu.memory_space<hbm>> -> memref<200xi32, #tpu.memory_space<hbm>>
    %dma_start3A_5 = arith.constant 0 : i32
    %dma_start3A_6 = tpu.memref_slice %arg2[%mul3A_2, %dma_start3A_5] : memref<4096x200xi32, #tpu.memory_space<hbm>> -> memref<1x200xi32, #tpu.memory_space<hbm>>
    %dma_start3A_7 = tpu.memref_squeeze %dma_start3A_6 : memref<1x200xi32, #tpu.memory_space<hbm>> -> memref<200xi32, #tpu.memory_space<hbm>>
    tpu.enqueue_dma source(%dma_start3A_7 : memref<200xi32, #tpu.memory_space<hbm>>) target(%arg7 : memref<200xi32, #tpu.memory_space<vmem>>) target_semaphore(%arg19 : memref<!tpu.dma_semaphore, #tpu.memory_space<semaphore_mem>>)
    %dma_start3A_8 = arith.constant 0 : i32
    %dma_start3A_9 = tpu.memref_slice %arg3[%mul3A_2, %dma_start3A_8] : memref<4096x200xi32, #tpu.memory_space<hbm>> -> memref<1x200xi32, #tpu.memory_space<hbm>>
    %dma_start3A_10 = tpu.memref_squeeze %dma_start3A_9 : memref<1x200xi32, #tpu.memory_space<hbm>> -> memref<200xi32, #tpu.memory_space<hbm>>
    %dma_start3A_11 = arith.constant 0 : i32
    %dma_start3A_12 = tpu.memref_slice %arg3[%mul3A_2, %dma_start3A_11] : memref<4096x200xi32, #tpu.memory_space<hbm>> -> memref<1x200xi32, #tpu.memory_space<hbm>>
    %dma_start3A_13 = tpu.memref_squeeze %dma_start3A_12 : memref<1x200xi32, #tpu.memory_space<hbm>> -> memref<200xi32, #tpu.memory_space<hbm>>
    tpu.enqueue_dma source(%dma_start3A_13 : memref<200xi32, #tpu.memory_space<hbm>>) target(%arg9 : memref<200xi32, #tpu.memory_space<vmem>>) target_semaphore(%arg19 : memref<!tpu.dma_semaphore, #tpu.memory_space<semaphore_mem>>)
    %add3A_14 = arith.constant 1 : i32
    %add3A_15 = arith.addi %mul3A_2, %add3A_14 : i32
    %dma_start3A_16 = arith.constant 0 : i32
    %dma_start3A_17 = tpu.memref_slice %arg2[%add3A_15, %dma_start3A_16] : memref<4096x200xi32, #tpu.memory_space<hbm>> -> memref<1x200xi32, #tpu.memory_space<hbm>>
    %dma_start3A_18 = tpu.memref_squeeze %dma_start3A_17 : memref<1x200xi32, #tpu.memory_space<hbm>> -> memref<200xi32, #tpu.memory_space<hbm>>
    %dma_start3A_19 = arith.constant 0 : i32
    %dma_start3A_20 = tpu.memref_slice %arg2[%add3A_15, %dma_start3A_19] : memref<4096x200xi32, #tpu.memory_space<hbm>> -> memref<1x200xi32, #tpu.memory_space<hbm>>
    %dma_start3A_21 = tpu.memref_squeeze %dma_start3A_20 : memref<1x200xi32, #tpu.memory_space<hbm>> -> memref<200xi32, #tpu.memory_space<hbm>>
    tpu.enqueue_dma source(%dma_start3A_21 : memref<200xi32, #tpu.memory_space<hbm>>) target(%arg8 : memref<200xi32, #tpu.memory_space<vmem>>) target_semaphore(%arg20 : memref<!tpu.dma_semaphore, #tpu.memory_space<semaphore_mem>>)
    %dma_start3A_22 = arith.constant 0 : i32
    %dma_start3A_23 = tpu.memref_slice %arg3[%add3A_15, %dma_start3A_22] : memref<4096x200xi32, #tpu.memory_space<hbm>> -> memref<1x200xi32, #tpu.memory_space<hbm>>
    %dma_start3A_24 = tpu.memref_squeeze %dma_start3A_23 : memref<1x200xi32, #tpu.memory_space<hbm>> -> memref<200xi32, #tpu.memory_space<hbm>>
    %dma_start3A_25 = arith.constant 0 : i32
    %dma_start3A_26 = tpu.memref_slice %arg3[%add3A_15, %dma_start3A_25] : memref<4096x200xi32, #tpu.memory_space<hbm>> -> memref<1x200xi32, #tpu.memory_space<hbm>>
    %dma_start3A_27 = tpu.memref_squeeze %dma_start3A_26 : memref<1x200xi32, #tpu.memory_space<hbm>> -> memref<200xi32, #tpu.memory_space<hbm>>
    tpu.enqueue_dma source(%dma_start3A_27 : memref<200xi32, #tpu.memory_space<hbm>>) target(%arg10 : memref<200xi32, #tpu.memory_space<vmem>>) target_semaphore(%arg20 : memref<!tpu.dma_semaphore, #tpu.memory_space<semaphore_mem>>)
    %dma_wait3A = arith.constant 0 : i32
    %dma_wait3A_28 = arith.constant 0 : i32
    %dma_wait3A_29 = tpu.memref_slice %arg2[%dma_wait3A, %dma_wait3A_28] : memref<4096x200xi32, #tpu.memory_space<hbm>> -> memref<1x200xi32, #tpu.memory_space<hbm>>
    %dma_wait3A_30 = tpu.memref_squeeze %dma_wait3A_29 : memref<1x200xi32, #tpu.memory_space<hbm>> -> memref<200xi32, #tpu.memory_space<hbm>>
    %dma_wait3A_31 = arith.constant 0 : i32
    %dma_wait3A_32 = tpu.memref_slice %arg2[%dma_wait3A, %dma_wait3A_31] : memref<4096x200xi32, #tpu.memory_space<hbm>> -> memref<1x200xi32, #tpu.memory_space<hbm>>
    %dma_wait3A_33 = tpu.memref_squeeze %dma_wait3A_32 : memref<1x200xi32, #tpu.memory_space<hbm>> -> memref<200xi32, #tpu.memory_space<hbm>>
    tpu.wait_dma2 semaphore(%arg19 : memref<!tpu.dma_semaphore, #tpu.memory_space<semaphore_mem>>) src(%dma_wait3A_33 : memref<200xi32, #tpu.memory_space<hbm>>) dst(%arg7 : memref<200xi32, #tpu.memory_space<vmem>>)
    %dma_wait3A_34 = arith.constant 0 : i32
    %dma_wait3A_35 = arith.constant 0 : i32
    %dma_wait3A_36 = tpu.memref_slice %arg3[%dma_wait3A_34, %dma_wait3A_35] : memref<4096x200xi32, #tpu.memory_space<hbm>> -> memref<1x200xi32, #tpu.memory_space<hbm>>
    %dma_wait3A_37 = tpu.memref_squeeze %dma_wait3A_36 : memref<1x200xi32, #tpu.memory_space<hbm>> -> memref<200xi32, #tpu.memory_space<hbm>>
    %dma_wait3A_38 = arith.constant 0 : i32
    %dma_wait3A_39 = tpu.memref_slice %arg3[%dma_wait3A_34, %dma_wait3A_38] : memref<4096x200xi32, #tpu.memory_space<hbm>> -> memref<1x200xi32, #tpu.memory_space<hbm>>
    %dma_wait3A_40 = tpu.memref_squeeze %dma_wait3A_39 : memref<1x200xi32, #tpu.memory_space<hbm>> -> memref<200xi32, #tpu.memory_space<hbm>>
    tpu.wait_dma2 semaphore(%arg19 : memref<!tpu.dma_semaphore, #tpu.memory_space<semaphore_mem>>) src(%dma_wait3A_40 : memref<200xi32, #tpu.memory_space<hbm>>) dst(%arg9 : memref<200xi32, #tpu.memory_space<vmem>>)
    %dma_start3A_41 = arith.constant 0 : i32
    %dma_start3A_42 = arith.constant 0 : i32
    %dma_start3A_43 = tpu.memref_slice %arg11[%dma_start3A_41, %dma_start3A_42] : memref<200x128xf32, #tpu.memory_space<vmem>> -> memref<128x128xf32, #tpu.memory_space<vmem>>
    %dma_start3A_44 = arith.constant 0 : i32
    %dma_start3A_45 = tpu.memref_slice %arg7[%dma_start3A_44] : memref<200xi32, #tpu.memory_space<vmem>> -> memref<128xi32, #tpu.memory_space<vmem>>
    %dma_start3A_46 = arith.constant 0 : i32
    %dma_start3A_47 = arith.constant 0 : i32
    %dma_start3A_48 = tpu.memref_slice %arg4[%dma_start3A_46, %dma_start3A_47] : memref<1000x128xf32, #tpu.memory_space<hbm>> -> memref<1000x128xf32, #tpu.memory_space<hbm>>
    tpu.enqueue_indirect_dma source(%dma_start3A_48 : memref<1000x128xf32, #tpu.memory_space<hbm>>) target(%dma_start3A_43 : memref<128x128xf32, #tpu.memory_space<vmem>>) offsets(%dma_start3A_45 : memref<128xi32, #tpu.memory_space<vmem>>) semaphore(%arg17 : memref<!tpu.dma_semaphore, #tpu.memory_space<semaphore_mem>>)
    %dma_start3A_49 = arith.constant 128 : i32
    %dma_start3A_50 = arith.constant 0 : i32
    %dma_start3A_51 = tpu.memref_slice %arg11[%dma_start3A_49, %dma_start3A_50] : memref<200x128xf32, #tpu.memory_space<vmem>> -> memref<72x128xf32, #tpu.memory_space<vmem>>
    %dma_start3A_52 = arith.constant 128 : i32
    %dma_start3A_53 = tpu.memref_slice %arg7[%dma_start3A_52] : memref<200xi32, #tpu.memory_space<vmem>> -> memref<72xi32, #tpu.memory_space<vmem>>
    %dma_start3A_54 = arith.constant 0 : i32
    %dma_start3A_55 = arith.constant 0 : i32
    %dma_start3A_56 = tpu.memref_slice %arg4[%dma_start3A_54, %dma_start3A_55] : memref<1000x128xf32, #tpu.memory_space<hbm>> -> memref<1000x128xf32, #tpu.memory_space<hbm>>
    tpu.enqueue_indirect_dma source(%dma_start3A_56 : memref<1000x128xf32, #tpu.memory_space<hbm>>) target(%dma_start3A_51 : memref<72x128xf32, #tpu.memory_space<vmem>>) offsets(%dma_start3A_53 : memref<72xi32, #tpu.memory_space<vmem>>) semaphore(%arg17 : memref<!tpu.dma_semaphore, #tpu.memory_space<semaphore_mem>>)
    %dma_start3A_57 = arith.constant 0 : i32
    %dma_start3A_58 = arith.constant 0 : i32
    %dma_start3A_59 = tpu.memref_slice %arg13[%dma_start3A_57, %dma_start3A_58] : memref<200x128xf32, #tpu.memory_space<vmem>> -> memref<128x128xf32, #tpu.memory_space<vmem>>
    %dma_start3A_60 = arith.constant 0 : i32
    %dma_start3A_61 = tpu.memref_slice %arg9[%dma_start3A_60] : memref<200xi32, #tpu.memory_space<vmem>> -> memref<128xi32, #tpu.memory_space<vmem>>
    %dma_start3A_62 = arith.constant 0 : i32
    %dma_start3A_63 = arith.constant 0 : i32
    %dma_start3A_64 = tpu.memref_slice %arg5[%dma_start3A_62, %dma_start3A_63] : memref<100000x128xf32, #tpu.memory_space<hbm>> -> memref<100000x128xf32, #tpu.memory_space<hbm>>
    tpu.enqueue_indirect_dma source(%dma_start3A_64 : memref<100000x128xf32, #tpu.memory_space<hbm>>) target(%dma_start3A_59 : memref<128x128xf32, #tpu.memory_space<vmem>>) offsets(%dma_start3A_61 : memref<128xi32, #tpu.memory_space<vmem>>) semaphore(%arg17 : memref<!tpu.dma_semaphore, #tpu.memory_space<semaphore_mem>>)
    %dma_start3A_65 = arith.constant 128 : i32
    %dma_start3A_66 = arith.constant 0 : i32
    %dma_start3A_67 = tpu.memref_slice %arg13[%dma_start3A_65, %dma_start3A_66] : memref<200x128xf32, #tpu.memory_space<vmem>> -> memref<72x128xf32, #tpu.memory_space<vmem>>
    %dma_start3A_68 = arith.constant 128 : i32
    %dma_start3A_69 = tpu.memref_slice %arg9[%dma_start3A_68] : memref<200xi32, #tpu.memory_space<vmem>> -> memref<72xi32, #tpu.memory_space<vmem>>
    %dma_start3A_70 = arith.constant 0 : i32
    %dma_start3A_71 = arith.constant 0 : i32
    %dma_start3A_72 = tpu.memref_slice %arg5[%dma_start3A_70, %dma_start3A_71] : memref<100000x128xf32, #tpu.memory_space<hbm>> -> memref<100000x128xf32, #tpu.memory_space<hbm>>
    tpu.enqueue_indirect_dma source(%dma_start3A_72 : memref<100000x128xf32, #tpu.memory_space<hbm>>) target(%dma_start3A_67 : memref<72x128xf32, #tpu.memory_space<vmem>>) offsets(%dma_start3A_69 : memref<72xi32, #tpu.memory_space<vmem>>) semaphore(%arg17 : memref<!tpu.dma_semaphore, #tpu.memory_space<semaphore_mem>>)
    %add3A_73 = arith.constant 0 : i32
    %add3A_74 = arith.addi %mul3A_2, %add3A_73 : i32
    %dma_wait3A_75 = arith.constant 0 : i32
    %dma_wait3A_76 = arith.constant 0 : i32
    %dma_wait3A_77 = tpu.memref_slice %arg2[%dma_wait3A_75, %dma_wait3A_76] : memref<4096x200xi32, #tpu.memory_space<hbm>> -> memref<1x200xi32, #tpu.memory_space<hbm>>
    %dma_wait3A_78 = tpu.memref_squeeze %dma_wait3A_77 : memref<1x200xi32, #tpu.memory_space<hbm>> -> memref<200xi32, #tpu.memory_space<hbm>>
    %dma_wait3A_79 = arith.constant 0 : i32
    %dma_wait3A_80 = tpu.memref_slice %arg2[%dma_wait3A_75, %dma_wait3A_79] : memref<4096x200xi32, #tpu.memory_space<hbm>> -> memref<1x200xi32, #tpu.memory_space<hbm>>
    %dma_wait3A_81 = tpu.memref_squeeze %dma_wait3A_80 : memref<1x200xi32, #tpu.memory_space<hbm>> -> memref<200xi32, #tpu.memory_space<hbm>>
    tpu.wait_dma2 semaphore(%arg20 : memref<!tpu.dma_semaphore, #tpu.memory_space<semaphore_mem>>) src(%dma_wait3A_81 : memref<200xi32, #tpu.memory_space<hbm>>) dst(%arg8 : memref<200xi32, #tpu.memory_space<vmem>>)
    %dma_wait3A_82 = arith.constant 0 : i32
    %dma_wait3A_83 = arith.constant 0 : i32
    %dma_wait3A_84 = tpu.memref_slice %arg3[%dma_wait3A_82, %dma_wait3A_83] : memref<4096x200xi32, #tpu.memory_space<hbm>> -> memref<1x200xi32, #tpu.memory_space<hbm>>
    %dma_wait3A_85 = tpu.memref_squeeze %dma_wait3A_84 : memref<1x200xi32, #tpu.memory_space<hbm>> -> memref<200xi32, #tpu.memory_space<hbm>>
    %dma_wait3A_86 = arith.constant 0 : i32
    %dma_wait3A_87 = tpu.memref_slice %arg3[%dma_wait3A_82, %dma_wait3A_86] : memref<4096x200xi32, #tpu.memory_space<hbm>> -> memref<1x200xi32, #tpu.memory_space<hbm>>
    %dma_wait3A_88 = tpu.memref_squeeze %dma_wait3A_87 : memref<1x200xi32, #tpu.memory_space<hbm>> -> memref<200xi32, #tpu.memory_space<hbm>>
    tpu.wait_dma2 semaphore(%arg20 : memref<!tpu.dma_semaphore, #tpu.memory_space<semaphore_mem>>) src(%dma_wait3A_88 : memref<200xi32, #tpu.memory_space<hbm>>) dst(%arg10 : memref<200xi32, #tpu.memory_space<vmem>>)
    %dma_start3A_89 = arith.constant 0 : i32
    %dma_start3A_90 = arith.constant 0 : i32
    %dma_start3A_91 = tpu.memref_slice %arg12[%dma_start3A_89, %dma_start3A_90] : memref<200x128xf32, #tpu.memory_space<vmem>> -> memref<128x128xf32, #tpu.memory_space<vmem>>
    %dma_start3A_92 = arith.constant 0 : i32
    %dma_start3A_93 = tpu.memref_slice %arg8[%dma_start3A_92] : memref<200xi32, #tpu.memory_space<vmem>> -> memref<128xi32, #tpu.memory_space<vmem>>
    %dma_start3A_94 = arith.constant 0 : i32
    %dma_start3A_95 = arith.constant 0 : i32
    %dma_start3A_96 = tpu.memref_slice %arg4[%dma_start3A_94, %dma_start3A_95] : memref<1000x128xf32, #tpu.memory_space<hbm>> -> memref<1000x128xf32, #tpu.memory_space<hbm>>
    tpu.enqueue_indirect_dma source(%dma_start3A_96 : memref<1000x128xf32, #tpu.memory_space<hbm>>) target(%dma_start3A_91 : memref<128x128xf32, #tpu.memory_space<vmem>>) offsets(%dma_start3A_93 : memref<128xi32, #tpu.memory_space<vmem>>) semaphore(%arg18 : memref<!tpu.dma_semaphore, #tpu.memory_space<semaphore_mem>>)
    %dma_start3A_97 = arith.constant 128 : i32
    %dma_start3A_98 = arith.constant 0 : i32
    %dma_start3A_99 = tpu.memref_slice %arg12[%dma_start3A_97, %dma_start3A_98] : memref<200x128xf32, #tpu.memory_space<vmem>> -> memref<72x128xf32, #tpu.memory_space<vmem>>
    %dma_start3A_100 = arith.constant 128 : i32
    %dma_start3A_101 = tpu.memref_slice %arg8[%dma_start3A_100] : memref<200xi32, #tpu.memory_space<vmem>> -> memref<72xi32, #tpu.memory_space<vmem>>
    %dma_start3A_102 = arith.constant 0 : i32
    %dma_start3A_103 = arith.constant 0 : i32
    %dma_start3A_104 = tpu.memref_slice %arg4[%dma_start3A_102, %dma_start3A_103] : memref<1000x128xf32, #tpu.memory_space<hbm>> -> memref<1000x128xf32, #tpu.memory_space<hbm>>
    tpu.enqueue_indirect_dma source(%dma_start3A_104 : memref<1000x128xf32, #tpu.memory_space<hbm>>) target(%dma_start3A_99 : memref<72x128xf32, #tpu.memory_space<vmem>>) offsets(%dma_start3A_101 : memref<72xi32, #tpu.memory_space<vmem>>) semaphore(%arg18 : memref<!tpu.dma_semaphore, #tpu.memory_space<semaphore_mem>>)
    %dma_start3A_105 = arith.constant 0 : i32
    %dma_start3A_106 = arith.constant 0 : i32
    %dma_start3A_107 = tpu.memref_slice %arg14[%dma_start3A_105, %dma_start3A_106] : memref<200x128xf32, #tpu.memory_space<vmem>> -> memref<128x128xf32, #tpu.memory_space<vmem>>
    %dma_start3A_108 = arith.constant 0 : i32
    %dma_start3A_109 = tpu.memref_slice %arg10[%dma_start3A_108] : memref<200xi32, #tpu.memory_space<vmem>> -> memref<128xi32, #tpu.memory_space<vmem>>
    %dma_start3A_110 = arith.constant 0 : i32
    %dma_start3A_111 = arith.constant 0 : i32
    %dma_start3A_112 = tpu.memref_slice %arg5[%dma_start3A_110, %dma_start3A_111] : memref<100000x128xf32, #tpu.memory_space<hbm>> -> memref<100000x128xf32, #tpu.memory_space<hbm>>
    tpu.enqueue_indirect_dma source(%dma_start3A_112 : memref<100000x128xf32, #tpu.memory_space<hbm>>) target(%dma_start3A_107 : memref<128x128xf32, #tpu.memory_space<vmem>>) offsets(%dma_start3A_109 : memref<128xi32, #tpu.memory_space<vmem>>) semaphore(%arg18 : memref<!tpu.dma_semaphore, #tpu.memory_space<semaphore_mem>>)
    %dma_start3A_113 = arith.constant 128 : i32
    %dma_start3A_114 = arith.constant 0 : i32
    %dma_start3A_115 = tpu.memref_slice %arg14[%dma_start3A_113, %dma_start3A_114] : memref<200x128xf32, #tpu.memory_space<vmem>> -> memref<72x128xf32, #tpu.memory_space<vmem>>
    %dma_start3A_116 = arith.constant 128 : i32
    %dma_start3A_117 = tpu.memref_slice %arg10[%dma_start3A_116] : memref<200xi32, #tpu.memory_space<vmem>> -> memref<72xi32, #tpu.memory_space<vmem>>
    %dma_start3A_118 = arith.constant 0 : i32
    %dma_start3A_119 = arith.constant 0 : i32
    %dma_start3A_120 = tpu.memref_slice %arg5[%dma_start3A_118, %dma_start3A_119] : memref<100000x128xf32, #tpu.memory_space<hbm>> -> memref<100000x128xf32, #tpu.memory_space<hbm>>
    tpu.enqueue_indirect_dma source(%dma_start3A_120 : memref<100000x128xf32, #tpu.memory_space<hbm>>) target(%dma_start3A_115 : memref<72x128xf32, #tpu.memory_space<vmem>>) offsets(%dma_start3A_117 : memref<72xi32, #tpu.memory_space<vmem>>) semaphore(%arg18 : memref<!tpu.dma_semaphore, #tpu.memory_space<semaphore_mem>>)
    %dma_wait3A_121 = arith.constant 0 : i32
    %dma_wait3A_122 = arith.constant 0 : i32
    %dma_wait3A_123 = tpu.memref_slice %arg4[%dma_wait3A_121, %dma_wait3A_122] : memref<1000x128xf32, #tpu.memory_space<hbm>> -> memref<200x128xf32, #tpu.memory_space<hbm>>
    %dma_wait3A_124 = arith.constant 0 : i32
    %dma_wait3A_125 = arith.constant 0 : i32
    %dma_wait3A_126 = tpu.memref_slice %arg4[%dma_wait3A_124, %dma_wait3A_125] : memref<1000x128xf32, #tpu.memory_space<hbm>> -> memref<200x128xf32, #tpu.memory_space<hbm>>
    tpu.wait_dma2 semaphore(%arg17 : memref<!tpu.dma_semaphore, #tpu.memory_space<semaphore_mem>>) src(%dma_wait3A_126 : memref<200x128xf32, #tpu.memory_space<hbm>>) dst(%arg11 : memref<200x128xf32, #tpu.memory_space<vmem>>)
    %dma_wait3A_127 = arith.constant 0 : i32
    %dma_wait3A_128 = arith.constant 0 : i32
    %dma_wait3A_129 = tpu.memref_slice %arg5[%dma_wait3A_127, %dma_wait3A_128] : memref<100000x128xf32, #tpu.memory_space<hbm>> -> memref<200x128xf32, #tpu.memory_space<hbm>>
    %dma_wait3A_130 = arith.constant 0 : i32
    %dma_wait3A_131 = arith.constant 0 : i32
    %dma_wait3A_132 = tpu.memref_slice %arg5[%dma_wait3A_130, %dma_wait3A_131] : memref<100000x128xf32, #tpu.memory_space<hbm>> -> memref<200x128xf32, #tpu.memory_space<hbm>>
    tpu.wait_dma2 semaphore(%arg17 : memref<!tpu.dma_semaphore, #tpu.memory_space<semaphore_mem>>) src(%dma_wait3A_132 : memref<200x128xf32, #tpu.memory_space<hbm>>) dst(%arg13 : memref<200x128xf32, #tpu.memory_space<vmem>>)
    %add3A_133 = arith.constant 2 : i32
    %add3A_134 = arith.addi %add3A_74, %add3A_133 : i32
    %dma_start3A_135 = arith.constant 0 : i32
    %dma_start3A_136 = tpu.memref_slice %arg2[%add3A_134, %dma_start3A_135] : memref<4096x200xi32, #tpu.memory_space<hbm>> -> memref<1x200xi32, #tpu.memory_space<hbm>>
    %dma_start3A_137 = tpu.memref_squeeze %dma_start3A_136 : memref<1x200xi32, #tpu.memory_space<hbm>> -> memref<200xi32, #tpu.memory_space<hbm>>
    %dma_start3A_138 = arith.constant 0 : i32
    %dma_start3A_139 = tpu.memref_slice %arg2[%add3A_134, %dma_start3A_138] : memref<4096x200xi32, #tpu.memory_space<hbm>> -> memref<1x200xi32, #tpu.memory_space<hbm>>
    %dma_start3A_140 = tpu.memref_squeeze %dma_start3A_139 : memref<1x200xi32, #tpu.memory_space<hbm>> -> memref<200xi32, #tpu.memory_space<hbm>>
    tpu.enqueue_dma source(%dma_start3A_140 : memref<200xi32, #tpu.memory_space<hbm>>) target(%arg7 : memref<200xi32, #tpu.memory_space<vmem>>) target_semaphore(%arg19 : memref<!tpu.dma_semaphore, #tpu.memory_space<semaphore_mem>>)
    %dma_start3A_141 = arith.constant 0 : i32
    %dma_start3A_142 = tpu.memref_slice %arg3[%add3A_134, %dma_start3A_141] : memref<4096x200xi32, #tpu.memory_space<hbm>> -> memref<1x200xi32, #tpu.memory_space<hbm>>
    %dma_start3A_143 = tpu.memref_squeeze %dma_start3A_142 : memref<1x200xi32, #tpu.memory_space<hbm>> -> memref<200xi32, #tpu.memory_space<hbm>>
    %dma_start3A_144 = arith.constant 0 : i32
    %dma_start3A_145 = tpu.memref_slice %arg3[%add3A_134, %dma_start3A_144] : memref<4096x200xi32, #tpu.memory_space<hbm>> -> memref<1x200xi32, #tpu.memory_space<hbm>>
    %dma_start3A_146 = tpu.memref_squeeze %dma_start3A_145 : memref<1x200xi32, #tpu.memory_space<hbm>> -> memref<200xi32, #tpu.memory_space<hbm>>
    tpu.enqueue_dma source(%dma_start3A_146 : memref<200xi32, #tpu.memory_space<hbm>>) target(%arg9 : memref<200xi32, #tpu.memory_space<vmem>>) target_semaphore(%arg19 : memref<!tpu.dma_semaphore, #tpu.memory_space<semaphore_mem>>)
    %broadcast_in_dim3A = arith.constant 0.000000e+00 : f32
    %broadcast_in_dim3A_147 = vector.broadcast %broadcast_in_dim3A : f32 to vector<16xf32>
    %scan3A = arith.constant 0 : i32
    %scan3A_148 = arith.constant 200 : i32
    %scan3A_149 = arith.addi %scan3A, %scan3A_148 : i32
    %scan3A_150 = arith.constant 2 : i32
    %scan3A_151:16 = scf.for %scan3A_702 = %scan3A to %scan3A_149 step %scan3A_150 iter_args(%scan3A_703 = %broadcast_in_dim3A_147, %scan3A_704 = %broadcast_in_dim3A_147, %scan3A_705 = %broadcast_in_dim3A_147, %scan3A_706 = %broadcast_in_dim3A_147, %scan3A_707 = %broadcast_in_dim3A_147, %scan3A_708 = %broadcast_in_dim3A_147, %scan3A_709 = %broadcast_in_dim3A_147, %scan3A_710 = %broadcast_in_dim3A_147, %scan3A_711 = %broadcast_in_dim3A_147, %scan3A_712 = %broadcast_in_dim3A_147, %scan3A_713 = %broadcast_in_dim3A_147, %scan3A_714 = %broadcast_in_dim3A_147, %scan3A_715 = %broadcast_in_dim3A_147, %scan3A_716 = %broadcast_in_dim3A_147, %scan3A_717 = %broadcast_in_dim3A_147, %scan3A_718 = %broadcast_in_dim3A_147) -> (vector<16xf32>, vector<16xf32>, vector<16xf32>, vector<16xf32>, vector<16xf32>, vector<16xf32>, vector<16xf32>, vector<16xf32>, vector<16xf32>, vector<16xf32>, vector<16xf32>, vector<16xf32>, vector<16xf32>, vector<16xf32>, vector<16xf32>, vector<16xf32>)  : i32 {
      %get3A = arith.index_cast %scan3A_702 : i32 to index
      %get3A_719 = arith.constant 0 : index
      %get3A_720 = tpu.vector_load %arg11[%get3A, %get3A_719] {strides = array<i32>} : memref<200x128xf32, #tpu.memory_space<vmem>>, vector<1x16xf32>,
      %get3A_721 = vector.shape_cast %get3A_720 : vector<1x16xf32> to vector<16xf32>
      %add3A_722 = arith.addf %scan3A_703, %get3A_721 : vector<16xf32>
      %get3A_723 = arith.index_cast %scan3A_702 : i32 to index
      %get3A_724 = arith.constant 16 : index
      %get3A_725 = tpu.vector_load %arg11[%get3A_723, %get3A_724] {strides = array<i32>} : memref<200x128xf32, #tpu.memory_space<vmem>>, vector<1x16xf32>,
      %get3A_726 = vector.shape_cast %get3A_725 : vector<1x16xf32> to vector<16xf32>
      %add3A_727 = arith.addf %scan3A_704, %get3A_726 : vector<16xf32>
      %get3A_728 = arith.index_cast %scan3A_702 : i32 to index
      %get3A_729 = arith.constant 32 : index
      %get3A_730 = tpu.vector_load %arg11[%get3A_728, %get3A_729] {strides = array<i32>} : memref<200x128xf32, #tpu.memory_space<vmem>>, vector<1x16xf32>,
      %get3A_731 = vector.shape_cast %get3A_730 : vector<1x16xf32> to vector<16xf32>
      %add3A_732 = arith.addf %scan3A_705, %get3A_731 : vector<16xf32>
      %get3A_733 = arith.index_cast %scan3A_702 : i32 to index
      %get3A_734 = arith.constant 48 : index
      %get3A_735 = tpu.vector_load %arg11[%get3A_733, %get3A_734] {strides = array<i32>} : memref<200x128xf32, #tpu.memory_space<vmem>>, vector<1x16xf32>,
      %get3A_736 = vector.shape_cast %get3A_735 : vector<1x16xf32> to vector<16xf32>
      %add3A_737 = arith.addf %scan3A_706, %get3A_736 : vector<16xf32>
      %get3A_738 = arith.index_cast %scan3A_702 : i32 to index
      %get3A_739 = arith.constant 64 : index
      %get3A_740 = tpu.vector_load %arg11[%get3A_738, %get3A_739] {strides = array<i32>} : memref<200x128xf32, #tpu.memory_space<vmem>>, vector<1x16xf32>,
      %get3A_741 = vector.shape_cast %get3A_740 : vector<1x16xf32> to vector<16xf32>
      %add3A_742 = arith.addf %scan3A_707, %get3A_741 : vector<16xf32>
      %get3A_743 = arith.index_cast %scan3A_702 : i32 to index
      %get3A_744 = arith.constant 80 : index
      %get3A_745 = tpu.vector_load %arg11[%get3A_743, %get3A_744] {strides = array<i32>} : memref<200x128xf32, #tpu.memory_space<vmem>>, vector<1x16xf32>,
      %get3A_746 = vector.shape_cast %get3A_745 : vector<1x16xf32> to vector<16xf32>
      %add3A_747 = arith.addf %scan3A_708, %get3A_746 : vector<16xf32>
      %get3A_748 = arith.index_cast %scan3A_702 : i32 to index
      %get3A_749 = arith.constant 96 : index
      %get3A_750 = tpu.vector_load %arg11[%get3A_748, %get3A_749] {strides = array<i32>} : memref<200x128xf32, #tpu.memory_space<vmem>>, vector<1x16xf32>,
      %get3A_751 = vector.shape_cast %get3A_750 : vector<1x16xf32> to vector<16xf32>
      %add3A_752 = arith.addf %scan3A_709, %get3A_751 : vector<16xf32>
      %get3A_753 = arith.index_cast %scan3A_702 : i32 to index
      %get3A_754 = arith.constant 112 : index
      %get3A_755 = tpu.vector_load %arg11[%get3A_753, %get3A_754] {strides = array<i32>} : memref<200x128xf32, #tpu.memory_space<vmem>>, vector<1x16xf32>,
      %get3A_756 = vector.shape_cast %get3A_755 : vector<1x16xf32> to vector<16xf32>
      %add3A_757 = arith.addf %scan3A_710, %get3A_756 : vector<16xf32>
      %get3A_758 = arith.index_cast %scan3A_702 : i32 to index
      %get3A_759 = arith.constant 0 : index
      %get3A_760 = tpu.vector_load %arg13[%get3A_758, %get3A_759] {strides = array<i32>} : memref<200x128xf32, #tpu.memory_space<vmem>>, vector<1x16xf32>,
      %get3A_761 = vector.shape_cast %get3A_760 : vector<1x16xf32> to vector<16xf32>
      %add3A_762 = arith.addf %scan3A_711, %get3A_761 : vector<16xf32>
      %get3A_763 = arith.index_cast %scan3A_702 : i32 to index
      %get3A_764 = arith.constant 16 : index
      %get3A_765 = tpu.vector_load %arg13[%get3A_763, %get3A_764] {strides = array<i32>} : memref<200x128xf32, #tpu.memory_space<vmem>>, vector<1x16xf32>,
      %get3A_766 = vector.shape_cast %get3A_765 : vector<1x16xf32> to vector<16xf32>
      %add3A_767 = arith.addf %scan3A_712, %get3A_766 : vector<16xf32>
      %get3A_768 = arith.index_cast %scan3A_702 : i32 to index
      %get3A_769 = arith.constant 32 : index
      %get3A_770 = tpu.vector_load %arg13[%get3A_768, %get3A_769] {strides = array<i32>} : memref<200x128xf32, #tpu.memory_space<vmem>>, vector<1x16xf32>,
      %get3A_771 = vector.shape_cast %get3A_770 : vector<1x16xf32> to vector<16xf32>
      %add3A_772 = arith.addf %scan3A_713, %get3A_771 : vector<16xf32>
      %get3A_773 = arith.index_cast %scan3A_702 : i32 to index
      %get3A_774 = arith.constant 48 : index
      %get3A_775 = tpu.vector_load %arg13[%get3A_773, %get3A_774] {strides = array<i32>} : memref<200x128xf32, #tpu.memory_space<vmem>>, vector<1x16xf32>,
      %get3A_776 = vector.shape_cast %get3A_775 : vector<1x16xf32> to vector<16xf32>
      %add3A_777 = arith.addf %scan3A_714, %get3A_776 : vector<16xf32>
      %get3A_778 = arith.index_cast %scan3A_702 : i32 to index
      %get3A_779 = arith.constant 64 : index
      %get3A_780 = tpu.vector_load %arg13[%get3A_778, %get3A_779] {strides = array<i32>} : memref<200x128xf32, #tpu.memory_space<vmem>>, vector<1x16xf32>,
      %get3A_781 = vector.shape_cast %get3A_780 : vector<1x16xf32> to vector<16xf32>
      %add3A_782 = arith.addf %scan3A_715, %get3A_781 : vector<16xf32>
      %get3A_783 = arith.index_cast %scan3A_702 : i32 to index
      %get3A_784 = arith.constant 80 : index
      %get3A_785 = tpu.vector_load %arg13[%get3A_783, %get3A_784] {strides = array<i32>} : memref<200x128xf32, #tpu.memory_space<vmem>>, vector<1x16xf32>,
      %get3A_786 = vector.shape_cast %get3A_785 : vector<1x16xf32> to vector<16xf32>
      %add3A_787 = arith.addf %scan3A_716, %get3A_786 : vector<16xf32>
      %get3A_788 = arith.index_cast %scan3A_702 : i32 to index
      %get3A_789 = arith.constant 96 : index
      %get3A_790 = tpu.vector_load %arg13[%get3A_788, %get3A_789] {strides = array<i32>} : memref<200x128xf32, #tpu.memory_space<vmem>>, vector<1x16xf32>,
      %get3A_791 = vector.shape_cast %get3A_790 : vector<1x16xf32> to vector<16xf32>
      %add3A_792 = arith.addf %scan3A_717, %get3A_791 : vector<16xf32>
      %get3A_793 = arith.index_cast %scan3A_702 : i32 to index
      %get3A_794 = arith.constant 112 : index
      %get3A_795 = tpu.vector_load %arg13[%get3A_793, %get3A_794] {strides = array<i32>} : memref<200x128xf32, #tpu.memory_space<vmem>>, vector<1x16xf32>,
      %get3A_796 = vector.shape_cast %get3A_795 : vector<1x16xf32> to vector<16xf32>
      %add3A_797 = arith.addf %scan3A_718, %get3A_796 : vector<16xf32>
      %scan3A_798 = arith.constant 1 : i32
      %scan3A_799 = arith.addi %scan3A_702, %scan3A_798 : i32
      %get3A_800 = arith.index_cast %scan3A_799 : i32 to index
      %get3A_801 = arith.constant 0 : index
      %get3A_802 = tpu.vector_load %arg11[%get3A_800, %get3A_801] {strides = array<i32>} : memref<200x128xf32, #tpu.memory_space<vmem>>, vector<1x16xf32>,
      %get3A_803 = vector.shape_cast %get3A_802 : vector<1x16xf32> to vector<16xf32>
      %add3A_804 = arith.addf %add3A_722, %get3A_803 : vector<16xf32>
      %get3A_805 = arith.index_cast %scan3A_799 : i32 to index
      %get3A_806 = arith.constant 16 : index
      %get3A_807 = tpu.vector_load %arg11[%get3A_805, %get3A_806] {strides = array<i32>} : memref<200x128xf32, #tpu.memory_space<vmem>>, vector<1x16xf32>,
      %get3A_808 = vector.shape_cast %get3A_807 : vector<1x16xf32> to vector<16xf32>
      %add3A_809 = arith.addf %add3A_727, %get3A_808 : vector<16xf32>
      %get3A_810 = arith.index_cast %scan3A_799 : i32 to index
      %get3A_811 = arith.constant 32 : index
      %get3A_812 = tpu.vector_load %arg11[%get3A_810, %get3A_811] {strides = array<i32>} : memref<200x128xf32, #tpu.memory_space<vmem>>, vector<1x16xf32>,
      %get3A_813 = vector.shape_cast %get3A_812 : vector<1x16xf32> to vector<16xf32>
      %add3A_814 = arith.addf %add3A_732, %get3A_813 : vector<16xf32>
      %get3A_815 = arith.index_cast %scan3A_799 : i32 to index
      %get3A_816 = arith.constant 48 : index
      %get3A_817 = tpu.vector_load %arg11[%get3A_815, %get3A_816] {strides = array<i32>} : memref<200x128xf32, #tpu.memory_space<vmem>>, vector<1x16xf32>,
      %get3A_818 = vector.shape_cast %get3A_817 : vector<1x16xf32> to vector<16xf32>
      %add3A_819 = arith.addf %add3A_737, %get3A_818 : vector<16xf32>
      %get3A_820 = arith.index_cast %scan3A_799 : i32 to index
      %get3A_821 = arith.constant 64 : index
      %get3A_822 = tpu.vector_load %arg11[%get3A_820, %get3A_821] {strides = array<i32>} : memref<200x128xf32, #tpu.memory_space<vmem>>, vector<1x16xf32>,
      %get3A_823 = vector.shape_cast %get3A_822 : vector<1x16xf32> to vector<16xf32>
      %add3A_824 = arith.addf %add3A_742, %get3A_823 : vector<16xf32>
      %get3A_825 = arith.index_cast %scan3A_799 : i32 to index
      %get3A_826 = arith.constant 80 : index
      %get3A_827 = tpu.vector_load %arg11[%get3A_825, %get3A_826] {strides = array<i32>} : memref<200x128xf32, #tpu.memory_space<vmem>>, vector<1x16xf32>,
      %get3A_828 = vector.shape_cast %get3A_827 : vector<1x16xf32> to vector<16xf32>
      %add3A_829 = arith.addf %add3A_747, %get3A_828 : vector<16xf32>
      %get3A_830 = arith.index_cast %scan3A_799 : i32 to index
      %get3A_831 = arith.constant 96 : index
      %get3A_832 = tpu.vector_load %arg11[%get3A_830, %get3A_831] {strides = array<i32>} : memref<200x128xf32, #tpu.memory_space<vmem>>, vector<1x16xf32>,
      %get3A_833 = vector.shape_cast %get3A_832 : vector<1x16xf32> to vector<16xf32>
      %add3A_834 = arith.addf %add3A_752, %get3A_833 : vector<16xf32>
      %get3A_835 = arith.index_cast %scan3A_799 : i32 to index
      %get3A_836 = arith.constant 112 : index
      %get3A_837 = tpu.vector_load %arg11[%get3A_835, %get3A_836] {strides = array<i32>} : memref<200x128xf32, #tpu.memory_space<vmem>>, vector<1x16xf32>,
      %get3A_838 = vector.shape_cast %get3A_837 : vector<1x16xf32> to vector<16xf32>
      %add3A_839 = arith.addf %add3A_757, %get3A_838 : vector<16xf32>
      %get3A_840 = arith.index_cast %scan3A_799 : i32 to index
      %get3A_841 = arith.constant 0 : index
      %get3A_842 = tpu.vector_load %arg13[%get3A_840, %get3A_841] {strides = array<i32>} : memref<200x128xf32, #tpu.memory_space<vmem>>, vector<1x16xf32>,
      %get3A_843 = vector.shape_cast %get3A_842 : vector<1x16xf32> to vector<16xf32>
      %add3A_844 = arith.addf %add3A_762, %get3A_843 : vector<16xf32>
      %get3A_845 = arith.index_cast %scan3A_799 : i32 to index
      %get3A_846 = arith.constant 16 : index
      %get3A_847 = tpu.vector_load %arg13[%get3A_845, %get3A_846] {strides = array<i32>} : memref<200x128xf32, #tpu.memory_space<vmem>>, vector<1x16xf32>,
      %get3A_848 = vector.shape_cast %get3A_847 : vector<1x16xf32> to vector<16xf32>
      %add3A_849 = arith.addf %add3A_767, %get3A_848 : vector<16xf32>
      %get3A_850 = arith.index_cast %scan3A_799 : i32 to index
      %get3A_851 = arith.constant 32 : index
      %get3A_852 = tpu.vector_load %arg13[%get3A_850, %get3A_851] {strides = array<i32>} : memref<200x128xf32, #tpu.memory_space<vmem>>, vector<1x16xf32>,
      %get3A_853 = vector.shape_cast %get3A_852 : vector<1x16xf32> to vector<16xf32>
      %add3A_854 = arith.addf %add3A_772, %get3A_853 : vector<16xf32>
      %get3A_855 = arith.index_cast %scan3A_799 : i32 to index
      %get3A_856 = arith.constant 48 : index
      %get3A_857 = tpu.vector_load %arg13[%get3A_855, %get3A_856] {strides = array<i32>} : memref<200x128xf32, #tpu.memory_space<vmem>>, vector<1x16xf32>,
      %get3A_858 = vector.shape_cast %get3A_857 : vector<1x16xf32> to vector<16xf32>
      %add3A_859 = arith.addf %add3A_777, %get3A_858 : vector<16xf32>
      %get3A_860 = arith.index_cast %scan3A_799 : i32 to index
      %get3A_861 = arith.constant 64 : index
      %get3A_862 = tpu.vector_load %arg13[%get3A_860, %get3A_861] {strides = array<i32>} : memref<200x128xf32, #tpu.memory_space<vmem>>, vector<1x16xf32>,
      %get3A_863 = vector.shape_cast %get3A_862 : vector<1x16xf32> to vector<16xf32>
      %add3A_864 = arith.addf %add3A_782, %get3A_863 : vector<16xf32>
      %get3A_865 = arith.index_cast %scan3A_799 : i32 to index
      %get3A_866 = arith.constant 80 : index
      %get3A_867 = tpu.vector_load %arg13[%get3A_865, %get3A_866] {strides = array<i32>} : memref<200x128xf32, #tpu.memory_space<vmem>>, vector<1x16xf32>,
      %get3A_868 = vector.shape_cast %get3A_867 : vector<1x16xf32> to vector<16xf32>
      %add3A_869 = arith.addf %add3A_787, %get3A_868 : vector<16xf32>
      %get3A_870 = arith.index_cast %scan3A_799 : i32 to index
      %get3A_871 = arith.constant 96 : index
      %get3A_872 = tpu.vector_load %arg13[%get3A_870, %get3A_871] {strides = array<i32>} : memref<200x128xf32, #tpu.memory_space<vmem>>, vector<1x16xf32>,
      %get3A_873 = vector.shape_cast %get3A_872 : vector<1x16xf32> to vector<16xf32>
      %add3A_874 = arith.addf %add3A_792, %get3A_873 : vector<16xf32>
      %get3A_875 = arith.index_cast %scan3A_799 : i32 to index
      %get3A_876 = arith.constant 112 : index
      %get3A_877 = tpu.vector_load %arg13[%get3A_875, %get3A_876] {strides = array<i32>} : memref<200x128xf32, #tpu.memory_space<vmem>>, vector<1x16xf32>,
      %get3A_878 = vector.shape_cast %get3A_877 : vector<1x16xf32> to vector<16xf32>
      %add3A_879 = arith.addf %add3A_797, %get3A_878 : vector<16xf32>
      scf.yield %add3A_804, %add3A_809, %add3A_814, %add3A_819, %add3A_824, %add3A_829, %add3A_834, %add3A_839, %add3A_844, %add3A_849, %add3A_854, %add3A_859, %add3A_864, %add3A_869, %add3A_874, %add3A_879 : vector<16xf32>, vector<16xf32>, vector<16xf32>, vector<16xf32>, vector<16xf32>, vector<16xf32>, vector<16xf32>, vector<16xf32>, vector<16xf32>, vector<16xf32>, vector<16xf32>, vector<16xf32>, vector<16xf32>, vector<16xf32>, vector<16xf32>, vector<16xf32>
    }
    %scan3A_152 = arith.constant 200 : i32
    %swap3A = arith.constant 0 : index
    %swap3A_153 = tpu.vector_load %arg15[%swap3A] {strides = array<i32>} : memref<256xf32, #tpu.memory_space<vmem>>, vector<16xf32>,
    %swap3A_154 = vector.shape_cast %swap3A_153 : vector<16xf32> to vector<16xf32>
    %swap3A_155 = vector.shape_cast %scan3A_151#0 : vector<16xf32> to vector<16xf32>
    tpu.vector_store %arg15[%swap3A], %swap3A_155 {strides = array<i32>} : memref<256xf32, #tpu.memory_space<vmem>>, vector<16xf32>,
    %swap3A_156 = arith.constant 16 : index
    %swap3A_157 = tpu.vector_load %arg15[%swap3A_156] {strides = array<i32>} : memref<256xf32, #tpu.memory_space<vmem>>, vector<16xf32>,
    %swap3A_158 = vector.shape_cast %swap3A_157 : vector<16xf32> to vector<16xf32>
    %swap3A_159 = vector.shape_cast %scan3A_151#1 : vector<16xf32> to vector<16xf32>
    tpu.vector_store %arg15[%swap3A_156], %swap3A_159 {strides = array<i32>} : memref<256xf32, #tpu.memory_space<vmem>>, vector<16xf32>,
    %swap3A_160 = arith.constant 32 : index
    %swap3A_161 = tpu.vector_load %arg15[%swap3A_160] {strides = array<i32>} : memref<256xf32, #tpu.memory_space<vmem>>, vector<16xf32>,
    %swap3A_162 = vector.shape_cast %swap3A_161 : vector<16xf32> to vector<16xf32>
    %swap3A_163 = vector.shape_cast %scan3A_151#2 : vector<16xf32> to vector<16xf32>
    tpu.vector_store %arg15[%swap3A_160], %swap3A_163 {strides = array<i32>} : memref<256xf32, #tpu.memory_space<vmem>>, vector<16xf32>,
    %swap3A_164 = arith.constant 48 : index
    %swap3A_165 = tpu.vector_load %arg15[%swap3A_164] {strides = array<i32>} : memref<256xf32, #tpu.memory_space<vmem>>, vector<16xf32>,
    %swap3A_166 = vector.shape_cast %swap3A_165 : vector<16xf32> to vector<16xf32>
    %swap3A_167 = vector.shape_cast %scan3A_151#3 : vector<16xf32> to vector<16xf32>
    tpu.vector_store %arg15[%swap3A_164], %swap3A_167 {strides = array<i32>} : memref<256xf32, #tpu.memory_space<vmem>>, vector<16xf32>,
    %swap3A_168 = arith.constant 64 : index
    %swap3A_169 = tpu.vector_load %arg15[%swap3A_168] {strides = array<i32>} : memref<256xf32, #tpu.memory_space<vmem>>, vector<16xf32>,
    %swap3A_170 = vector.shape_cast %swap3A_169 : vector<16xf32> to vector<16xf32>
    %swap3A_171 = vector.shape_cast %scan3A_151#4 : vector<16xf32> to vector<16xf32>
    tpu.vector_store %arg15[%swap3A_168], %swap3A_171 {strides = array<i32>} : memref<256xf32, #tpu.memory_space<vmem>>, vector<16xf32>,
    %swap3A_172 = arith.constant 80 : index
    %swap3A_173 = tpu.vector_load %arg15[%swap3A_172] {strides = array<i32>} : memref<256xf32, #tpu.memory_space<vmem>>, vector<16xf32>,
    %swap3A_174 = vector.shape_cast %swap3A_173 : vector<16xf32> to vector<16xf32>
    %swap3A_175 = vector.shape_cast %scan3A_151#5 : vector<16xf32> to vector<16xf32>
    tpu.vector_store %arg15[%swap3A_172], %swap3A_175 {strides = array<i32>} : memref<256xf32, #tpu.memory_space<vmem>>, vector<16xf32>,
    %swap3A_176 = arith.constant 96 : index
    %swap3A_177 = tpu.vector_load %arg15[%swap3A_176] {strides = array<i32>} : memref<256xf32, #tpu.memory_space<vmem>>, vector<16xf32>,
    %swap3A_178 = vector.shape_cast %swap3A_177 : vector<16xf32> to vector<16xf32>
    %swap3A_179 = vector.shape_cast %scan3A_151#6 : vector<16xf32> to vector<16xf32>
    tpu.vector_store %arg15[%swap3A_176], %swap3A_179 {strides = array<i32>} : memref<256xf32, #tpu.memory_space<vmem>>, vector<16xf32>,
    %swap3A_180 = arith.constant 112 : index
    %swap3A_181 = tpu.vector_load %arg15[%swap3A_180] {strides = array<i32>} : memref<256xf32, #tpu.memory_space<vmem>>, vector<16xf32>,
    %swap3A_182 = vector.shape_cast %swap3A_181 : vector<16xf32> to vector<16xf32>
    %swap3A_183 = vector.shape_cast %scan3A_151#7 : vector<16xf32> to vector<16xf32>
    tpu.vector_store %arg15[%swap3A_180], %swap3A_183 {strides = array<i32>} : memref<256xf32, #tpu.memory_space<vmem>>, vector<16xf32>,
    %swap3A_184 = arith.constant 128 : index
    %swap3A_185 = tpu.vector_load %arg15[%swap3A_184] {strides = array<i32>} : memref<256xf32, #tpu.memory_space<vmem>>, vector<16xf32>,
    %swap3A_186 = vector.shape_cast %swap3A_185 : vector<16xf32> to vector<16xf32>
    %swap3A_187 = vector.shape_cast %scan3A_151#8 : vector<16xf32> to vector<16xf32>
    tpu.vector_store %arg15[%swap3A_184], %swap3A_187 {strides = array<i32>} : memref<256xf32, #tpu.memory_space<vmem>>, vector<16xf32>,
    %swap3A_188 = arith.constant 144 : index
    %swap3A_189 = tpu.vector_load %arg15[%swap3A_188] {strides = array<i32>} : memref<256xf32, #tpu.memory_space<vmem>>, vector<16xf32>,
    %swap3A_190 = vector.shape_cast %swap3A_189 : vector<16xf32> to vector<16xf32>
    %swap3A_191 = vector.shape_cast %scan3A_151#9 : vector<16xf32> to vector<16xf32>
    tpu.vector_store %arg15[%swap3A_188], %swap3A_191 {strides = array<i32>} : memref<256xf32, #tpu.memory_space<vmem>>, vector<16xf32>,
    %swap3A_192 = arith.constant 160 : index
    %swap3A_193 = tpu.vector_load %arg15[%swap3A_192] {strides = array<i32>} : memref<256xf32, #tpu.memory_space<vmem>>, vector<16xf32>,
    %swap3A_194 = vector.shape_cast %swap3A_193 : vector<16xf32> to vector<16xf32>
    %swap3A_195 = vector.shape_cast %scan3A_151#10 : vector<16xf32> to vector<16xf32>
    tpu.vector_store %arg15[%swap3A_192], %swap3A_195 {strides = array<i32>} : memref<256xf32, #tpu.memory_space<vmem>>, vector<16xf32>,
    %swap3A_196 = arith.constant 176 : index
    %swap3A_197 = tpu.vector_load %arg15[%swap3A_196] {strides = array<i32>} : memref<256xf32, #tpu.memory_space<vmem>>, vector<16xf32>,
    %swap3A_198 = vector.shape_cast %swap3A_197 : vector<16xf32> to vector<16xf32>
    %swap3A_199 = vector.shape_cast %scan3A_151#11 : vector<16xf32> to vector<16xf32>
    tpu.vector_store %arg15[%swap3A_196], %swap3A_199 {strides = array<i32>} : memref<256xf32, #tpu.memory_space<vmem>>, vector<16xf32>,
    %swap3A_200 = arith.constant 192 : index
    %swap3A_201 = tpu.vector_load %arg15[%swap3A_200] {strides = array<i32>} : memref<256xf32, #tpu.memory_space<vmem>>, vector<16xf32>,
    %swap3A_202 = vector.shape_cast %swap3A_201 : vector<16xf32> to vector<16xf32>
    %swap3A_203 = vector.shape_cast %scan3A_151#12 : vector<16xf32> to vector<16xf32>
    tpu.vector_store %arg15[%swap3A_200], %swap3A_203 {strides = array<i32>} : memref<256xf32, #tpu.memory_space<vmem>>, vector<16xf32>,
    %swap3A_204 = arith.constant 208 : index
    %swap3A_205 = tpu.vector_load %arg15[%swap3A_204] {strides = array<i32>} : memref<256xf32, #tpu.memory_space<vmem>>, vector<16xf32>,
    %swap3A_206 = vector.shape_cast %swap3A_205 : vector<16xf32> to vector<16xf32>
    %swap3A_207 = vector.shape_cast %scan3A_151#13 : vector<16xf32> to vector<16xf32>
    tpu.vector_store %arg15[%swap3A_204], %swap3A_207 {strides = array<i32>} : memref<256xf32, #tpu.memory_space<vmem>>, vector<16xf32>,
    %swap3A_208 = arith.constant 224 : index
    %swap3A_209 = tpu.vector_load %arg15[%swap3A_208] {strides = array<i32>} : memref<256xf32, #tpu.memory_space<vmem>>, vector<16xf32>,
    %swap3A_210 = vector.shape_cast %swap3A_209 : vector<16xf32> to vector<16xf32>
    %swap3A_211 = vector.shape_cast %scan3A_151#14 : vector<16xf32> to vector<16xf32>
    tpu.vector_store %arg15[%swap3A_208], %swap3A_211 {strides = array<i32>} : memref<256xf32, #tpu.memory_space<vmem>>, vector<16xf32>,
    %swap3A_212 = arith.constant 240 : index
    %swap3A_213 = tpu.vector_load %arg15[%swap3A_212] {strides = array<i32>} : memref<256xf32, #tpu.memory_space<vmem>>, vector<16xf32>,
    %swap3A_214 = vector.shape_cast %swap3A_213 : vector<16xf32> to vector<16xf32>
    %swap3A_215 = vector.shape_cast %scan3A_151#15 : vector<16xf32> to vector<16xf32>
    tpu.vector_store %arg15[%swap3A_212], %swap3A_215 {strides = array<i32>} : memref<256xf32, #tpu.memory_space<vmem>>, vector<16xf32>,
    %dma_start3A_216 = arith.constant 0 : i32
    %dma_start3A_217 = tpu.memref_slice %arg6[%add3A_74, %dma_start3A_216] : memref<4096x256xf32, #tpu.memory_space<hbm>> -> memref<1x256xf32, #tpu.memory_space<hbm>>
    %dma_start3A_218 = tpu.memref_squeeze %dma_start3A_217 : memref<1x256xf32, #tpu.memory_space<hbm>> -> memref<256xf32, #tpu.memory_space<hbm>>
    %dma_start3A_219 = arith.constant 0 : i32
    %dma_start3A_220 = tpu.memref_slice %arg6[%add3A_74, %dma_start3A_219] : memref<4096x256xf32, #tpu.memory_space<hbm>> -> memref<1x256xf32, #tpu.memory_space<hbm>>
    %dma_start3A_221 = tpu.memref_squeeze %dma_start3A_220 : memref<1x256xf32, #tpu.memory_space<hbm>> -> memref<256xf32, #tpu.memory_space<hbm>>
    tpu.enqueue_dma source(%arg15 : memref<256xf32, #tpu.memory_space<vmem>>) target(%dma_start3A_221 : memref<256xf32, #tpu.memory_space<hbm>>) target_semaphore(%arg21 : memref<!tpu.dma_semaphore, #tpu.memory_space<semaphore_mem>>)
    %add3A_222 = arith.constant 1 : i32
    %add3A_223 = arith.addi %mul3A_2, %add3A_222 : i32
    %dma_wait3A_224 = arith.constant 0 : i32
    %dma_wait3A_225 = arith.constant 0 : i32
    %dma_wait3A_226 = tpu.memref_slice %arg2[%dma_wait3A_224, %dma_wait3A_225] : memref<4096x200xi32, #tpu.memory_space<hbm>> -> memref<1x200xi32, #tpu.memory_space<hbm>>
    %dma_wait3A_227 = tpu.memref_squeeze %dma_wait3A_226 : memref<1x200xi32, #tpu.memory_space<hbm>> -> memref<200xi32, #tpu.memory_space<hbm>>
    %dma_wait3A_228 = arith.constant 0 : i32
    %dma_wait3A_229 = tpu.memref_slice %arg2[%dma_wait3A_224, %dma_wait3A_228] : memref<4096x200xi32, #tpu.memory_space<hbm>> -> memref<1x200xi32, #tpu.memory_space<hbm>>
    %dma_wait3A_230 = tpu.memref_squeeze %dma_wait3A_229 : memref<1x200xi32, #tpu.memory_space<hbm>> -> memref<200xi32, #tpu.memory_space<hbm>>
    tpu.wait_dma2 semaphore(%arg19 : memref<!tpu.dma_semaphore, #tpu.memory_space<semaphore_mem>>) src(%dma_wait3A_230 : memref<200xi32, #tpu.memory_space<hbm>>) dst(%arg7 : memref<200xi32, #tpu.memory_space<vmem>>)
    %dma_wait3A_231 = arith.constant 0 : i32
    %dma_wait3A_232 = arith.constant 0 : i32
    %dma_wait3A_233 = tpu.memref_slice %arg3[%dma_wait3A_231, %dma_wait3A_232] : memref<4096x200xi32, #tpu.memory_space<hbm>> -> memref<1x200xi32, #tpu.memory_space<hbm>>
    %dma_wait3A_234 = tpu.memref_squeeze %dma_wait3A_233 : memref<1x200xi32, #tpu.memory_space<hbm>> -> memref<200xi32, #tpu.memory_space<hbm>>
    %dma_wait3A_235 = arith.constant 0 : i32
    %dma_wait3A_236 = tpu.memref_slice %arg3[%dma_wait3A_231, %dma_wait3A_235] : memref<4096x200xi32, #tpu.memory_space<hbm>> -> memref<1x200xi32, #tpu.memory_space<hbm>>
    %dma_wait3A_237 = tpu.memref_squeeze %dma_wait3A_236 : memref<1x200xi32, #tpu.memory_space<hbm>> -> memref<200xi32, #tpu.memory_space<hbm>>
    tpu.wait_dma2 semaphore(%arg19 : memref<!tpu.dma_semaphore, #tpu.memory_space<semaphore_mem>>) src(%dma_wait3A_237 : memref<200xi32, #tpu.memory_space<hbm>>) dst(%arg9 : memref<200xi32, #tpu.memory_space<vmem>>)
    %dma_start3A_238 = arith.constant 0 : i32
    %dma_start3A_239 = arith.constant 0 : i32
    %dma_start3A_240 = tpu.memref_slice %arg11[%dma_start3A_238, %dma_start3A_239] : memref<200x128xf32, #tpu.memory_space<vmem>> -> memref<128x128xf32, #tpu.memory_space<vmem>>
    %dma_start3A_241 = arith.constant 0 : i32
    %dma_start3A_242 = tpu.memref_slice %arg7[%dma_start3A_241] : memref<200xi32, #tpu.memory_space<vmem>> -> memref<128xi32, #tpu.memory_space<vmem>>
    %dma_start3A_243 = arith.constant 0 : i32
    %dma_start3A_244 = arith.constant 0 : i32
    %dma_start3A_245 = tpu.memref_slice %arg4[%dma_start3A_243, %dma_start3A_244] : memref<1000x128xf32, #tpu.memory_space<hbm>> -> memref<1000x128xf32, #tpu.memory_space<hbm>>
    tpu.enqueue_indirect_dma source(%dma_start3A_245 : memref<1000x128xf32, #tpu.memory_space<hbm>>) target(%dma_start3A_240 : memref<128x128xf32, #tpu.memory_space<vmem>>) offsets(%dma_start3A_242 : memref<128xi32, #tpu.memory_space<vmem>>) semaphore(%arg17 : memref<!tpu.dma_semaphore, #tpu.memory_space<semaphore_mem>>)
    %dma_start3A_246 = arith.constant 128 : i32
    %dma_start3A_247 = arith.constant 0 : i32
    %dma_start3A_248 = tpu.memref_slice %arg11[%dma_start3A_246, %dma_start3A_247] : memref<200x128xf32, #tpu.memory_space<vmem>> -> memref<72x128xf32, #tpu.memory_space<vmem>>
    %dma_start3A_249 = arith.constant 128 : i32
    %dma_start3A_250 = tpu.memref_slice %arg7[%dma_start3A_249] : memref<200xi32, #tpu.memory_space<vmem>> -> memref<72xi32, #tpu.memory_space<vmem>>
    %dma_start3A_251 = arith.constant 0 : i32
    %dma_start3A_252 = arith.constant 0 : i32
    %dma_start3A_253 = tpu.memref_slice %arg4[%dma_start3A_251, %dma_start3A_252] : memref<1000x128xf32, #tpu.memory_space<hbm>> -> memref<1000x128xf32, #tpu.memory_space<hbm>>
    tpu.enqueue_indirect_dma source(%dma_start3A_253 : memref<1000x128xf32, #tpu.memory_space<hbm>>) target(%dma_start3A_248 : memref<72x128xf32, #tpu.memory_space<vmem>>) offsets(%dma_start3A_250 : memref<72xi32, #tpu.memory_space<vmem>>) semaphore(%arg17 : memref<!tpu.dma_semaphore, #tpu.memory_space<semaphore_mem>>)
    %dma_start3A_254 = arith.constant 0 : i32
    %dma_start3A_255 = arith.constant 0 : i32
    %dma_start3A_256 = tpu.memref_slice %arg13[%dma_start3A_254, %dma_start3A_255] : memref<200x128xf32, #tpu.memory_space<vmem>> -> memref<128x128xf32, #tpu.memory_space<vmem>>
    %dma_start3A_257 = arith.constant 0 : i32
    %dma_start3A_258 = tpu.memref_slice %arg9[%dma_start3A_257] : memref<200xi32, #tpu.memory_space<vmem>> -> memref<128xi32, #tpu.memory_space<vmem>>
    %dma_start3A_259 = arith.constant 0 : i32
    %dma_start3A_260 = arith.constant 0 : i32
    %dma_start3A_261 = tpu.memref_slice %arg5[%dma_start3A_259, %dma_start3A_260] : memref<100000x128xf32, #tpu.memory_space<hbm>> -> memref<100000x128xf32, #tpu.memory_space<hbm>>
    tpu.enqueue_indirect_dma source(%dma_start3A_261 : memref<100000x128xf32, #tpu.memory_space<hbm>>) target(%dma_start3A_256 : memref<128x128xf32, #tpu.memory_space<vmem>>) offsets(%dma_start3A_258 : memref<128xi32, #tpu.memory_space<vmem>>) semaphore(%arg17 : memref<!tpu.dma_semaphore, #tpu.memory_space<semaphore_mem>>)
    %dma_start3A_262 = arith.constant 128 : i32
    %dma_start3A_263 = arith.constant 0 : i32
    %dma_start3A_264 = tpu.memref_slice %arg13[%dma_start3A_262, %dma_start3A_263] : memref<200x128xf32, #tpu.memory_space<vmem>> -> memref<72x128xf32, #tpu.memory_space<vmem>>
    %dma_start3A_265 = arith.constant 128 : i32
    %dma_start3A_266 = tpu.memref_slice %arg9[%dma_start3A_265] : memref<200xi32, #tpu.memory_space<vmem>> -> memref<72xi32, #tpu.memory_space<vmem>>
    %dma_start3A_267 = arith.constant 0 : i32
    %dma_start3A_268 = arith.constant 0 : i32
    %dma_start3A_269 = tpu.memref_slice %arg5[%dma_start3A_267, %dma_start3A_268] : memref<100000x128xf32, #tpu.memory_space<hbm>> -> memref<100000x128xf32, #tpu.memory_space<hbm>>
    tpu.enqueue_indirect_dma source(%dma_start3A_269 : memref<100000x128xf32, #tpu.memory_space<hbm>>) target(%dma_start3A_264 : memref<72x128xf32, #tpu.memory_space<vmem>>) offsets(%dma_start3A_266 : memref<72xi32, #tpu.memory_space<vmem>>) semaphore(%arg17 : memref<!tpu.dma_semaphore, #tpu.memory_space<semaphore_mem>>)
    %dma_wait3A_270 = arith.constant 0 : i32
    %dma_wait3A_271 = arith.constant 0 : i32
    %dma_wait3A_272 = tpu.memref_slice %arg4[%dma_wait3A_270, %dma_wait3A_271] : memref<1000x128xf32, #tpu.memory_space<hbm>> -> memref<200x128xf32, #tpu.memory_space<hbm>>
    %dma_wait3A_273 = arith.constant 0 : i32
    %dma_wait3A_274 = arith.constant 0 : i32
    %dma_wait3A_275 = tpu.memref_slice %arg4[%dma_wait3A_273, %dma_wait3A_274] : memref<1000x128xf32, #tpu.memory_space<hbm>> -> memref<200x128xf32, #tpu.memory_space<hbm>>
    tpu.wait_dma2 semaphore(%arg18 : memref<!tpu.dma_semaphore, #tpu.memory_space<semaphore_mem>>) src(%dma_wait3A_275 : memref<200x128xf32, #tpu.memory_space<hbm>>) dst(%arg12 : memref<200x128xf32, #tpu.memory_space<vmem>>)
    %dma_wait3A_276 = arith.constant 0 : i32
    %dma_wait3A_277 = arith.constant 0 : i32
    %dma_wait3A_278 = tpu.memref_slice %arg5[%dma_wait3A_276, %dma_wait3A_277] : memref<100000x128xf32, #tpu.memory_space<hbm>> -> memref<200x128xf32, #tpu.memory_space<hbm>>
    %dma_wait3A_279 = arith.constant 0 : i32
    %dma_wait3A_280 = arith.constant 0 : i32
    %dma_wait3A_281 = tpu.memref_slice %arg5[%dma_wait3A_279, %dma_wait3A_280] : memref<100000x128xf32, #tpu.memory_space<hbm>> -> memref<200x128xf32, #tpu.memory_space<hbm>>
    tpu.wait_dma2 semaphore(%arg18 : memref<!tpu.dma_semaphore, #tpu.memory_space<semaphore_mem>>) src(%dma_wait3A_281 : memref<200x128xf32, #tpu.memory_space<hbm>>) dst(%arg14 : memref<200x128xf32, #tpu.memory_space<vmem>>)
    %add3A_282 = arith.constant 2 : i32
    %add3A_283 = arith.addi %add3A_223, %add3A_282 : i32
    %dma_start3A_284 = arith.constant 0 : i32
    %dma_start3A_285 = tpu.memref_slice %arg2[%add3A_283, %dma_start3A_284] : memref<4096x200xi32, #tpu.memory_space<hbm>> -> memref<1x200xi32, #tpu.memory_space<hbm>>
    %dma_start3A_286 = tpu.memref_squeeze %dma_start3A_285 : memref<1x200xi32, #tpu.memory_space<hbm>> -> memref<200xi32, #tpu.memory_space<hbm>>
    %dma_start3A_287 = arith.constant 0 : i32
    %dma_start3A_288 = tpu.memref_slice %arg2[%add3A_283, %dma_start3A_287] : memref<4096x200xi32, #tpu.memory_space<hbm>> -> memref<1x200xi32, #tpu.memory_space<hbm>>
    %dma_start3A_289 = tpu.memref_squeeze %dma_start3A_288 : memref<1x200xi32, #tpu.memory_space<hbm>> -> memref<200xi32, #tpu.memory_space<hbm>>
    tpu.enqueue_dma source(%dma_start3A_289 : memref<200xi32, #tpu.memory_space<hbm>>) target(%arg8 : memref<200xi32, #tpu.memory_space<vmem>>) target_semaphore(%arg20 : memref<!tpu.dma_semaphore, #tpu.memory_space<semaphore_mem>>)
    %dma_start3A_290 = arith.constant 0 : i32
    %dma_start3A_291 = tpu.memref_slice %arg3[%add3A_283, %dma_start3A_290] : memref<4096x200xi32, #tpu.memory_space<hbm>> -> memref<1x200xi32, #tpu.memory_space<hbm>>
    %dma_start3A_292 = tpu.memref_squeeze %dma_start3A_291 : memref<1x200xi32, #tpu.memory_space<hbm>> -> memref<200xi32, #tpu.memory_space<hbm>>
    %dma_start3A_293 = arith.constant 0 : i32
    %dma_start3A_294 = tpu.memref_slice %arg3[%add3A_283, %dma_start3A_293] : memref<4096x200xi32, #tpu.memory_space<hbm>> -> memref<1x200xi32, #tpu.memory_space<hbm>>
    %dma_start3A_295 = tpu.memref_squeeze %dma_start3A_294 : memref<1x200xi32, #tpu.memory_space<hbm>> -> memref<200xi32, #tpu.memory_space<hbm>>
    tpu.enqueue_dma source(%dma_start3A_295 : memref<200xi32, #tpu.memory_space<hbm>>) target(%arg10 : memref<200xi32, #tpu.memory_space<vmem>>) target_semaphore(%arg20 : memref<!tpu.dma_semaphore, #tpu.memory_space<semaphore_mem>>)
    %broadcast_in_dim3A_296 = arith.constant 0.000000e+00 : f32
    %broadcast_in_dim3A_297 = vector.broadcast %broadcast_in_dim3A_296 : f32 to vector<16xf32>
    %scan3A_298 = arith.constant 0 : i32
    %scan3A_299 = arith.constant 200 : i32
    %scan3A_300 = arith.addi %scan3A_298, %scan3A_299 : i32
    %scan3A_301 = arith.constant 2 : i32
    %scan3A_302:16 = scf.for %scan3A_702 = %scan3A_298 to %scan3A_300 step %scan3A_301 iter_args(%scan3A_703 = %broadcast_in_dim3A_297, %scan3A_704 = %broadcast_in_dim3A_297, %scan3A_705 = %broadcast_in_dim3A_297, %scan3A_706 = %broadcast_in_dim3A_297, %scan3A_707 = %broadcast_in_dim3A_297, %scan3A_708 = %broadcast_in_dim3A_297, %scan3A_709 = %broadcast_in_dim3A_297, %scan3A_710 = %broadcast_in_dim3A_297, %scan3A_711 = %broadcast_in_dim3A_297, %scan3A_712 = %broadcast_in_dim3A_297, %scan3A_713 = %broadcast_in_dim3A_297, %scan3A_714 = %broadcast_in_dim3A_297, %scan3A_715 = %broadcast_in_dim3A_297, %scan3A_716 = %broadcast_in_dim3A_297, %scan3A_717 = %broadcast_in_dim3A_297, %scan3A_718 = %broadcast_in_dim3A_297) -> (vector<16xf32>, vector<16xf32>, vector<16xf32>, vector<16xf32>, vector<16xf32>, vector<16xf32>, vector<16xf32>, vector<16xf32>, vector<16xf32>, vector<16xf32>, vector<16xf32>, vector<16xf32>, vector<16xf32>, vector<16xf32>, vector<16xf32>, vector<16xf32>)  : i32 {
      %get3A = arith.index_cast %scan3A_702 : i32 to index
      %get3A_719 = arith.constant 0 : index
      %get3A_720 = tpu.vector_load %arg12[%get3A, %get3A_719] {strides = array<i32>} : memref<200x128xf32, #tpu.memory_space<vmem>>, vector<1x16xf32>,
      %get3A_721 = vector.shape_cast %get3A_720 : vector<1x16xf32> to vector<16xf32>
      %add3A_722 = arith.addf %scan3A_703, %get3A_721 : vector<16xf32>
      %get3A_723 = arith.index_cast %scan3A_702 : i32 to index
      %get3A_724 = arith.constant 16 : index
      %get3A_725 = tpu.vector_load %arg12[%get3A_723, %get3A_724] {strides = array<i32>} : memref<200x128xf32, #tpu.memory_space<vmem>>, vector<1x16xf32>,
      %get3A_726 = vector.shape_cast %get3A_725 : vector<1x16xf32> to vector<16xf32>
      %add3A_727 = arith.addf %scan3A_704, %get3A_726 : vector<16xf32>
      %get3A_728 = arith.index_cast %scan3A_702 : i32 to index
      %get3A_729 = arith.constant 32 : index
      %get3A_730 = tpu.vector_load %arg12[%get3A_728, %get3A_729] {strides = array<i32>} : memref<200x128xf32, #tpu.memory_space<vmem>>, vector<1x16xf32>,
      %get3A_731 = vector.shape_cast %get3A_730 : vector<1x16xf32> to vector<16xf32>
      %add3A_732 = arith.addf %scan3A_705, %get3A_731 : vector<16xf32>
      %get3A_733 = arith.index_cast %scan3A_702 : i32 to index
      %get3A_734 = arith.constant 48 : index
      %get3A_735 = tpu.vector_load %arg12[%get3A_733, %get3A_734] {strides = array<i32>} : memref<200x128xf32, #tpu.memory_space<vmem>>, vector<1x16xf32>,
      %get3A_736 = vector.shape_cast %get3A_735 : vector<1x16xf32> to vector<16xf32>
      %add3A_737 = arith.addf %scan3A_706, %get3A_736 : vector<16xf32>
      %get3A_738 = arith.index_cast %scan3A_702 : i32 to index
      %get3A_739 = arith.constant 64 : index
      %get3A_740 = tpu.vector_load %arg12[%get3A_738, %get3A_739] {strides = array<i32>} : memref<200x128xf32, #tpu.memory_space<vmem>>, vector<1x16xf32>,
      %get3A_741 = vector.shape_cast %get3A_740 : vector<1x16xf32> to vector<16xf32>
      %add3A_742 = arith.addf %scan3A_707, %get3A_741 : vector<16xf32>
      %get3A_743 = arith.index_cast %scan3A_702 : i32 to index
      %get3A_744 = arith.constant 80 : index
      %get3A_745 = tpu.vector_load %arg12[%get3A_743, %get3A_744] {strides = array<i32>} : memref<200x128xf32, #tpu.memory_space<vmem>>, vector<1x16xf32>,
      %get3A_746 = vector.shape_cast %get3A_745 : vector<1x16xf32> to vector<16xf32>
      %add3A_747 = arith.addf %scan3A_708, %get3A_746 : vector<16xf32>
      %get3A_748 = arith.index_cast %scan3A_702 : i32 to index
      %get3A_749 = arith.constant 96 : index
      %get3A_750 = tpu.vector_load %arg12[%get3A_748, %get3A_749] {strides = array<i32>} : memref<200x128xf32, #tpu.memory_space<vmem>>, vector<1x16xf32>,
      %get3A_751 = vector.shape_cast %get3A_750 : vector<1x16xf32> to vector<16xf32>
      %add3A_752 = arith.addf %scan3A_709, %get3A_751 : vector<16xf32>
      %get3A_753 = arith.index_cast %scan3A_702 : i32 to index
      %get3A_754 = arith.constant 112 : index
      %get3A_755 = tpu.vector_load %arg12[%get3A_753, %get3A_754] {strides = array<i32>} : memref<200x128xf32, #tpu.memory_space<vmem>>, vector<1x16xf32>,
      %get3A_756 = vector.shape_cast %get3A_755 : vector<1x16xf32> to vector<16xf32>
      %add3A_757 = arith.addf %scan3A_710, %get3A_756 : vector<16xf32>
      %get3A_758 = arith.index_cast %scan3A_702 : i32 to index
      %get3A_759 = arith.constant 0 : index
      %get3A_760 = tpu.vector_load %arg14[%get3A_758, %get3A_759] {strides = array<i32>} : memref<200x128xf32, #tpu.memory_space<vmem>>, vector<1x16xf32>,
      %get3A_761 = vector.shape_cast %get3A_760 : vector<1x16xf32> to vector<16xf32>
      %add3A_762 = arith.addf %scan3A_711, %get3A_761 : vector<16xf32>
      %get3A_763 = arith.index_cast %scan3A_702 : i32 to index
      %get3A_764 = arith.constant 16 : index
      %get3A_765 = tpu.vector_load %arg14[%get3A_763, %get3A_764] {strides = array<i32>} : memref<200x128xf32, #tpu.memory_space<vmem>>, vector<1x16xf32>,
      %get3A_766 = vector.shape_cast %get3A_765 : vector<1x16xf32> to vector<16xf32>
      %add3A_767 = arith.addf %scan3A_712, %get3A_766 : vector<16xf32>
      %get3A_768 = arith.index_cast %scan3A_702 : i32 to index
      %get3A_769 = arith.constant 32 : index
      %get3A_770 = tpu.vector_load %arg14[%get3A_768, %get3A_769] {strides = array<i32>} : memref<200x128xf32, #tpu.memory_space<vmem>>, vector<1x16xf32>,
      %get3A_771 = vector.shape_cast %get3A_770 : vector<1x16xf32> to vector<16xf32>
      %add3A_772 = arith.addf %scan3A_713, %get3A_771 : vector<16xf32>
      %get3A_773 = arith.index_cast %scan3A_702 : i32 to index
      %get3A_774 = arith.constant 48 : index
      %get3A_775 = tpu.vector_load %arg14[%get3A_773, %get3A_774] {strides = array<i32>} : memref<200x128xf32, #tpu.memory_space<vmem>>, vector<1x16xf32>,
      %get3A_776 = vector.shape_cast %get3A_775 : vector<1x16xf32> to vector<16xf32>
      %add3A_777 = arith.addf %scan3A_714, %get3A_776 : vector<16xf32>
      %get3A_778 = arith.index_cast %scan3A_702 : i32 to index
      %get3A_779 = arith.constant 64 : index
      %get3A_780 = tpu.vector_load %arg14[%get3A_778, %get3A_779] {strides = array<i32>} : memref<200x128xf32, #tpu.memory_space<vmem>>, vector<1x16xf32>,
      %get3A_781 = vector.shape_cast %get3A_780 : vector<1x16xf32> to vector<16xf32>
      %add3A_782 = arith.addf %scan3A_715, %get3A_781 : vector<16xf32>
      %get3A_783 = arith.index_cast %scan3A_702 : i32 to index
      %get3A_784 = arith.constant 80 : index
      %get3A_785 = tpu.vector_load %arg14[%get3A_783, %get3A_784] {strides = array<i32>} : memref<200x128xf32, #tpu.memory_space<vmem>>, vector<1x16xf32>,
      %get3A_786 = vector.shape_cast %get3A_785 : vector<1x16xf32> to vector<16xf32>
      %add3A_787 = arith.addf %scan3A_716, %get3A_786 : vector<16xf32>
      %get3A_788 = arith.index_cast %scan3A_702 : i32 to index
      %get3A_789 = arith.constant 96 : index
      %get3A_790 = tpu.vector_load %arg14[%get3A_788, %get3A_789] {strides = array<i32>} : memref<200x128xf32, #tpu.memory_space<vmem>>, vector<1x16xf32>,
      %get3A_791 = vector.shape_cast %get3A_790 : vector<1x16xf32> to vector<16xf32>
      %add3A_792 = arith.addf %scan3A_717, %get3A_791 : vector<16xf32>
      %get3A_793 = arith.index_cast %scan3A_702 : i32 to index
      %get3A_794 = arith.constant 112 : index
      %get3A_795 = tpu.vector_load %arg14[%get3A_793, %get3A_794] {strides = array<i32>} : memref<200x128xf32, #tpu.memory_space<vmem>>, vector<1x16xf32>,
      %get3A_796 = vector.shape_cast %get3A_795 : vector<1x16xf32> to vector<16xf32>
      %add3A_797 = arith.addf %scan3A_718, %get3A_796 : vector<16xf32>
      %scan3A_798 = arith.constant 1 : i32
      %scan3A_799 = arith.addi %scan3A_702, %scan3A_798 : i32
      %get3A_800 = arith.index_cast %scan3A_799 : i32 to index
      %get3A_801 = arith.constant 0 : index
      %get3A_802 = tpu.vector_load %arg12[%get3A_800, %get3A_801] {strides = array<i32>} : memref<200x128xf32, #tpu.memory_space<vmem>>, vector<1x16xf32>,
      %get3A_803 = vector.shape_cast %get3A_802 : vector<1x16xf32> to vector<16xf32>
      %add3A_804 = arith.addf %add3A_722, %get3A_803 : vector<16xf32>
      %get3A_805 = arith.index_cast %scan3A_799 : i32 to index
      %get3A_806 = arith.constant 16 : index
      %get3A_807 = tpu.vector_load %arg12[%get3A_805, %get3A_806] {strides = array<i32>} : memref<200x128xf32, #tpu.memory_space<vmem>>, vector<1x16xf32>,
      %get3A_808 = vector.shape_cast %get3A_807 : vector<1x16xf32> to vector<16xf32>
      %add3A_809 = arith.addf %add3A_727, %get3A_808 : vector<16xf32>
      %get3A_810 = arith.index_cast %scan3A_799 : i32 to index
      %get3A_811 = arith.constant 32 : index
      %get3A_812 = tpu.vector_load %arg12[%get3A_810, %get3A_811] {strides = array<i32>} : memref<200x128xf32, #tpu.memory_space<vmem>>, vector<1x16xf32>,
      %get3A_813 = vector.shape_cast %get3A_812 : vector<1x16xf32> to vector<16xf32>
      %add3A_814 = arith.addf %add3A_732, %get3A_813 : vector<16xf32>
      %get3A_815 = arith.index_cast %scan3A_799 : i32 to index
      %get3A_816 = arith.constant 48 : index
      %get3A_817 = tpu.vector_load %arg12[%get3A_815, %get3A_816] {strides = array<i32>} : memref<200x128xf32, #tpu.memory_space<vmem>>, vector<1x16xf32>,
      %get3A_818 = vector.shape_cast %get3A_817 : vector<1x16xf32> to vector<16xf32>
      %add3A_819 = arith.addf %add3A_737, %get3A_818 : vector<16xf32>
      %get3A_820 = arith.index_cast %scan3A_799 : i32 to index
      %get3A_821 = arith.constant 64 : index
      %get3A_822 = tpu.vector_load %arg12[%get3A_820, %get3A_821] {strides = array<i32>} : memref<200x128xf32, #tpu.memory_space<vmem>>, vector<1x16xf32>,
      %get3A_823 = vector.shape_cast %get3A_822 : vector<1x16xf32> to vector<16xf32>
      %add3A_824 = arith.addf %add3A_742, %get3A_823 : vector<16xf32>
      %get3A_825 = arith.index_cast %scan3A_799 : i32 to index
      %get3A_826 = arith.constant 80 : index
      %get3A_827 = tpu.vector_load %arg12[%get3A_825, %get3A_826] {strides = array<i32>} : memref<200x128xf32, #tpu.memory_space<vmem>>, vector<1x16xf32>,
      %get3A_828 = vector.shape_cast %get3A_827 : vector<1x16xf32> to vector<16xf32>
      %add3A_829 = arith.addf %add3A_747, %get3A_828 : vector<16xf32>
      %get3A_830 = arith.index_cast %scan3A_799 : i32 to index
      %get3A_831 = arith.constant 96 : index
      %get3A_832 = tpu.vector_load %arg12[%get3A_830, %get3A_831] {strides = array<i32>} : memref<200x128xf32, #tpu.memory_space<vmem>>, vector<1x16xf32>,
      %get3A_833 = vector.shape_cast %get3A_832 : vector<1x16xf32> to vector<16xf32>
      %add3A_834 = arith.addf %add3A_752, %get3A_833 : vector<16xf32>
      %get3A_835 = arith.index_cast %scan3A_799 : i32 to index
      %get3A_836 = arith.constant 112 : index
      %get3A_837 = tpu.vector_load %arg12[%get3A_835, %get3A_836] {strides = array<i32>} : memref<200x128xf32, #tpu.memory_space<vmem>>, vector<1x16xf32>,
      %get3A_838 = vector.shape_cast %get3A_837 : vector<1x16xf32> to vector<16xf32>
      %add3A_839 = arith.addf %add3A_757, %get3A_838 : vector<16xf32>
      %get3A_840 = arith.index_cast %scan3A_799 : i32 to index
      %get3A_841 = arith.constant 0 : index
      %get3A_842 = tpu.vector_load %arg14[%get3A_840, %get3A_841] {strides = array<i32>} : memref<200x128xf32, #tpu.memory_space<vmem>>, vector<1x16xf32>,
      %get3A_843 = vector.shape_cast %get3A_842 : vector<1x16xf32> to vector<16xf32>
      %add3A_844 = arith.addf %add3A_762, %get3A_843 : vector<16xf32>
      %get3A_845 = arith.index_cast %scan3A_799 : i32 to index
      %get3A_846 = arith.constant 16 : index
      %get3A_847 = tpu.vector_load %arg14[%get3A_845, %get3A_846] {strides = array<i32>} : memref<200x128xf32, #tpu.memory_space<vmem>>, vector<1x16xf32>,
      %get3A_848 = vector.shape_cast %get3A_847 : vector<1x16xf32> to vector<16xf32>
      %add3A_849 = arith.addf %add3A_767, %get3A_848 : vector<16xf32>
      %get3A_850 = arith.index_cast %scan3A_799 : i32 to index
      %get3A_851 = arith.constant 32 : index
      %get3A_852 = tpu.vector_load %arg14[%get3A_850, %get3A_851] {strides = array<i32>} : memref<200x128xf32, #tpu.memory_space<vmem>>, vector<1x16xf32>,
      %get3A_853 = vector.shape_cast %get3A_852 : vector<1x16xf32> to vector<16xf32>
      %add3A_854 = arith.addf %add3A_772, %get3A_853 : vector<16xf32>
      %get3A_855 = arith.index_cast %scan3A_799 : i32 to index
      %get3A_856 = arith.constant 48 : index
      %get3A_857 = tpu.vector_load %arg14[%get3A_855, %get3A_856] {strides = array<i32>} : memref<200x128xf32, #tpu.memory_space<vmem>>, vector<1x16xf32>,
      %get3A_858 = vector.shape_cast %get3A_857 : vector<1x16xf32> to vector<16xf32>
      %add3A_859 = arith.addf %add3A_777, %get3A_858 : vector<16xf32>
      %get3A_860 = arith.index_cast %scan3A_799 : i32 to index
      %get3A_861 = arith.constant 64 : index
      %get3A_862 = tpu.vector_load %arg14[%get3A_860, %get3A_861] {strides = array<i32>} : memref<200x128xf32, #tpu.memory_space<vmem>>, vector<1x16xf32>,
      %get3A_863 = vector.shape_cast %get3A_862 : vector<1x16xf32> to vector<16xf32>
      %add3A_864 = arith.addf %add3A_782, %get3A_863 : vector<16xf32>
      %get3A_865 = arith.index_cast %scan3A_799 : i32 to index
      %get3A_866 = arith.constant 80 : index
      %get3A_867 = tpu.vector_load %arg14[%get3A_865, %get3A_866] {strides = array<i32>} : memref<200x128xf32, #tpu.memory_space<vmem>>, vector<1x16xf32>,
      %get3A_868 = vector.shape_cast %get3A_867 : vector<1x16xf32> to vector<16xf32>
      %add3A_869 = arith.addf %add3A_787, %get3A_868 : vector<16xf32>
      %get3A_870 = arith.index_cast %scan3A_799 : i32 to index
      %get3A_871 = arith.constant 96 : index
      %get3A_872 = tpu.vector_load %arg14[%get3A_870, %get3A_871] {strides = array<i32>} : memref<200x128xf32, #tpu.memory_space<vmem>>, vector<1x16xf32>,
      %get3A_873 = vector.shape_cast %get3A_872 : vector<1x16xf32> to vector<16xf32>
      %add3A_874 = arith.addf %add3A_792, %get3A_873 : vector<16xf32>
      %get3A_875 = arith.index_cast %scan3A_799 : i32 to index
      %get3A_876 = arith.constant 112 : index
      %get3A_877 = tpu.vector_load %arg14[%get3A_875, %get3A_876] {strides = array<i32>} : memref<200x128xf32, #tpu.memory_space<vmem>>, vector<1x16xf32>,
      %get3A_878 = vector.shape_cast %get3A_877 : vector<1x16xf32> to vector<16xf32>
      %add3A_879 = arith.addf %add3A_797, %get3A_878 : vector<16xf32>
      scf.yield %add3A_804, %add3A_809, %add3A_814, %add3A_819, %add3A_824, %add3A_829, %add3A_834, %add3A_839, %add3A_844, %add3A_849, %add3A_854, %add3A_859, %add3A_864, %add3A_869, %add3A_874, %add3A_879 : vector<16xf32>, vector<16xf32>, vector<16xf32>, vector<16xf32>, vector<16xf32>, vector<16xf32>, vector<16xf32>, vector<16xf32>, vector<16xf32>, vector<16xf32>, vector<16xf32>, vector<16xf32>, vector<16xf32>, vector<16xf32>, vector<16xf32>, vector<16xf32>
    }
    %scan3A_303 = arith.constant 200 : i32
    %swap3A_304 = arith.constant 0 : index
    %swap3A_305 = tpu.vector_load %arg16[%swap3A_304] {strides = array<i32>} : memref<256xf32, #tpu.memory_space<vmem>>, vector<16xf32>,
    %swap3A_306 = vector.shape_cast %swap3A_305 : vector<16xf32> to vector<16xf32>
    %swap3A_307 = vector.shape_cast %scan3A_302#0 : vector<16xf32> to vector<16xf32>
    tpu.vector_store %arg16[%swap3A_304], %swap3A_307 {strides = array<i32>} : memref<256xf32, #tpu.memory_space<vmem>>, vector<16xf32>,
    %swap3A_308 = arith.constant 16 : index
    %swap3A_309 = tpu.vector_load %arg16[%swap3A_308] {strides = array<i32>} : memref<256xf32, #tpu.memory_space<vmem>>, vector<16xf32>,
    %swap3A_310 = vector.shape_cast %swap3A_309 : vector<16xf32> to vector<16xf32>
    %swap3A_311 = vector.shape_cast %scan3A_302#1 : vector<16xf32> to vector<16xf32>
    tpu.vector_store %arg16[%swap3A_308], %swap3A_311 {strides = array<i32>} : memref<256xf32, #tpu.memory_space<vmem>>, vector<16xf32>,
    %swap3A_312 = arith.constant 32 : index
    %swap3A_313 = tpu.vector_load %arg16[%swap3A_312] {strides = array<i32>} : memref<256xf32, #tpu.memory_space<vmem>>, vector<16xf32>,
    %swap3A_314 = vector.shape_cast %swap3A_313 : vector<16xf32> to vector<16xf32>
    %swap3A_315 = vector.shape_cast %scan3A_302#2 : vector<16xf32> to vector<16xf32>
    tpu.vector_store %arg16[%swap3A_312], %swap3A_315 {strides = array<i32>} : memref<256xf32, #tpu.memory_space<vmem>>, vector<16xf32>,
    %swap3A_316 = arith.constant 48 : index
    %swap3A_317 = tpu.vector_load %arg16[%swap3A_316] {strides = array<i32>} : memref<256xf32, #tpu.memory_space<vmem>>, vector<16xf32>,
    %swap3A_318 = vector.shape_cast %swap3A_317 : vector<16xf32> to vector<16xf32>
    %swap3A_319 = vector.shape_cast %scan3A_302#3 : vector<16xf32> to vector<16xf32>
    tpu.vector_store %arg16[%swap3A_316], %swap3A_319 {strides = array<i32>} : memref<256xf32, #tpu.memory_space<vmem>>, vector<16xf32>,
    %swap3A_320 = arith.constant 64 : index
    %swap3A_321 = tpu.vector_load %arg16[%swap3A_320] {strides = array<i32>} : memref<256xf32, #tpu.memory_space<vmem>>, vector<16xf32>,
    %swap3A_322 = vector.shape_cast %swap3A_321 : vector<16xf32> to vector<16xf32>
    %swap3A_323 = vector.shape_cast %scan3A_302#4 : vector<16xf32> to vector<16xf32>
    tpu.vector_store %arg16[%swap3A_320], %swap3A_323 {strides = array<i32>} : memref<256xf32, #tpu.memory_space<vmem>>, vector<16xf32>,
    %swap3A_324 = arith.constant 80 : index
    %swap3A_325 = tpu.vector_load %arg16[%swap3A_324] {strides = array<i32>} : memref<256xf32, #tpu.memory_space<vmem>>, vector<16xf32>,
    %swap3A_326 = vector.shape_cast %swap3A_325 : vector<16xf32> to vector<16xf32>
    %swap3A_327 = vector.shape_cast %scan3A_302#5 : vector<16xf32> to vector<16xf32>
    tpu.vector_store %arg16[%swap3A_324], %swap3A_327 {strides = array<i32>} : memref<256xf32, #tpu.memory_space<vmem>>, vector<16xf32>,
    %swap3A_328 = arith.constant 96 : index
    %swap3A_329 = tpu.vector_load %arg16[%swap3A_328] {strides = array<i32>} : memref<256xf32, #tpu.memory_space<vmem>>, vector<16xf32>,
    %swap3A_330 = vector.shape_cast %swap3A_329 : vector<16xf32> to vector<16xf32>
    %swap3A_331 = vector.shape_cast %scan3A_302#6 : vector<16xf32> to vector<16xf32>
    tpu.vector_store %arg16[%swap3A_328], %swap3A_331 {strides = array<i32>} : memref<256xf32, #tpu.memory_space<vmem>>, vector<16xf32>,
    %swap3A_332 = arith.constant 112 : index
    %swap3A_333 = tpu.vector_load %arg16[%swap3A_332] {strides = array<i32>} : memref<256xf32, #tpu.memory_space<vmem>>, vector<16xf32>,
    %swap3A_334 = vector.shape_cast %swap3A_333 : vector<16xf32> to vector<16xf32>
    %swap3A_335 = vector.shape_cast %scan3A_302#7 : vector<16xf32> to vector<16xf32>
    tpu.vector_store %arg16[%swap3A_332], %swap3A_335 {strides = array<i32>} : memref<256xf32, #tpu.memory_space<vmem>>, vector<16xf32>,
    %swap3A_336 = arith.constant 128 : index
    %swap3A_337 = tpu.vector_load %arg16[%swap3A_336] {strides = array<i32>} : memref<256xf32, #tpu.memory_space<vmem>>, vector<16xf32>,
    %swap3A_338 = vector.shape_cast %swap3A_337 : vector<16xf32> to vector<16xf32>
    %swap3A_339 = vector.shape_cast %scan3A_302#8 : vector<16xf32> to vector<16xf32>
    tpu.vector_store %arg16[%swap3A_336], %swap3A_339 {strides = array<i32>} : memref<256xf32, #tpu.memory_space<vmem>>, vector<16xf32>,
    %swap3A_340 = arith.constant 144 : index
    %swap3A_341 = tpu.vector_load %arg16[%swap3A_340] {strides = array<i32>} : memref<256xf32, #tpu.memory_space<vmem>>, vector<16xf32>,
    %swap3A_342 = vector.shape_cast %swap3A_341 : vector<16xf32> to vector<16xf32>
    %swap3A_343 = vector.shape_cast %scan3A_302#9 : vector<16xf32> to vector<16xf32>
    tpu.vector_store %arg16[%swap3A_340], %swap3A_343 {strides = array<i32>} : memref<256xf32, #tpu.memory_space<vmem>>, vector<16xf32>,
    %swap3A_344 = arith.constant 160 : index
    %swap3A_345 = tpu.vector_load %arg16[%swap3A_344] {strides = array<i32>} : memref<256xf32, #tpu.memory_space<vmem>>, vector<16xf32>,
    %swap3A_346 = vector.shape_cast %swap3A_345 : vector<16xf32> to vector<16xf32>
    %swap3A_347 = vector.shape_cast %scan3A_302#10 : vector<16xf32> to vector<16xf32>
    tpu.vector_store %arg16[%swap3A_344], %swap3A_347 {strides = array<i32>} : memref<256xf32, #tpu.memory_space<vmem>>, vector<16xf32>,
    %swap3A_348 = arith.constant 176 : index
    %swap3A_349 = tpu.vector_load %arg16[%swap3A_348] {strides = array<i32>} : memref<256xf32, #tpu.memory_space<vmem>>, vector<16xf32>,
    %swap3A_350 = vector.shape_cast %swap3A_349 : vector<16xf32> to vector<16xf32>
    %swap3A_351 = vector.shape_cast %scan3A_302#11 : vector<16xf32> to vector<16xf32>
    tpu.vector_store %arg16[%swap3A_348], %swap3A_351 {strides = array<i32>} : memref<256xf32, #tpu.memory_space<vmem>>, vector<16xf32>,
    %swap3A_352 = arith.constant 192 : index
    %swap3A_353 = tpu.vector_load %arg16[%swap3A_352] {strides = array<i32>} : memref<256xf32, #tpu.memory_space<vmem>>, vector<16xf32>,
    %swap3A_354 = vector.shape_cast %swap3A_353 : vector<16xf32> to vector<16xf32>
    %swap3A_355 = vector.shape_cast %scan3A_302#12 : vector<16xf32> to vector<16xf32>
    tpu.vector_store %arg16[%swap3A_352], %swap3A_355 {strides = array<i32>} : memref<256xf32, #tpu.memory_space<vmem>>, vector<16xf32>,
    %swap3A_356 = arith.constant 208 : index
    %swap3A_357 = tpu.vector_load %arg16[%swap3A_356] {strides = array<i32>} : memref<256xf32, #tpu.memory_space<vmem>>, vector<16xf32>,
    %swap3A_358 = vector.shape_cast %swap3A_357 : vector<16xf32> to vector<16xf32>
    %swap3A_359 = vector.shape_cast %scan3A_302#13 : vector<16xf32> to vector<16xf32>
    tpu.vector_store %arg16[%swap3A_356], %swap3A_359 {strides = array<i32>} : memref<256xf32, #tpu.memory_space<vmem>>, vector<16xf32>,
    %swap3A_360 = arith.constant 224 : index
    %swap3A_361 = tpu.vector_load %arg16[%swap3A_360] {strides = array<i32>} : memref<256xf32, #tpu.memory_space<vmem>>, vector<16xf32>,
    %swap3A_362 = vector.shape_cast %swap3A_361 : vector<16xf32> to vector<16xf32>
    %swap3A_363 = vector.shape_cast %scan3A_302#14 : vector<16xf32> to vector<16xf32>
    tpu.vector_store %arg16[%swap3A_360], %swap3A_363 {strides = array<i32>} : memref<256xf32, #tpu.memory_space<vmem>>, vector<16xf32>,
    %swap3A_364 = arith.constant 240 : index
    %swap3A_365 = tpu.vector_load %arg16[%swap3A_364] {strides = array<i32>} : memref<256xf32, #tpu.memory_space<vmem>>, vector<16xf32>,
    %swap3A_366 = vector.shape_cast %swap3A_365 : vector<16xf32> to vector<16xf32>
    %swap3A_367 = vector.shape_cast %scan3A_302#15 : vector<16xf32> to vector<16xf32>
    tpu.vector_store %arg16[%swap3A_364], %swap3A_367 {strides = array<i32>} : memref<256xf32, #tpu.memory_space<vmem>>, vector<16xf32>,
    %dma_start3A_368 = arith.constant 0 : i32
    %dma_start3A_369 = tpu.memref_slice %arg6[%add3A_223, %dma_start3A_368] : memref<4096x256xf32, #tpu.memory_space<hbm>> -> memref<1x256xf32, #tpu.memory_space<hbm>>
    %dma_start3A_370 = tpu.memref_squeeze %dma_start3A_369 : memref<1x256xf32, #tpu.memory_space<hbm>> -> memref<256xf32, #tpu.memory_space<hbm>>
    %dma_start3A_371 = arith.constant 0 : i32
    %dma_start3A_372 = tpu.memref_slice %arg6[%add3A_223, %dma_start3A_371] : memref<4096x256xf32, #tpu.memory_space<hbm>> -> memref<1x256xf32, #tpu.memory_space<hbm>>
    %dma_start3A_373 = tpu.memref_squeeze %dma_start3A_372 : memref<1x256xf32, #tpu.memory_space<hbm>> -> memref<256xf32, #tpu.memory_space<hbm>>
    tpu.enqueue_dma source(%arg16 : memref<256xf32, #tpu.memory_space<vmem>>) target(%dma_start3A_373 : memref<256xf32, #tpu.memory_space<hbm>>) target_semaphore(%arg22 : memref<!tpu.dma_semaphore, #tpu.memory_space<semaphore_mem>>)
    %scan3A_374 = arith.constant 0 : i32
    %scan3A_375 = arith.constant 1 : i32
    %scan3A_376 = arith.constant 62 : i32
    %scan3A_377 = arith.addi %scan3A_375, %scan3A_376 : i32
    %scan3A_378 = arith.constant 1 : i32
    %scan3A_379 = scf.for %scan3A_702 = %scan3A_375 to %scan3A_377 step %scan3A_378 iter_args(%scan3A_703 = %scan3A_374) -> (i32)  : i32 {
      %mul3A_704 = arith.constant 2 : i32
      %mul3A_705 = arith.muli %scan3A_702, %mul3A_704 : i32
      %add3A_706 = arith.addi %mul3A_2, %mul3A_705 : i32
      %add3A_707 = arith.constant 0 : i32
      %add3A_708 = arith.addi %add3A_706, %add3A_707 : i32
      %dma_wait3A_709 = arith.constant 0 : i32
      %dma_wait3A_710 = arith.constant 0 : i32
      %dma_wait3A_711 = tpu.memref_slice %arg2[%dma_wait3A_709, %dma_wait3A_710] : memref<4096x200xi32, #tpu.memory_space<hbm>> -> memref<1x200xi32, #tpu.memory_space<hbm>>
      %dma_wait3A_712 = tpu.memref_squeeze %dma_wait3A_711 : memref<1x200xi32, #tpu.memory_space<hbm>> -> memref<200xi32, #tpu.memory_space<hbm>>
      %dma_wait3A_713 = arith.constant 0 : i32
      %dma_wait3A_714 = tpu.memref_slice %arg2[%dma_wait3A_709, %dma_wait3A_713] : memref<4096x200xi32, #tpu.memory_space<hbm>> -> memref<1x200xi32, #tpu.memory_space<hbm>>
      %dma_wait3A_715 = tpu.memref_squeeze %dma_wait3A_714 : memref<1x200xi32, #tpu.memory_space<hbm>> -> memref<200xi32, #tpu.memory_space<hbm>>
      tpu.wait_dma2 semaphore(%arg20 : memref<!tpu.dma_semaphore, #tpu.memory_space<semaphore_mem>>) src(%dma_wait3A_715 : memref<200xi32, #tpu.memory_space<hbm>>) dst(%arg8 : memref<200xi32, #tpu.memory_space<vmem>>)
      %dma_wait3A_716 = arith.constant 0 : i32
      %dma_wait3A_717 = arith.constant 0 : i32
      %dma_wait3A_718 = tpu.memref_slice %arg3[%dma_wait3A_716, %dma_wait3A_717] : memref<4096x200xi32, #tpu.memory_space<hbm>> -> memref<1x200xi32, #tpu.memory_space<hbm>>
      %dma_wait3A_719 = tpu.memref_squeeze %dma_wait3A_718 : memref<1x200xi32, #tpu.memory_space<hbm>> -> memref<200xi32, #tpu.memory_space<hbm>>
      %dma_wait3A_720 = arith.constant 0 : i32
      %dma_wait3A_721 = tpu.memref_slice %arg3[%dma_wait3A_716, %dma_wait3A_720] : memref<4096x200xi32, #tpu.memory_space<hbm>> -> memref<1x200xi32, #tpu.memory_space<hbm>>
      %dma_wait3A_722 = tpu.memref_squeeze %dma_wait3A_721 : memref<1x200xi32, #tpu.memory_space<hbm>> -> memref<200xi32, #tpu.memory_space<hbm>>
      tpu.wait_dma2 semaphore(%arg20 : memref<!tpu.dma_semaphore, #tpu.memory_space<semaphore_mem>>) src(%dma_wait3A_722 : memref<200xi32, #tpu.memory_space<hbm>>) dst(%arg10 : memref<200xi32, #tpu.memory_space<vmem>>)
      %dma_start3A_723 = arith.constant 0 : i32
      %dma_start3A_724 = arith.constant 0 : i32
      %dma_start3A_725 = tpu.memref_slice %arg12[%dma_start3A_723, %dma_start3A_724] : memref<200x128xf32, #tpu.memory_space<vmem>> -> memref<128x128xf32, #tpu.memory_space<vmem>>
      %dma_start3A_726 = arith.constant 0 : i32
      %dma_start3A_727 = tpu.memref_slice %arg8[%dma_start3A_726] : memref<200xi32, #tpu.memory_space<vmem>> -> memref<128xi32, #tpu.memory_space<vmem>>
      %dma_start3A_728 = arith.constant 0 : i32
      %dma_start3A_729 = arith.constant 0 : i32
      %dma_start3A_730 = tpu.memref_slice %arg4[%dma_start3A_728, %dma_start3A_729] : memref<1000x128xf32, #tpu.memory_space<hbm>> -> memref<1000x128xf32, #tpu.memory_space<hbm>>
      tpu.enqueue_indirect_dma source(%dma_start3A_730 : memref<1000x128xf32, #tpu.memory_space<hbm>>) target(%dma_start3A_725 : memref<128x128xf32, #tpu.memory_space<vmem>>) offsets(%dma_start3A_727 : memref<128xi32, #tpu.memory_space<vmem>>) semaphore(%arg18 : memref<!tpu.dma_semaphore, #tpu.memory_space<semaphore_mem>>)
      %dma_start3A_731 = arith.constant 128 : i32
      %dma_start3A_732 = arith.constant 0 : i32
      %dma_start3A_733 = tpu.memref_slice %arg12[%dma_start3A_731, %dma_start3A_732] : memref<200x128xf32, #tpu.memory_space<vmem>> -> memref<72x128xf32, #tpu.memory_space<vmem>>
      %dma_start3A_734 = arith.constant 128 : i32
      %dma_start3A_735 = tpu.memref_slice %arg8[%dma_start3A_734] : memref<200xi32, #tpu.memory_space<vmem>> -> memref<72xi32, #tpu.memory_space<vmem>>
      %dma_start3A_736 = arith.constant 0 : i32
      %dma_start3A_737 = arith.constant 0 : i32
      %dma_start3A_738 = tpu.memref_slice %arg4[%dma_start3A_736, %dma_start3A_737] : memref<1000x128xf32, #tpu.memory_space<hbm>> -> memref<1000x128xf32, #tpu.memory_space<hbm>>
      tpu.enqueue_indirect_dma source(%dma_start3A_738 : memref<1000x128xf32, #tpu.memory_space<hbm>>) target(%dma_start3A_733 : memref<72x128xf32, #tpu.memory_space<vmem>>) offsets(%dma_start3A_735 : memref<72xi32, #tpu.memory_space<vmem>>) semaphore(%arg18 : memref<!tpu.dma_semaphore, #tpu.memory_space<semaphore_mem>>)
      %dma_start3A_739 = arith.constant 0 : i32
      %dma_start3A_740 = arith.constant 0 : i32
      %dma_start3A_741 = tpu.memref_slice %arg14[%dma_start3A_739, %dma_start3A_740] : memref<200x128xf32, #tpu.memory_space<vmem>> -> memref<128x128xf32, #tpu.memory_space<vmem>>
      %dma_start3A_742 = arith.constant 0 : i32
      %dma_start3A_743 = tpu.memref_slice %arg10[%dma_start3A_742] : memref<200xi32, #tpu.memory_space<vmem>> -> memref<128xi32, #tpu.memory_space<vmem>>
      %dma_start3A_744 = arith.constant 0 : i32
      %dma_start3A_745 = arith.constant 0 : i32
      %dma_start3A_746 = tpu.memref_slice %arg5[%dma_start3A_744, %dma_start3A_745] : memref<100000x128xf32, #tpu.memory_space<hbm>> -> memref<100000x128xf32, #tpu.memory_space<hbm>>
      tpu.enqueue_indirect_dma source(%dma_start3A_746 : memref<100000x128xf32, #tpu.memory_space<hbm>>) target(%dma_start3A_741 : memref<128x128xf32, #tpu.memory_space<vmem>>) offsets(%dma_start3A_743 : memref<128xi32, #tpu.memory_space<vmem>>) semaphore(%arg18 : memref<!tpu.dma_semaphore, #tpu.memory_space<semaphore_mem>>)
      %dma_start3A_747 = arith.constant 128 : i32
      %dma_start3A_748 = arith.constant 0 : i32
      %dma_start3A_749 = tpu.memref_slice %arg14[%dma_start3A_747, %dma_start3A_748] : memref<200x128xf32, #tpu.memory_space<vmem>> -> memref<72x128xf32, #tpu.memory_space<vmem>>
      %dma_start3A_750 = arith.constant 128 : i32
      %dma_start3A_751 = tpu.memref_slice %arg10[%dma_start3A_750] : memref<200xi32, #tpu.memory_space<vmem>> -> memref<72xi32, #tpu.memory_space<vmem>>
      %dma_start3A_752 = arith.constant 0 : i32
      %dma_start3A_753 = arith.constant 0 : i32
      %dma_start3A_754 = tpu.memref_slice %arg5[%dma_start3A_752, %dma_start3A_753] : memref<100000x128xf32, #tpu.memory_space<hbm>> -> memref<100000x128xf32, #tpu.memory_space<hbm>>
      tpu.enqueue_indirect_dma source(%dma_start3A_754 : memref<100000x128xf32, #tpu.memory_space<hbm>>) target(%dma_start3A_749 : memref<72x128xf32, #tpu.memory_space<vmem>>) offsets(%dma_start3A_751 : memref<72xi32, #tpu.memory_space<vmem>>) semaphore(%arg18 : memref<!tpu.dma_semaphore, #tpu.memory_space<semaphore_mem>>)
      %dma_wait3A_755 = arith.constant 0 : i32
      %dma_wait3A_756 = arith.constant 0 : i32
      %dma_wait3A_757 = tpu.memref_slice %arg4[%dma_wait3A_755, %dma_wait3A_756] : memref<1000x128xf32, #tpu.memory_space<hbm>> -> memref<200x128xf32, #tpu.memory_space<hbm>>
      %dma_wait3A_758 = arith.constant 0 : i32
      %dma_wait3A_759 = arith.constant 0 : i32
      %dma_wait3A_760 = tpu.memref_slice %arg4[%dma_wait3A_758, %dma_wait3A_759] : memref<1000x128xf32, #tpu.memory_space<hbm>> -> memref<200x128xf32, #tpu.memory_space<hbm>>
      tpu.wait_dma2 semaphore(%arg17 : memref<!tpu.dma_semaphore, #tpu.memory_space<semaphore_mem>>) src(%dma_wait3A_760 : memref<200x128xf32, #tpu.memory_space<hbm>>) dst(%arg11 : memref<200x128xf32, #tpu.memory_space<vmem>>)
      %dma_wait3A_761 = arith.constant 0 : i32
      %dma_wait3A_762 = arith.constant 0 : i32
      %dma_wait3A_763 = tpu.memref_slice %arg5[%dma_wait3A_761, %dma_wait3A_762] : memref<100000x128xf32, #tpu.memory_space<hbm>> -> memref<200x128xf32, #tpu.memory_space<hbm>>
      %dma_wait3A_764 = arith.constant 0 : i32
      %dma_wait3A_765 = arith.constant 0 : i32
      %dma_wait3A_766 = tpu.memref_slice %arg5[%dma_wait3A_764, %dma_wait3A_765] : memref<100000x128xf32, #tpu.memory_space<hbm>> -> memref<200x128xf32, #tpu.memory_space<hbm>>
      tpu.wait_dma2 semaphore(%arg17 : memref<!tpu.dma_semaphore, #tpu.memory_space<semaphore_mem>>) src(%dma_wait3A_766 : memref<200x128xf32, #tpu.memory_space<hbm>>) dst(%arg13 : memref<200x128xf32, #tpu.memory_space<vmem>>)
      %add3A_767 = arith.constant 2 : i32
      %add3A_768 = arith.addi %add3A_708, %add3A_767 : i32
      %dma_start3A_769 = arith.constant 0 : i32
      %dma_start3A_770 = tpu.memref_slice %arg2[%add3A_768, %dma_start3A_769] : memref<4096x200xi32, #tpu.memory_space<hbm>> -> memref<1x200xi32, #tpu.memory_space<hbm>>
      %dma_start3A_771 = tpu.memref_squeeze %dma_start3A_770 : memref<1x200xi32, #tpu.memory_space<hbm>> -> memref<200xi32, #tpu.memory_space<hbm>>
      %dma_start3A_772 = arith.constant 0 : i32
      %dma_start3A_773 = tpu.memref_slice %arg2[%add3A_768, %dma_start3A_772] : memref<4096x200xi32, #tpu.memory_space<hbm>> -> memref<1x200xi32, #tpu.memory_space<hbm>>
      %dma_start3A_774 = tpu.memref_squeeze %dma_start3A_773 : memref<1x200xi32, #tpu.memory_space<hbm>> -> memref<200xi32, #tpu.memory_space<hbm>>
      tpu.enqueue_dma source(%dma_start3A_774 : memref<200xi32, #tpu.memory_space<hbm>>) target(%arg7 : memref<200xi32, #tpu.memory_space<vmem>>) target_semaphore(%arg19 : memref<!tpu.dma_semaphore, #tpu.memory_space<semaphore_mem>>)
      %dma_start3A_775 = arith.constant 0 : i32
      %dma_start3A_776 = tpu.memref_slice %arg3[%add3A_768, %dma_start3A_775] : memref<4096x200xi32, #tpu.memory_space<hbm>> -> memref<1x200xi32, #tpu.memory_space<hbm>>
      %dma_start3A_777 = tpu.memref_squeeze %dma_start3A_776 : memref<1x200xi32, #tpu.memory_space<hbm>> -> memref<200xi32, #tpu.memory_space<hbm>>
      %dma_start3A_778 = arith.constant 0 : i32
      %dma_start3A_779 = tpu.memref_slice %arg3[%add3A_768, %dma_start3A_778] : memref<4096x200xi32, #tpu.memory_space<hbm>> -> memref<1x200xi32, #tpu.memory_space<hbm>>
      %dma_start3A_780 = tpu.memref_squeeze %dma_start3A_779 : memref<1x200xi32, #tpu.memory_space<hbm>> -> memref<200xi32, #tpu.memory_space<hbm>>
      tpu.enqueue_dma source(%dma_start3A_780 : memref<200xi32, #tpu.memory_space<hbm>>) target(%arg9 : memref<200xi32, #tpu.memory_space<vmem>>) target_semaphore(%arg19 : memref<!tpu.dma_semaphore, #tpu.memory_space<semaphore_mem>>)
      %dma_wait3A_781 = arith.constant 0 : i32
      %dma_wait3A_782 = arith.constant 0 : i32
      %dma_wait3A_783 = tpu.memref_slice %arg15[%dma_wait3A_782] : memref<256xf32, #tpu.memory_space<vmem>> -> memref<128xf32, #tpu.memory_space<vmem>>
      %dma_wait3A_784 = arith.constant 0 : i32
      %dma_wait3A_785 = tpu.memref_slice %arg4[%dma_wait3A_781, %dma_wait3A_784] : memref<1000x128xf32, #tpu.memory_space<hbm>> -> memref<1x128xf32, #tpu.memory_space<hbm>>
      %dma_wait3A_786 = tpu.memref_squeeze %dma_wait3A_785 : memref<1x128xf32, #tpu.memory_space<hbm>> -> memref<128xf32, #tpu.memory_space<hbm>>
      %dma_wait3A_787 = arith.constant 0 : i32
      %dma_wait3A_788 = tpu.memref_slice %arg15[%dma_wait3A_787] : memref<256xf32, #tpu.memory_space<vmem>> -> memref<128xf32, #tpu.memory_space<vmem>>
      %dma_wait3A_789 = arith.constant 0 : i32
      %dma_wait3A_790 = tpu.memref_slice %arg4[%dma_wait3A_781, %dma_wait3A_789] : memref<1000x128xf32, #tpu.memory_space<hbm>> -> memref<1x128xf32, #tpu.memory_space<hbm>>
      %dma_wait3A_791 = tpu.memref_squeeze %dma_wait3A_790 : memref<1x128xf32, #tpu.memory_space<hbm>> -> memref<128xf32, #tpu.memory_space<hbm>>
      tpu.wait_dma2 semaphore(%arg21 : memref<!tpu.dma_semaphore, #tpu.memory_space<semaphore_mem>>) src(%dma_wait3A_791 : memref<128xf32, #tpu.memory_space<hbm>>) dst(%dma_wait3A_788 : memref<128xf32, #tpu.memory_space<vmem>>)
      %dma_wait3A_792 = arith.constant 0 : i32
      %dma_wait3A_793 = arith.constant 128 : i32
      %dma_wait3A_794 = tpu.memref_slice %arg15[%dma_wait3A_793] : memref<256xf32, #tpu.memory_space<vmem>> -> memref<128xf32, #tpu.memory_space<vmem>>
      %dma_wait3A_795 = arith.constant 0 : i32
      %dma_wait3A_796 = tpu.memref_slice %arg4[%dma_wait3A_792, %dma_wait3A_795] : memref<1000x128xf32, #tpu.memory_space<hbm>> -> memref<1x128xf32, #tpu.memory_space<hbm>>
      %dma_wait3A_797 = tpu.memref_squeeze %dma_wait3A_796 : memref<1x128xf32, #tpu.memory_space<hbm>> -> memref<128xf32, #tpu.memory_space<hbm>>
      %dma_wait3A_798 = arith.constant 128 : i32
      %dma_wait3A_799 = tpu.memref_slice %arg15[%dma_wait3A_798] : memref<256xf32, #tpu.memory_space<vmem>> -> memref<128xf32, #tpu.memory_space<vmem>>
      %dma_wait3A_800 = arith.constant 0 : i32
      %dma_wait3A_801 = tpu.memref_slice %arg4[%dma_wait3A_792, %dma_wait3A_800] : memref<1000x128xf32, #tpu.memory_space<hbm>> -> memref<1x128xf32, #tpu.memory_space<hbm>>
      %dma_wait3A_802 = tpu.memref_squeeze %dma_wait3A_801 : memref<1x128xf32, #tpu.memory_space<hbm>> -> memref<128xf32, #tpu.memory_space<hbm>>
      tpu.wait_dma2 semaphore(%arg21 : memref<!tpu.dma_semaphore, #tpu.memory_space<semaphore_mem>>) src(%dma_wait3A_802 : memref<128xf32, #tpu.memory_space<hbm>>) dst(%dma_wait3A_799 : memref<128xf32, #tpu.memory_space<vmem>>)
      %broadcast_in_dim3A_803 = arith.constant 0.000000e+00 : f32
      %broadcast_in_dim3A_804 = vector.broadcast %broadcast_in_dim3A_803 : f32 to vector<16xf32>
      %scan3A_805 = arith.constant 0 : i32
      %scan3A_806 = arith.constant 200 : i32
      %scan3A_807 = arith.addi %scan3A_805, %scan3A_806 : i32
      %scan3A_808 = arith.constant 2 : i32
      %scan3A_809:16 = scf.for %scan3A_1056 = %scan3A_805 to %scan3A_807 step %scan3A_808 iter_args(%scan3A_1057 = %broadcast_in_dim3A_804, %scan3A_1058 = %broadcast_in_dim3A_804, %scan3A_1059 = %broadcast_in_dim3A_804, %scan3A_1060 = %broadcast_in_dim3A_804, %scan3A_1061 = %broadcast_in_dim3A_804, %scan3A_1062 = %broadcast_in_dim3A_804, %scan3A_1063 = %broadcast_in_dim3A_804, %scan3A_1064 = %broadcast_in_dim3A_804, %scan3A_1065 = %broadcast_in_dim3A_804, %scan3A_1066 = %broadcast_in_dim3A_804, %scan3A_1067 = %broadcast_in_dim3A_804, %scan3A_1068 = %broadcast_in_dim3A_804, %scan3A_1069 = %broadcast_in_dim3A_804, %scan3A_1070 = %broadcast_in_dim3A_804, %scan3A_1071 = %broadcast_in_dim3A_804, %scan3A_1072 = %broadcast_in_dim3A_804) -> (vector<16xf32>, vector<16xf32>, vector<16xf32>, vector<16xf32>, vector<16xf32>, vector<16xf32>, vector<16xf32>, vector<16xf32>, vector<16xf32>, vector<16xf32>, vector<16xf32>, vector<16xf32>, vector<16xf32>, vector<16xf32>, vector<16xf32>, vector<16xf32>)  : i32 {
        %get3A = arith.index_cast %scan3A_1056 : i32 to index
        %get3A_1073 = arith.constant 0 : index
        %get3A_1074 = tpu.vector_load %arg11[%get3A, %get3A_1073] {strides = array<i32>} : memref<200x128xf32, #tpu.memory_space<vmem>>, vector<1x16xf32>,
        %get3A_1075 = vector.shape_cast %get3A_1074 : vector<1x16xf32> to vector<16xf32>
        %add3A_1076 = arith.addf %scan3A_1057, %get3A_1075 : vector<16xf32>
        %get3A_1077 = arith.index_cast %scan3A_1056 : i32 to index
        %get3A_1078 = arith.constant 16 : index
        %get3A_1079 = tpu.vector_load %arg11[%get3A_1077, %get3A_1078] {strides = array<i32>} : memref<200x128xf32, #tpu.memory_space<vmem>>, vector<1x16xf32>,
        %get3A_1080 = vector.shape_cast %get3A_1079 : vector<1x16xf32> to vector<16xf32>
        %add3A_1081 = arith.addf %scan3A_1058, %get3A_1080 : vector<16xf32>
        %get3A_1082 = arith.index_cast %scan3A_1056 : i32 to index
        %get3A_1083 = arith.constant 32 : index
        %get3A_1084 = tpu.vector_load %arg11[%get3A_1082, %get3A_1083] {strides = array<i32>} : memref<200x128xf32, #tpu.memory_space<vmem>>, vector<1x16xf32>,
        %get3A_1085 = vector.shape_cast %get3A_1084 : vector<1x16xf32> to vector<16xf32>
        %add3A_1086 = arith.addf %scan3A_1059, %get3A_1085 : vector<16xf32>
        %get3A_1087 = arith.index_cast %scan3A_1056 : i32 to index
        %get3A_1088 = arith.constant 48 : index
        %get3A_1089 = tpu.vector_load %arg11[%get3A_1087, %get3A_1088] {strides = array<i32>} : memref<200x128xf32, #tpu.memory_space<vmem>>, vector<1x16xf32>,
        %get3A_1090 = vector.shape_cast %get3A_1089 : vector<1x16xf32> to vector<16xf32>
        %add3A_1091 = arith.addf %scan3A_1060, %get3A_1090 : vector<16xf32>
        %get3A_1092 = arith.index_cast %scan3A_1056 : i32 to index
        %get3A_1093 = arith.constant 64 : index
        %get3A_1094 = tpu.vector_load %arg11[%get3A_1092, %get3A_1093] {strides = array<i32>} : memref<200x128xf32, #tpu.memory_space<vmem>>, vector<1x16xf32>,
        %get3A_1095 = vector.shape_cast %get3A_1094 : vector<1x16xf32> to vector<16xf32>
        %add3A_1096 = arith.addf %scan3A_1061, %get3A_1095 : vector<16xf32>
        %get3A_1097 = arith.index_cast %scan3A_1056 : i32 to index
        %get3A_1098 = arith.constant 80 : index
        %get3A_1099 = tpu.vector_load %arg11[%get3A_1097, %get3A_1098] {strides = array<i32>} : memref<200x128xf32, #tpu.memory_space<vmem>>, vector<1x16xf32>,
        %get3A_1100 = vector.shape_cast %get3A_1099 : vector<1x16xf32> to vector<16xf32>
        %add3A_1101 = arith.addf %scan3A_1062, %get3A_1100 : vector<16xf32>
        %get3A_1102 = arith.index_cast %scan3A_1056 : i32 to index
        %get3A_1103 = arith.constant 96 : index
        %get3A_1104 = tpu.vector_load %arg11[%get3A_1102, %get3A_1103] {strides = array<i32>} : memref<200x128xf32, #tpu.memory_space<vmem>>, vector<1x16xf32>,
        %get3A_1105 = vector.shape_cast %get3A_1104 : vector<1x16xf32> to vector<16xf32>
        %add3A_1106 = arith.addf %scan3A_1063, %get3A_1105 : vector<16xf32>
        %get3A_1107 = arith.index_cast %scan3A_1056 : i32 to index
        %get3A_1108 = arith.constant 112 : index
        %get3A_1109 = tpu.vector_load %arg11[%get3A_1107, %get3A_1108] {strides = array<i32>} : memref<200x128xf32, #tpu.memory_space<vmem>>, vector<1x16xf32>,
        %get3A_1110 = vector.shape_cast %get3A_1109 : vector<1x16xf32> to vector<16xf32>
        %add3A_1111 = arith.addf %scan3A_1064, %get3A_1110 : vector<16xf32>
        %get3A_1112 = arith.index_cast %scan3A_1056 : i32 to index
        %get3A_1113 = arith.constant 0 : index
        %get3A_1114 = tpu.vector_load %arg13[%get3A_1112, %get3A_1113] {strides = array<i32>} : memref<200x128xf32, #tpu.memory_space<vmem>>, vector<1x16xf32>,
        %get3A_1115 = vector.shape_cast %get3A_1114 : vector<1x16xf32> to vector<16xf32>
        %add3A_1116 = arith.addf %scan3A_1065, %get3A_1115 : vector<16xf32>
        %get3A_1117 = arith.index_cast %scan3A_1056 : i32 to index
        %get3A_1118 = arith.constant 16 : index
        %get3A_1119 = tpu.vector_load %arg13[%get3A_1117, %get3A_1118] {strides = array<i32>} : memref<200x128xf32, #tpu.memory_space<vmem>>, vector<1x16xf32>,
        %get3A_1120 = vector.shape_cast %get3A_1119 : vector<1x16xf32> to vector<16xf32>
        %add3A_1121 = arith.addf %scan3A_1066, %get3A_1120 : vector<16xf32>
        %get3A_1122 = arith.index_cast %scan3A_1056 : i32 to index
        %get3A_1123 = arith.constant 32 : index
        %get3A_1124 = tpu.vector_load %arg13[%get3A_1122, %get3A_1123] {strides = array<i32>} : memref<200x128xf32, #tpu.memory_space<vmem>>, vector<1x16xf32>,
        %get3A_1125 = vector.shape_cast %get3A_1124 : vector<1x16xf32> to vector<16xf32>
        %add3A_1126 = arith.addf %scan3A_1067, %get3A_1125 : vector<16xf32>
        %get3A_1127 = arith.index_cast %scan3A_1056 : i32 to index
        %get3A_1128 = arith.constant 48 : index
        %get3A_1129 = tpu.vector_load %arg13[%get3A_1127, %get3A_1128] {strides = array<i32>} : memref<200x128xf32, #tpu.memory_space<vmem>>, vector<1x16xf32>,
        %get3A_1130 = vector.shape_cast %get3A_1129 : vector<1x16xf32> to vector<16xf32>
        %add3A_1131 = arith.addf %scan3A_1068, %get3A_1130 : vector<16xf32>
        %get3A_1132 = arith.index_cast %scan3A_1056 : i32 to index
        %get3A_1133 = arith.constant 64 : index
        %get3A_1134 = tpu.vector_load %arg13[%get3A_1132, %get3A_1133] {strides = array<i32>} : memref<200x128xf32, #tpu.memory_space<vmem>>, vector<1x16xf32>,
        %get3A_1135 = vector.shape_cast %get3A_1134 : vector<1x16xf32> to vector<16xf32>
        %add3A_1136 = arith.addf %scan3A_1069, %get3A_1135 : vector<16xf32>
        %get3A_1137 = arith.index_cast %scan3A_1056 : i32 to index
        %get3A_1138 = arith.constant 80 : index
        %get3A_1139 = tpu.vector_load %arg13[%get3A_1137, %get3A_1138] {strides = array<i32>} : memref<200x128xf32, #tpu.memory_space<vmem>>, vector<1x16xf32>,
        %get3A_1140 = vector.shape_cast %get3A_1139 : vector<1x16xf32> to vector<16xf32>
        %add3A_1141 = arith.addf %scan3A_1070, %get3A_1140 : vector<16xf32>
        %get3A_1142 = arith.index_cast %scan3A_1056 : i32 to index
        %get3A_1143 = arith.constant 96 : index
        %get3A_1144 = tpu.vector_load %arg13[%get3A_1142, %get3A_1143] {strides = array<i32>} : memref<200x128xf32, #tpu.memory_space<vmem>>, vector<1x16xf32>,
        %get3A_1145 = vector.shape_cast %get3A_1144 : vector<1x16xf32> to vector<16xf32>
        %add3A_1146 = arith.addf %scan3A_1071, %get3A_1145 : vector<16xf32>
        %get3A_1147 = arith.index_cast %scan3A_1056 : i32 to index
        %get3A_1148 = arith.constant 112 : index
        %get3A_1149 = tpu.vector_load %arg13[%get3A_1147, %get3A_1148] {strides = array<i32>} : memref<200x128xf32, #tpu.memory_space<vmem>>, vector<1x16xf32>,
        %get3A_1150 = vector.shape_cast %get3A_1149 : vector<1x16xf32> to vector<16xf32>
        %add3A_1151 = arith.addf %scan3A_1072, %get3A_1150 : vector<16xf32>
        %scan3A_1152 = arith.constant 1 : i32
        %scan3A_1153 = arith.addi %scan3A_1056, %scan3A_1152 : i32
        %get3A_1154 = arith.index_cast %scan3A_1153 : i32 to index
        %get3A_1155 = arith.constant 0 : index
        %get3A_1156 = tpu.vector_load %arg11[%get3A_1154, %get3A_1155] {strides = array<i32>} : memref<200x128xf32, #tpu.memory_space<vmem>>, vector<1x16xf32>,
        %get3A_1157 = vector.shape_cast %get3A_1156 : vector<1x16xf32> to vector<16xf32>
        %add3A_1158 = arith.addf %add3A_1076, %get3A_1157 : vector<16xf32>
        %get3A_1159 = arith.index_cast %scan3A_1153 : i32 to index
        %get3A_1160 = arith.constant 16 : index
        %get3A_1161 = tpu.vector_load %arg11[%get3A_1159, %get3A_1160] {strides = array<i32>} : memref<200x128xf32, #tpu.memory_space<vmem>>, vector<1x16xf32>,
        %get3A_1162 = vector.shape_cast %get3A_1161 : vector<1x16xf32> to vector<16xf32>
        %add3A_1163 = arith.addf %add3A_1081, %get3A_1162 : vector<16xf32>
        %get3A_1164 = arith.index_cast %scan3A_1153 : i32 to index
        %get3A_1165 = arith.constant 32 : index
        %get3A_1166 = tpu.vector_load %arg11[%get3A_1164, %get3A_1165] {strides = array<i32>} : memref<200x128xf32, #tpu.memory_space<vmem>>, vector<1x16xf32>,
        %get3A_1167 = vector.shape_cast %get3A_1166 : vector<1x16xf32> to vector<16xf32>
        %add3A_1168 = arith.addf %add3A_1086, %get3A_1167 : vector<16xf32>
        %get3A_1169 = arith.index_cast %scan3A_1153 : i32 to index
        %get3A_1170 = arith.constant 48 : index
        %get3A_1171 = tpu.vector_load %arg11[%get3A_1169, %get3A_1170] {strides = array<i32>} : memref<200x128xf32, #tpu.memory_space<vmem>>, vector<1x16xf32>,
        %get3A_1172 = vector.shape_cast %get3A_1171 : vector<1x16xf32> to vector<16xf32>
        %add3A_1173 = arith.addf %add3A_1091, %get3A_1172 : vector<16xf32>
        %get3A_1174 = arith.index_cast %scan3A_1153 : i32 to index
        %get3A_1175 = arith.constant 64 : index
        %get3A_1176 = tpu.vector_load %arg11[%get3A_1174, %get3A_1175] {strides = array<i32>} : memref<200x128xf32, #tpu.memory_space<vmem>>, vector<1x16xf32>,
        %get3A_1177 = vector.shape_cast %get3A_1176 : vector<1x16xf32> to vector<16xf32>
        %add3A_1178 = arith.addf %add3A_1096, %get3A_1177 : vector<16xf32>
        %get3A_1179 = arith.index_cast %scan3A_1153 : i32 to index
        %get3A_1180 = arith.constant 80 : index
        %get3A_1181 = tpu.vector_load %arg11[%get3A_1179, %get3A_1180] {strides = array<i32>} : memref<200x128xf32, #tpu.memory_space<vmem>>, vector<1x16xf32>,
        %get3A_1182 = vector.shape_cast %get3A_1181 : vector<1x16xf32> to vector<16xf32>
        %add3A_1183 = arith.addf %add3A_1101, %get3A_1182 : vector<16xf32>
        %get3A_1184 = arith.index_cast %scan3A_1153 : i32 to index
        %get3A_1185 = arith.constant 96 : index
        %get3A_1186 = tpu.vector_load %arg11[%get3A_1184, %get3A_1185] {strides = array<i32>} : memref<200x128xf32, #tpu.memory_space<vmem>>, vector<1x16xf32>,
        %get3A_1187 = vector.shape_cast %get3A_1186 : vector<1x16xf32> to vector<16xf32>
        %add3A_1188 = arith.addf %add3A_1106, %get3A_1187 : vector<16xf32>
        %get3A_1189 = arith.index_cast %scan3A_1153 : i32 to index
        %get3A_1190 = arith.constant 112 : index
        %get3A_1191 = tpu.vector_load %arg11[%get3A_1189, %get3A_1190] {strides = array<i32>} : memref<200x128xf32, #tpu.memory_space<vmem>>, vector<1x16xf32>,
        %get3A_1192 = vector.shape_cast %get3A_1191 : vector<1x16xf32> to vector<16xf32>
        %add3A_1193 = arith.addf %add3A_1111, %get3A_1192 : vector<16xf32>
        %get3A_1194 = arith.index_cast %scan3A_1153 : i32 to index
        %get3A_1195 = arith.constant 0 : index
        %get3A_1196 = tpu.vector_load %arg13[%get3A_1194, %get3A_1195] {strides = array<i32>} : memref<200x128xf32, #tpu.memory_space<vmem>>, vector<1x16xf32>,
        %get3A_1197 = vector.shape_cast %get3A_1196 : vector<1x16xf32> to vector<16xf32>
        %add3A_1198 = arith.addf %add3A_1116, %get3A_1197 : vector<16xf32>
        %get3A_1199 = arith.index_cast %scan3A_1153 : i32 to index
        %get3A_1200 = arith.constant 16 : index
        %get3A_1201 = tpu.vector_load %arg13[%get3A_1199, %get3A_1200] {strides = array<i32>} : memref<200x128xf32, #tpu.memory_space<vmem>>, vector<1x16xf32>,
        %get3A_1202 = vector.shape_cast %get3A_1201 : vector<1x16xf32> to vector<16xf32>
        %add3A_1203 = arith.addf %add3A_1121, %get3A_1202 : vector<16xf32>
        %get3A_1204 = arith.index_cast %scan3A_1153 : i32 to index
        %get3A_1205 = arith.constant 32 : index
        %get3A_1206 = tpu.vector_load %arg13[%get3A_1204, %get3A_1205] {strides = array<i32>} : memref<200x128xf32, #tpu.memory_space<vmem>>, vector<1x16xf32>,
        %get3A_1207 = vector.shape_cast %get3A_1206 : vector<1x16xf32> to vector<16xf32>
        %add3A_1208 = arith.addf %add3A_1126, %get3A_1207 : vector<16xf32>
        %get3A_1209 = arith.index_cast %scan3A_1153 : i32 to index
        %get3A_1210 = arith.constant 48 : index
        %get3A_1211 = tpu.vector_load %arg13[%get3A_1209, %get3A_1210] {strides = array<i32>} : memref<200x128xf32, #tpu.memory_space<vmem>>, vector<1x16xf32>,
        %get3A_1212 = vector.shape_cast %get3A_1211 : vector<1x16xf32> to vector<16xf32>
        %add3A_1213 = arith.addf %add3A_1131, %get3A_1212 : vector<16xf32>
        %get3A_1214 = arith.index_cast %scan3A_1153 : i32 to index
        %get3A_1215 = arith.constant 64 : index
        %get3A_1216 = tpu.vector_load %arg13[%get3A_1214, %get3A_1215] {strides = array<i32>} : memref<200x128xf32, #tpu.memory_space<vmem>>, vector<1x16xf32>,
        %get3A_1217 = vector.shape_cast %get3A_1216 : vector<1x16xf32> to vector<16xf32>
        %add3A_1218 = arith.addf %add3A_1136, %get3A_1217 : vector<16xf32>
        %get3A_1219 = arith.index_cast %scan3A_1153 : i32 to index
        %get3A_1220 = arith.constant 80 : index
        %get3A_1221 = tpu.vector_load %arg13[%get3A_1219, %get3A_1220] {strides = array<i32>} : memref<200x128xf32, #tpu.memory_space<vmem>>, vector<1x16xf32>,
        %get3A_1222 = vector.shape_cast %get3A_1221 : vector<1x16xf32> to vector<16xf32>
        %add3A_1223 = arith.addf %add3A_1141, %get3A_1222 : vector<16xf32>
        %get3A_1224 = arith.index_cast %scan3A_1153 : i32 to index
        %get3A_1225 = arith.constant 96 : index
        %get3A_1226 = tpu.vector_load %arg13[%get3A_1224, %get3A_1225] {strides = array<i32>} : memref<200x128xf32, #tpu.memory_space<vmem>>, vector<1x16xf32>,
        %get3A_1227 = vector.shape_cast %get3A_1226 : vector<1x16xf32> to vector<16xf32>
        %add3A_1228 = arith.addf %add3A_1146, %get3A_1227 : vector<16xf32>
        %get3A_1229 = arith.index_cast %scan3A_1153 : i32 to index
        %get3A_1230 = arith.constant 112 : index
        %get3A_1231 = tpu.vector_load %arg13[%get3A_1229, %get3A_1230] {strides = array<i32>} : memref<200x128xf32, #tpu.memory_space<vmem>>, vector<1x16xf32>,
        %get3A_1232 = vector.shape_cast %get3A_1231 : vector<1x16xf32> to vector<16xf32>
        %add3A_1233 = arith.addf %add3A_1151, %get3A_1232 : vector<16xf32>
        scf.yield %add3A_1158, %add3A_1163, %add3A_1168, %add3A_1173, %add3A_1178, %add3A_1183, %add3A_1188, %add3A_1193, %add3A_1198, %add3A_1203, %add3A_1208, %add3A_1213, %add3A_1218, %add3A_1223, %add3A_1228, %add3A_1233 : vector<16xf32>, vector<16xf32>, vector<16xf32>, vector<16xf32>, vector<16xf32>, vector<16xf32>, vector<16xf32>, vector<16xf32>, vector<16xf32>, vector<16xf32>, vector<16xf32>, vector<16xf32>, vector<16xf32>, vector<16xf32>, vector<16xf32>, vector<16xf32>
      }
      %scan3A_810 = arith.constant 200 : i32
      %swap3A_811 = arith.constant 0 : index
      %swap3A_812 = tpu.vector_load %arg15[%swap3A_811] {strides = array<i32>} : memref<256xf32, #tpu.memory_space<vmem>>, vector<16xf32>,
      %swap3A_813 = vector.shape_cast %swap3A_812 : vector<16xf32> to vector<16xf32>
      %swap3A_814 = vector.shape_cast %scan3A_809#0 : vector<16xf32> to vector<16xf32>
      tpu.vector_store %arg15[%swap3A_811], %swap3A_814 {strides = array<i32>} : memref<256xf32, #tpu.memory_space<vmem>>, vector<16xf32>,
      %swap3A_815 = arith.constant 16 : index
      %swap3A_816 = tpu.vector_load %arg15[%swap3A_815] {strides = array<i32>} : memref<256xf32, #tpu.memory_space<vmem>>, vector<16xf32>,
      %swap3A_817 = vector.shape_cast %swap3A_816 : vector<16xf32> to vector<16xf32>
      %swap3A_818 = vector.shape_cast %scan3A_809#1 : vector<16xf32> to vector<16xf32>
      tpu.vector_store %arg15[%swap3A_815], %swap3A_818 {strides = array<i32>} : memref<256xf32, #tpu.memory_space<vmem>>, vector<16xf32>,
      %swap3A_819 = arith.constant 32 : index
      %swap3A_820 = tpu.vector_load %arg15[%swap3A_819] {strides = array<i32>} : memref<256xf32, #tpu.memory_space<vmem>>, vector<16xf32>,
      %swap3A_821 = vector.shape_cast %swap3A_820 : vector<16xf32> to vector<16xf32>
      %swap3A_822 = vector.shape_cast %scan3A_809#2 : vector<16xf32> to vector<16xf32>
      tpu.vector_store %arg15[%swap3A_819], %swap3A_822 {strides = array<i32>} : memref<256xf32, #tpu.memory_space<vmem>>, vector<16xf32>,
      %swap3A_823 = arith.constant 48 : index
      %swap3A_824 = tpu.vector_load %arg15[%swap3A_823] {strides = array<i32>} : memref<256xf32, #tpu.memory_space<vmem>>, vector<16xf32>,
      %swap3A_825 = vector.shape_cast %swap3A_824 : vector<16xf32> to vector<16xf32>
      %swap3A_826 = vector.shape_cast %scan3A_809#3 : vector<16xf32> to vector<16xf32>
      tpu.vector_store %arg15[%swap3A_823], %swap3A_826 {strides = array<i32>} : memref<256xf32, #tpu.memory_space<vmem>>, vector<16xf32>,
      %swap3A_827 = arith.constant 64 : index
      %swap3A_828 = tpu.vector_load %arg15[%swap3A_827] {strides = array<i32>} : memref<256xf32, #tpu.memory_space<vmem>>, vector<16xf32>,
      %swap3A_829 = vector.shape_cast %swap3A_828 : vector<16xf32> to vector<16xf32>
      %swap3A_830 = vector.shape_cast %scan3A_809#4 : vector<16xf32> to vector<16xf32>
      tpu.vector_store %arg15[%swap3A_827], %swap3A_830 {strides = array<i32>} : memref<256xf32, #tpu.memory_space<vmem>>, vector<16xf32>,
      %swap3A_831 = arith.constant 80 : index
      %swap3A_832 = tpu.vector_load %arg15[%swap3A_831] {strides = array<i32>} : memref<256xf32, #tpu.memory_space<vmem>>, vector<16xf32>,
      %swap3A_833 = vector.shape_cast %swap3A_832 : vector<16xf32> to vector<16xf32>
      %swap3A_834 = vector.shape_cast %scan3A_809#5 : vector<16xf32> to vector<16xf32>
      tpu.vector_store %arg15[%swap3A_831], %swap3A_834 {strides = array<i32>} : memref<256xf32, #tpu.memory_space<vmem>>, vector<16xf32>,
      %swap3A_835 = arith.constant 96 : index
      %swap3A_836 = tpu.vector_load %arg15[%swap3A_835] {strides = array<i32>} : memref<256xf32, #tpu.memory_space<vmem>>, vector<16xf32>,
      %swap3A_837 = vector.shape_cast %swap3A_836 : vector<16xf32> to vector<16xf32>
      %swap3A_838 = vector.shape_cast %scan3A_809#6 : vector<16xf32> to vector<16xf32>
      tpu.vector_store %arg15[%swap3A_835], %swap3A_838 {strides = array<i32>} : memref<256xf32, #tpu.memory_space<vmem>>, vector<16xf32>,
      %swap3A_839 = arith.constant 112 : index
      %swap3A_840 = tpu.vector_load %arg15[%swap3A_839] {strides = array<i32>} : memref<256xf32, #tpu.memory_space<vmem>>, vector<16xf32>,
      %swap3A_841 = vector.shape_cast %swap3A_840 : vector<16xf32> to vector<16xf32>
      %swap3A_842 = vector.shape_cast %scan3A_809#7 : vector<16xf32> to vector<16xf32>
      tpu.vector_store %arg15[%swap3A_839], %swap3A_842 {strides = array<i32>} : memref<256xf32, #tpu.memory_space<vmem>>, vector<16xf32>,
      %swap3A_843 = arith.constant 128 : index
      %swap3A_844 = tpu.vector_load %arg15[%swap3A_843] {strides = array<i32>} : memref<256xf32, #tpu.memory_space<vmem>>, vector<16xf32>,
      %swap3A_845 = vector.shape_cast %swap3A_844 : vector<16xf32> to vector<16xf32>
      %swap3A_846 = vector.shape_cast %scan3A_809#8 : vector<16xf32> to vector<16xf32>
      tpu.vector_store %arg15[%swap3A_843], %swap3A_846 {strides = array<i32>} : memref<256xf32, #tpu.memory_space<vmem>>, vector<16xf32>,
      %swap3A_847 = arith.constant 144 : index
      %swap3A_848 = tpu.vector_load %arg15[%swap3A_847] {strides = array<i32>} : memref<256xf32, #tpu.memory_space<vmem>>, vector<16xf32>,
      %swap3A_849 = vector.shape_cast %swap3A_848 : vector<16xf32> to vector<16xf32>
      %swap3A_850 = vector.shape_cast %scan3A_809#9 : vector<16xf32> to vector<16xf32>
      tpu.vector_store %arg15[%swap3A_847], %swap3A_850 {strides = array<i32>} : memref<256xf32, #tpu.memory_space<vmem>>, vector<16xf32>,
      %swap3A_851 = arith.constant 160 : index
      %swap3A_852 = tpu.vector_load %arg15[%swap3A_851] {strides = array<i32>} : memref<256xf32, #tpu.memory_space<vmem>>, vector<16xf32>,
      %swap3A_853 = vector.shape_cast %swap3A_852 : vector<16xf32> to vector<16xf32>
      %swap3A_854 = vector.shape_cast %scan3A_809#10 : vector<16xf32> to vector<16xf32>
      tpu.vector_store %arg15[%swap3A_851], %swap3A_854 {strides = array<i32>} : memref<256xf32, #tpu.memory_space<vmem>>, vector<16xf32>,
      %swap3A_855 = arith.constant 176 : index
      %swap3A_856 = tpu.vector_load %arg15[%swap3A_855] {strides = array<i32>} : memref<256xf32, #tpu.memory_space<vmem>>, vector<16xf32>,
      %swap3A_857 = vector.shape_cast %swap3A_856 : vector<16xf32> to vector<16xf32>
      %swap3A_858 = vector.shape_cast %scan3A_809#11 : vector<16xf32> to vector<16xf32>
      tpu.vector_store %arg15[%swap3A_855], %swap3A_858 {strides = array<i32>} : memref<256xf32, #tpu.memory_space<vmem>>, vector<16xf32>,
      %swap3A_859 = arith.constant 192 : index
      %swap3A_860 = tpu.vector_load %arg15[%swap3A_859] {strides = array<i32>} : memref<256xf32, #tpu.memory_space<vmem>>, vector<16xf32>,
      %swap3A_861 = vector.shape_cast %swap3A_860 : vector<16xf32> to vector<16xf32>
      %swap3A_862 = vector.shape_cast %scan3A_809#12 : vector<16xf32> to vector<16xf32>
      tpu.vector_store %arg15[%swap3A_859], %swap3A_862 {strides = array<i32>} : memref<256xf32, #tpu.memory_space<vmem>>, vector<16xf32>,
      %swap3A_863 = arith.constant 208 : index
      %swap3A_864 = tpu.vector_load %arg15[%swap3A_863] {strides = array<i32>} : memref<256xf32, #tpu.memory_space<vmem>>, vector<16xf32>,
      %swap3A_865 = vector.shape_cast %swap3A_864 : vector<16xf32> to vector<16xf32>
      %swap3A_866 = vector.shape_cast %scan3A_809#13 : vector<16xf32> to vector<16xf32>
      tpu.vector_store %arg15[%swap3A_863], %swap3A_866 {strides = array<i32>} : memref<256xf32, #tpu.memory_space<vmem>>, vector<16xf32>,
      %swap3A_867 = arith.constant 224 : index
      %swap3A_868 = tpu.vector_load %arg15[%swap3A_867] {strides = array<i32>} : memref<256xf32, #tpu.memory_space<vmem>>, vector<16xf32>,
      %swap3A_869 = vector.shape_cast %swap3A_868 : vector<16xf32> to vector<16xf32>
      %swap3A_870 = vector.shape_cast %scan3A_809#14 : vector<16xf32> to vector<16xf32>
      tpu.vector_store %arg15[%swap3A_867], %swap3A_870 {strides = array<i32>} : memref<256xf32, #tpu.memory_space<vmem>>, vector<16xf32>,
      %swap3A_871 = arith.constant 240 : index
      %swap3A_872 = tpu.vector_load %arg15[%swap3A_871] {strides = array<i32>} : memref<256xf32, #tpu.memory_space<vmem>>, vector<16xf32>,
      %swap3A_873 = vector.shape_cast %swap3A_872 : vector<16xf32> to vector<16xf32>
      %swap3A_874 = vector.shape_cast %scan3A_809#15 : vector<16xf32> to vector<16xf32>
      tpu.vector_store %arg15[%swap3A_871], %swap3A_874 {strides = array<i32>} : memref<256xf32, #tpu.memory_space<vmem>>, vector<16xf32>,
      %dma_start3A_875 = arith.constant 0 : i32
      %dma_start3A_876 = tpu.memref_slice %arg6[%add3A_708, %dma_start3A_875] : memref<4096x256xf32, #tpu.memory_space<hbm>> -> memref<1x256xf32, #tpu.memory_space<hbm>>
      %dma_start3A_877 = tpu.memref_squeeze %dma_start3A_876 : memref<1x256xf32, #tpu.memory_space<hbm>> -> memref<256xf32, #tpu.memory_space<hbm>>
      %dma_start3A_878 = arith.constant 0 : i32
      %dma_start3A_879 = tpu.memref_slice %arg6[%add3A_708, %dma_start3A_878] : memref<4096x256xf32, #tpu.memory_space<hbm>> -> memref<1x256xf32, #tpu.memory_space<hbm>>
      %dma_start3A_880 = tpu.memref_squeeze %dma_start3A_879 : memref<1x256xf32, #tpu.memory_space<hbm>> -> memref<256xf32, #tpu.memory_space<hbm>>
      tpu.enqueue_dma source(%arg15 : memref<256xf32, #tpu.memory_space<vmem>>) target(%dma_start3A_880 : memref<256xf32, #tpu.memory_space<hbm>>) target_semaphore(%arg21 : memref<!tpu.dma_semaphore, #tpu.memory_space<semaphore_mem>>)
      %add3A_881 = arith.constant 1 : i32
      %add3A_882 = arith.addi %add3A_706, %add3A_881 : i32
      %dma_wait3A_883 = arith.constant 0 : i32
      %dma_wait3A_884 = arith.constant 0 : i32
      %dma_wait3A_885 = tpu.memref_slice %arg2[%dma_wait3A_883, %dma_wait3A_884] : memref<4096x200xi32, #tpu.memory_space<hbm>> -> memref<1x200xi32, #tpu.memory_space<hbm>>
      %dma_wait3A_886 = tpu.memref_squeeze %dma_wait3A_885 : memref<1x200xi32, #tpu.memory_space<hbm>> -> memref<200xi32, #tpu.memory_space<hbm>>
      %dma_wait3A_887 = arith.constant 0 : i32
      %dma_wait3A_888 = tpu.memref_slice %arg2[%dma_wait3A_883, %dma_wait3A_887] : memref<4096x200xi32, #tpu.memory_space<hbm>> -> memref<1x200xi32, #tpu.memory_space<hbm>>
      %dma_wait3A_889 = tpu.memref_squeeze %dma_wait3A_888 : memref<1x200xi32, #tpu.memory_space<hbm>> -> memref<200xi32, #tpu.memory_space<hbm>>
      tpu.wait_dma2 semaphore(%arg19 : memref<!tpu.dma_semaphore, #tpu.memory_space<semaphore_mem>>) src(%dma_wait3A_889 : memref<200xi32, #tpu.memory_space<hbm>>) dst(%arg7 : memref<200xi32, #tpu.memory_space<vmem>>)
      %dma_wait3A_890 = arith.constant 0 : i32
      %dma_wait3A_891 = arith.constant 0 : i32
      %dma_wait3A_892 = tpu.memref_slice %arg3[%dma_wait3A_890, %dma_wait3A_891] : memref<4096x200xi32, #tpu.memory_space<hbm>> -> memref<1x200xi32, #tpu.memory_space<hbm>>
      %dma_wait3A_893 = tpu.memref_squeeze %dma_wait3A_892 : memref<1x200xi32, #tpu.memory_space<hbm>> -> memref<200xi32, #tpu.memory_space<hbm>>
      %dma_wait3A_894 = arith.constant 0 : i32
      %dma_wait3A_895 = tpu.memref_slice %arg3[%dma_wait3A_890, %dma_wait3A_894] : memref<4096x200xi32, #tpu.memory_space<hbm>> -> memref<1x200xi32, #tpu.memory_space<hbm>>
      %dma_wait3A_896 = tpu.memref_squeeze %dma_wait3A_895 : memref<1x200xi32, #tpu.memory_space<hbm>> -> memref<200xi32, #tpu.memory_space<hbm>>
      tpu.wait_dma2 semaphore(%arg19 : memref<!tpu.dma_semaphore, #tpu.memory_space<semaphore_mem>>) src(%dma_wait3A_896 : memref<200xi32, #tpu.memory_space<hbm>>) dst(%arg9 : memref<200xi32, #tpu.memory_space<vmem>>)
      %dma_start3A_897 = arith.constant 0 : i32
      %dma_start3A_898 = arith.constant 0 : i32
      %dma_start3A_899 = tpu.memref_slice %arg11[%dma_start3A_897, %dma_start3A_898] : memref<200x128xf32, #tpu.memory_space<vmem>> -> memref<128x128xf32, #tpu.memory_space<vmem>>
      %dma_start3A_900 = arith.constant 0 : i32
      %dma_start3A_901 = tpu.memref_slice %arg7[%dma_start3A_900] : memref<200xi32, #tpu.memory_space<vmem>> -> memref<128xi32, #tpu.memory_space<vmem>>
      %dma_start3A_902 = arith.constant 0 : i32
      %dma_start3A_903 = arith.constant 0 : i32
      %dma_start3A_904 = tpu.memref_slice %arg4[%dma_start3A_902, %dma_start3A_903] : memref<1000x128xf32, #tpu.memory_space<hbm>> -> memref<1000x128xf32, #tpu.memory_space<hbm>>
      tpu.enqueue_indirect_dma source(%dma_start3A_904 : memref<1000x128xf32, #tpu.memory_space<hbm>>) target(%dma_start3A_899 : memref<128x128xf32, #tpu.memory_space<vmem>>) offsets(%dma_start3A_901 : memref<128xi32, #tpu.memory_space<vmem>>) semaphore(%arg17 : memref<!tpu.dma_semaphore, #tpu.memory_space<semaphore_mem>>)
      %dma_start3A_905 = arith.constant 128 : i32
      %dma_start3A_906 = arith.constant 0 : i32
      %dma_start3A_907 = tpu.memref_slice %arg11[%dma_start3A_905, %dma_start3A_906] : memref<200x128xf32, #tpu.memory_space<vmem>> -> memref<72x128xf32, #tpu.memory_space<vmem>>
      %dma_start3A_908 = arith.constant 128 : i32
      %dma_start3A_909 = tpu.memref_slice %arg7[%dma_start3A_908] : memref<200xi32, #tpu.memory_space<vmem>> -> memref<72xi32, #tpu.memory_space<vmem>>
      %dma_start3A_910 = arith.constant 0 : i32
      %dma_start3A_911 = arith.constant 0 : i32
      %dma_start3A_912 = tpu.memref_slice %arg4[%dma_start3A_910, %dma_start3A_911] : memref<1000x128xf32, #tpu.memory_space<hbm>> -> memref<1000x128xf32, #tpu.memory_space<hbm>>
      tpu.enqueue_indirect_dma source(%dma_start3A_912 : memref<1000x128xf32, #tpu.memory_space<hbm>>) target(%dma_start3A_907 : memref<72x128xf32, #tpu.memory_space<vmem>>) offsets(%dma_start3A_909 : memref<72xi32, #tpu.memory_space<vmem>>) semaphore(%arg17 : memref<!tpu.dma_semaphore, #tpu.memory_space<semaphore_mem>>)
      %dma_start3A_913 = arith.constant 0 : i32
      %dma_start3A_914 = arith.constant 0 : i32
      %dma_start3A_915 = tpu.memref_slice %arg13[%dma_start3A_913, %dma_start3A_914] : memref<200x128xf32, #tpu.memory_space<vmem>> -> memref<128x128xf32, #tpu.memory_space<vmem>>
      %dma_start3A_916 = arith.constant 0 : i32
      %dma_start3A_917 = tpu.memref_slice %arg9[%dma_start3A_916] : memref<200xi32, #tpu.memory_space<vmem>> -> memref<128xi32, #tpu.memory_space<vmem>>
      %dma_start3A_918 = arith.constant 0 : i32
      %dma_start3A_919 = arith.constant 0 : i32
      %dma_start3A_920 = tpu.memref_slice %arg5[%dma_start3A_918, %dma_start3A_919] : memref<100000x128xf32, #tpu.memory_space<hbm>> -> memref<100000x128xf32, #tpu.memory_space<hbm>>
      tpu.enqueue_indirect_dma source(%dma_start3A_920 : memref<100000x128xf32, #tpu.memory_space<hbm>>) target(%dma_start3A_915 : memref<128x128xf32, #tpu.memory_space<vmem>>) offsets(%dma_start3A_917 : memref<128xi32, #tpu.memory_space<vmem>>) semaphore(%arg17 : memref<!tpu.dma_semaphore, #tpu.memory_space<semaphore_mem>>)
      %dma_start3A_921 = arith.constant 128 : i32
      %dma_start3A_922 = arith.constant 0 : i32
      %dma_start3A_923 = tpu.memref_slice %arg13[%dma_start3A_921, %dma_start3A_922] : memref<200x128xf32, #tpu.memory_space<vmem>> -> memref<72x128xf32, #tpu.memory_space<vmem>>
      %dma_start3A_924 = arith.constant 128 : i32
      %dma_start3A_925 = tpu.memref_slice %arg9[%dma_start3A_924] : memref<200xi32, #tpu.memory_space<vmem>> -> memref<72xi32, #tpu.memory_space<vmem>>
      %dma_start3A_926 = arith.constant 0 : i32
      %dma_start3A_927 = arith.constant 0 : i32
      %dma_start3A_928 = tpu.memref_slice %arg5[%dma_start3A_926, %dma_start3A_927] : memref<100000x128xf32, #tpu.memory_space<hbm>> -> memref<100000x128xf32, #tpu.memory_space<hbm>>
      tpu.enqueue_indirect_dma source(%dma_start3A_928 : memref<100000x128xf32, #tpu.memory_space<hbm>>) target(%dma_start3A_923 : memref<72x128xf32, #tpu.memory_space<vmem>>) offsets(%dma_start3A_925 : memref<72xi32, #tpu.memory_space<vmem>>) semaphore(%arg17 : memref<!tpu.dma_semaphore, #tpu.memory_space<semaphore_mem>>)
      %dma_wait3A_929 = arith.constant 0 : i32
      %dma_wait3A_930 = arith.constant 0 : i32
      %dma_wait3A_931 = tpu.memref_slice %arg4[%dma_wait3A_929, %dma_wait3A_930] : memref<1000x128xf32, #tpu.memory_space<hbm>> -> memref<200x128xf32, #tpu.memory_space<hbm>>
      %dma_wait3A_932 = arith.constant 0 : i32
      %dma_wait3A_933 = arith.constant 0 : i32
      %dma_wait3A_934 = tpu.memref_slice %arg4[%dma_wait3A_932, %dma_wait3A_933] : memref<1000x128xf32, #tpu.memory_space<hbm>> -> memref<200x128xf32, #tpu.memory_space<hbm>>
      tpu.wait_dma2 semaphore(%arg18 : memref<!tpu.dma_semaphore, #tpu.memory_space<semaphore_mem>>) src(%dma_wait3A_934 : memref<200x128xf32, #tpu.memory_space<hbm>>) dst(%arg12 : memref<200x128xf32, #tpu.memory_space<vmem>>)
      %dma_wait3A_935 = arith.constant 0 : i32
      %dma_wait3A_936 = arith.constant 0 : i32
      %dma_wait3A_937 = tpu.memref_slice %arg5[%dma_wait3A_935, %dma_wait3A_936] : memref<100000x128xf32, #tpu.memory_space<hbm>> -> memref<200x128xf32, #tpu.memory_space<hbm>>
      %dma_wait3A_938 = arith.constant 0 : i32
      %dma_wait3A_939 = arith.constant 0 : i32
      %dma_wait3A_940 = tpu.memref_slice %arg5[%dma_wait3A_938, %dma_wait3A_939] : memref<100000x128xf32, #tpu.memory_space<hbm>> -> memref<200x128xf32, #tpu.memory_space<hbm>>
      tpu.wait_dma2 semaphore(%arg18 : memref<!tpu.dma_semaphore, #tpu.memory_space<semaphore_mem>>) src(%dma_wait3A_940 : memref<200x128xf32, #tpu.memory_space<hbm>>) dst(%arg14 : memref<200x128xf32, #tpu.memory_space<vmem>>)
      %add3A_941 = arith.constant 2 : i32
      %add3A_942 = arith.addi %add3A_882, %add3A_941 : i32
      %dma_start3A_943 = arith.constant 0 : i32
      %dma_start3A_944 = tpu.memref_slice %arg2[%add3A_942, %dma_start3A_943] : memref<4096x200xi32, #tpu.memory_space<hbm>> -> memref<1x200xi32, #tpu.memory_space<hbm>>
      %dma_start3A_945 = tpu.memref_squeeze %dma_start3A_944 : memref<1x200xi32, #tpu.memory_space<hbm>> -> memref<200xi32, #tpu.memory_space<hbm>>
      %dma_start3A_946 = arith.constant 0 : i32
      %dma_start3A_947 = tpu.memref_slice %arg2[%add3A_942, %dma_start3A_946] : memref<4096x200xi32, #tpu.memory_space<hbm>> -> memref<1x200xi32, #tpu.memory_space<hbm>>
      %dma_start3A_948 = tpu.memref_squeeze %dma_start3A_947 : memref<1x200xi32, #tpu.memory_space<hbm>> -> memref<200xi32, #tpu.memory_space<hbm>>
      tpu.enqueue_dma source(%dma_start3A_948 : memref<200xi32, #tpu.memory_space<hbm>>) target(%arg8 : memref<200xi32, #tpu.memory_space<vmem>>) target_semaphore(%arg20 : memref<!tpu.dma_semaphore, #tpu.memory_space<semaphore_mem>>)
      %dma_start3A_949 = arith.constant 0 : i32
      %dma_start3A_950 = tpu.memref_slice %arg3[%add3A_942, %dma_start3A_949] : memref<4096x200xi32, #tpu.memory_space<hbm>> -> memref<1x200xi32, #tpu.memory_space<hbm>>
      %dma_start3A_951 = tpu.memref_squeeze %dma_start3A_950 : memref<1x200xi32, #tpu.memory_space<hbm>> -> memref<200xi32, #tpu.memory_space<hbm>>
      %dma_start3A_952 = arith.constant 0 : i32
      %dma_start3A_953 = tpu.memref_slice %arg3[%add3A_942, %dma_start3A_952] : memref<4096x200xi32, #tpu.memory_space<hbm>> -> memref<1x200xi32, #tpu.memory_space<hbm>>
      %dma_start3A_954 = tpu.memref_squeeze %dma_start3A_953 : memref<1x200xi32, #tpu.memory_space<hbm>> -> memref<200xi32, #tpu.memory_space<hbm>>
      tpu.enqueue_dma source(%dma_start3A_954 : memref<200xi32, #tpu.memory_space<hbm>>) target(%arg10 : memref<200xi32, #tpu.memory_space<vmem>>) target_semaphore(%arg20 : memref<!tpu.dma_semaphore, #tpu.memory_space<semaphore_mem>>)
      %dma_wait3A_955 = arith.constant 0 : i32
      %dma_wait3A_956 = arith.constant 0 : i32
      %dma_wait3A_957 = tpu.memref_slice %arg16[%dma_wait3A_956] : memref<256xf32, #tpu.memory_space<vmem>> -> memref<128xf32, #tpu.memory_space<vmem>>
      %dma_wait3A_958 = arith.constant 0 : i32
      %dma_wait3A_959 = tpu.memref_slice %arg4[%dma_wait3A_955, %dma_wait3A_958] : memref<1000x128xf32, #tpu.memory_space<hbm>> -> memref<1x128xf32, #tpu.memory_space<hbm>>
      %dma_wait3A_960 = tpu.memref_squeeze %dma_wait3A_959 : memref<1x128xf32, #tpu.memory_space<hbm>> -> memref<128xf32, #tpu.memory_space<hbm>>
      %dma_wait3A_961 = arith.constant 0 : i32
      %dma_wait3A_962 = tpu.memref_slice %arg16[%dma_wait3A_961] : memref<256xf32, #tpu.memory_space<vmem>> -> memref<128xf32, #tpu.memory_space<vmem>>
      %dma_wait3A_963 = arith.constant 0 : i32
      %dma_wait3A_964 = tpu.memref_slice %arg4[%dma_wait3A_955, %dma_wait3A_963] : memref<1000x128xf32, #tpu.memory_space<hbm>> -> memref<1x128xf32, #tpu.memory_space<hbm>>
      %dma_wait3A_965 = tpu.memref_squeeze %dma_wait3A_964 : memref<1x128xf32, #tpu.memory_space<hbm>> -> memref<128xf32, #tpu.memory_space<hbm>>
      tpu.wait_dma2 semaphore(%arg22 : memref<!tpu.dma_semaphore, #tpu.memory_space<semaphore_mem>>) src(%dma_wait3A_965 : memref<128xf32, #tpu.memory_space<hbm>>) dst(%dma_wait3A_962 : memref<128xf32, #tpu.memory_space<vmem>>)
      %dma_wait3A_966 = arith.constant 0 : i32
      %dma_wait3A_967 = arith.constant 128 : i32
      %dma_wait3A_968 = tpu.memref_slice %arg16[%dma_wait3A_967] : memref<256xf32, #tpu.memory_space<vmem>> -> memref<128xf32, #tpu.memory_space<vmem>>
      %dma_wait3A_969 = arith.constant 0 : i32
      %dma_wait3A_970 = tpu.memref_slice %arg4[%dma_wait3A_966, %dma_wait3A_969] : memref<1000x128xf32, #tpu.memory_space<hbm>> -> memref<1x128xf32, #tpu.memory_space<hbm>>
      %dma_wait3A_971 = tpu.memref_squeeze %dma_wait3A_970 : memref<1x128xf32, #tpu.memory_space<hbm>> -> memref<128xf32, #tpu.memory_space<hbm>>
      %dma_wait3A_972 = arith.constant 128 : i32
      %dma_wait3A_973 = tpu.memref_slice %arg16[%dma_wait3A_972] : memref<256xf32, #tpu.memory_space<vmem>> -> memref<128xf32, #tpu.memory_space<vmem>>
      %dma_wait3A_974 = arith.constant 0 : i32
      %dma_wait3A_975 = tpu.memref_slice %arg4[%dma_wait3A_966, %dma_wait3A_974] : memref<1000x128xf32, #tpu.memory_space<hbm>> -> memref<1x128xf32, #tpu.memory_space<hbm>>
      %dma_wait3A_976 = tpu.memref_squeeze %dma_wait3A_975 : memref<1x128xf32, #tpu.memory_space<hbm>> -> memref<128xf32, #tpu.memory_space<hbm>>
      tpu.wait_dma2 semaphore(%arg22 : memref<!tpu.dma_semaphore, #tpu.memory_space<semaphore_mem>>) src(%dma_wait3A_976 : memref<128xf32, #tpu.memory_space<hbm>>) dst(%dma_wait3A_973 : memref<128xf32, #tpu.memory_space<vmem>>)
      %broadcast_in_dim3A_977 = arith.constant 0.000000e+00 : f32
      %broadcast_in_dim3A_978 = vector.broadcast %broadcast_in_dim3A_977 : f32 to vector<16xf32>
      %scan3A_979 = arith.constant 0 : i32
      %scan3A_980 = arith.constant 200 : i32
      %scan3A_981 = arith.addi %scan3A_979, %scan3A_980 : i32
      %scan3A_982 = arith.constant 2 : i32
      %scan3A_983:16 = scf.for %scan3A_1056 = %scan3A_979 to %scan3A_981 step %scan3A_982 iter_args(%scan3A_1057 = %broadcast_in_dim3A_978, %scan3A_1058 = %broadcast_in_dim3A_978, %scan3A_1059 = %broadcast_in_dim3A_978, %scan3A_1060 = %broadcast_in_dim3A_978, %scan3A_1061 = %broadcast_in_dim3A_978, %scan3A_1062 = %broadcast_in_dim3A_978, %scan3A_1063 = %broadcast_in_dim3A_978, %scan3A_1064 = %broadcast_in_dim3A_978, %scan3A_1065 = %broadcast_in_dim3A_978, %scan3A_1066 = %broadcast_in_dim3A_978, %scan3A_1067 = %broadcast_in_dim3A_978, %scan3A_1068 = %broadcast_in_dim3A_978, %scan3A_1069 = %broadcast_in_dim3A_978, %scan3A_1070 = %broadcast_in_dim3A_978, %scan3A_1071 = %broadcast_in_dim3A_978, %scan3A_1072 = %broadcast_in_dim3A_978) -> (vector<16xf32>, vector<16xf32>, vector<16xf32>, vector<16xf32>, vector<16xf32>, vector<16xf32>, vector<16xf32>, vector<16xf32>, vector<16xf32>, vector<16xf32>, vector<16xf32>, vector<16xf32>, vector<16xf32>, vector<16xf32>, vector<16xf32>, vector<16xf32>)  : i32 {
        %get3A = arith.index_cast %scan3A_1056 : i32 to index
        %get3A_1073 = arith.constant 0 : index
        %get3A_1074 = tpu.vector_load %arg12[%get3A, %get3A_1073] {strides = array<i32>} : memref<200x128xf32, #tpu.memory_space<vmem>>, vector<1x16xf32>,
        %get3A_1075 = vector.shape_cast %get3A_1074 : vector<1x16xf32> to vector<16xf32>
        %add3A_1076 = arith.addf %scan3A_1057, %get3A_1075 : vector<16xf32>
        %get3A_1077 = arith.index_cast %scan3A_1056 : i32 to index
        %get3A_1078 = arith.constant 16 : index
        %get3A_1079 = tpu.vector_load %arg12[%get3A_1077, %get3A_1078] {strides = array<i32>} : memref<200x128xf32, #tpu.memory_space<vmem>>, vector<1x16xf32>,
        %get3A_1080 = vector.shape_cast %get3A_1079 : vector<1x16xf32> to vector<16xf32>
        %add3A_1081 = arith.addf %scan3A_1058, %get3A_1080 : vector<16xf32>
        %get3A_1082 = arith.index_cast %scan3A_1056 : i32 to index
        %get3A_1083 = arith.constant 32 : index
        %get3A_1084 = tpu.vector_load %arg12[%get3A_1082, %get3A_1083] {strides = array<i32>} : memref<200x128xf32, #tpu.memory_space<vmem>>, vector<1x16xf32>,
        %get3A_1085 = vector.shape_cast %get3A_1084 : vector<1x16xf32> to vector<16xf32>
        %add3A_1086 = arith.addf %scan3A_1059, %get3A_1085 : vector<16xf32>
        %get3A_1087 = arith.index_cast %scan3A_1056 : i32 to index
        %get3A_1088 = arith.constant 48 : index
        %get3A_1089 = tpu.vector_load %arg12[%get3A_1087, %get3A_1088] {strides = array<i32>} : memref<200x128xf32, #tpu.memory_space<vmem>>, vector<1x16xf32>,
        %get3A_1090 = vector.shape_cast %get3A_1089 : vector<1x16xf32> to vector<16xf32>
        %add3A_1091 = arith.addf %scan3A_1060, %get3A_1090 : vector<16xf32>
        %get3A_1092 = arith.index_cast %scan3A_1056 : i32 to index
        %get3A_1093 = arith.constant 64 : index
        %get3A_1094 = tpu.vector_load %arg12[%get3A_1092, %get3A_1093] {strides = array<i32>} : memref<200x128xf32, #tpu.memory_space<vmem>>, vector<1x16xf32>,
        %get3A_1095 = vector.shape_cast %get3A_1094 : vector<1x16xf32> to vector<16xf32>
        %add3A_1096 = arith.addf %scan3A_1061, %get3A_1095 : vector<16xf32>
        %get3A_1097 = arith.index_cast %scan3A_1056 : i32 to index
        %get3A_1098 = arith.constant 80 : index
        %get3A_1099 = tpu.vector_load %arg12[%get3A_1097, %get3A_1098] {strides = array<i32>} : memref<200x128xf32, #tpu.memory_space<vmem>>, vector<1x16xf32>,
        %get3A_1100 = vector.shape_cast %get3A_1099 : vector<1x16xf32> to vector<16xf32>
        %add3A_1101 = arith.addf %scan3A_1062, %get3A_1100 : vector<16xf32>
        %get3A_1102 = arith.index_cast %scan3A_1056 : i32 to index
        %get3A_1103 = arith.constant 96 : index
        %get3A_1104 = tpu.vector_load %arg12[%get3A_1102, %get3A_1103] {strides = array<i32>} : memref<200x128xf32, #tpu.memory_space<vmem>>, vector<1x16xf32>,
        %get3A_1105 = vector.shape_cast %get3A_1104 : vector<1x16xf32> to vector<16xf32>
        %add3A_1106 = arith.addf %scan3A_1063, %get3A_1105 : vector<16xf32>
        %get3A_1107 = arith.index_cast %scan3A_1056 : i32 to index
        %get3A_1108 = arith.constant 112 : index
        %get3A_1109 = tpu.vector_load %arg12[%get3A_1107, %get3A_1108] {strides = array<i32>} : memref<200x128xf32, #tpu.memory_space<vmem>>, vector<1x16xf32>,
        %get3A_1110 = vector.shape_cast %get3A_1109 : vector<1x16xf32> to vector<16xf32>
        %add3A_1111 = arith.addf %scan3A_1064, %get3A_1110 : vector<16xf32>
        %get3A_1112 = arith.index_cast %scan3A_1056 : i32 to index
        %get3A_1113 = arith.constant 0 : index
        %get3A_1114 = tpu.vector_load %arg14[%get3A_1112, %get3A_1113] {strides = array<i32>} : memref<200x128xf32, #tpu.memory_space<vmem>>, vector<1x16xf32>,
        %get3A_1115 = vector.shape_cast %get3A_1114 : vector<1x16xf32> to vector<16xf32>
        %add3A_1116 = arith.addf %scan3A_1065, %get3A_1115 : vector<16xf32>
        %get3A_1117 = arith.index_cast %scan3A_1056 : i32 to index
        %get3A_1118 = arith.constant 16 : index
        %get3A_1119 = tpu.vector_load %arg14[%get3A_1117, %get3A_1118] {strides = array<i32>} : memref<200x128xf32, #tpu.memory_space<vmem>>, vector<1x16xf32>,
        %get3A_1120 = vector.shape_cast %get3A_1119 : vector<1x16xf32> to vector<16xf32>
        %add3A_1121 = arith.addf %scan3A_1066, %get3A_1120 : vector<16xf32>
        %get3A_1122 = arith.index_cast %scan3A_1056 : i32 to index
        %get3A_1123 = arith.constant 32 : index
        %get3A_1124 = tpu.vector_load %arg14[%get3A_1122, %get3A_1123] {strides = array<i32>} : memref<200x128xf32, #tpu.memory_space<vmem>>, vector<1x16xf32>,
        %get3A_1125 = vector.shape_cast %get3A_1124 : vector<1x16xf32> to vector<16xf32>
        %add3A_1126 = arith.addf %scan3A_1067, %get3A_1125 : vector<16xf32>
        %get3A_1127 = arith.index_cast %scan3A_1056 : i32 to index
        %get3A_1128 = arith.constant 48 : index
        %get3A_1129 = tpu.vector_load %arg14[%get3A_1127, %get3A_1128] {strides = array<i32>} : memref<200x128xf32, #tpu.memory_space<vmem>>, vector<1x16xf32>,
        %get3A_1130 = vector.shape_cast %get3A_1129 : vector<1x16xf32> to vector<16xf32>
        %add3A_1131 = arith.addf %scan3A_1068, %get3A_1130 : vector<16xf32>
        %get3A_1132 = arith.index_cast %scan3A_1056 : i32 to index
        %get3A_1133 = arith.constant 64 : index
        %get3A_1134 = tpu.vector_load %arg14[%get3A_1132, %get3A_1133] {strides = array<i32>} : memref<200x128xf32, #tpu.memory_space<vmem>>, vector<1x16xf32>,
        %get3A_1135 = vector.shape_cast %get3A_1134 : vector<1x16xf32> to vector<16xf32>
        %add3A_1136 = arith.addf %scan3A_1069, %get3A_1135 : vector<16xf32>
        %get3A_1137 = arith.index_cast %scan3A_1056 : i32 to index
        %get3A_1138 = arith.constant 80 : index
        %get3A_1139 = tpu.vector_load %arg14[%get3A_1137, %get3A_1138] {strides = array<i32>} : memref<200x128xf32, #tpu.memory_space<vmem>>, vector<1x16xf32>,
        %get3A_1140 = vector.shape_cast %get3A_1139 : vector<1x16xf32> to vector<16xf32>
        %add3A_1141 = arith.addf %scan3A_1070, %get3A_1140 : vector<16xf32>
        %get3A_1142 = arith.index_cast %scan3A_1056 : i32 to index
        %get3A_1143 = arith.constant 96 : index
        %get3A_1144 = tpu.vector_load %arg14[%get3A_1142, %get3A_1143] {strides = array<i32>} : memref<200x128xf32, #tpu.memory_space<vmem>>, vector<1x16xf32>,
        %get3A_1145 = vector.shape_cast %get3A_1144 : vector<1x16xf32> to vector<16xf32>
        %add3A_1146 = arith.addf %scan3A_1071, %get3A_1145 : vector<16xf32>
        %get3A_1147 = arith.index_cast %scan3A_1056 : i32 to index
        %get3A_1148 = arith.constant 112 : index
        %get3A_1149 = tpu.vector_load %arg14[%get3A_1147, %get3A_1148] {strides = array<i32>} : memref<200x128xf32, #tpu.memory_space<vmem>>, vector<1x16xf32>,
        %get3A_1150 = vector.shape_cast %get3A_1149 : vector<1x16xf32> to vector<16xf32>
        %add3A_1151 = arith.addf %scan3A_1072, %get3A_1150 : vector<16xf32>
        %scan3A_1152 = arith.constant 1 : i32
        %scan3A_1153 = arith.addi %scan3A_1056, %scan3A_1152 : i32
        %get3A_1154 = arith.index_cast %scan3A_1153 : i32 to index
        %get3A_1155 = arith.constant 0 : index
        %get3A_1156 = tpu.vector_load %arg12[%get3A_1154, %get3A_1155] {strides = array<i32>} : memref<200x128xf32, #tpu.memory_space<vmem>>, vector<1x16xf32>,
        %get3A_1157 = vector.shape_cast %get3A_1156 : vector<1x16xf32> to vector<16xf32>
        %add3A_1158 = arith.addf %add3A_1076, %get3A_1157 : vector<16xf32>
        %get3A_1159 = arith.index_cast %scan3A_1153 : i32 to index
        %get3A_1160 = arith.constant 16 : index
        %get3A_1161 = tpu.vector_load %arg12[%get3A_1159, %get3A_1160] {strides = array<i32>} : memref<200x128xf32, #tpu.memory_space<vmem>>, vector<1x16xf32>,
        %get3A_1162 = vector.shape_cast %get3A_1161 : vector<1x16xf32> to vector<16xf32>
        %add3A_1163 = arith.addf %add3A_1081, %get3A_1162 : vector<16xf32>
        %get3A_1164 = arith.index_cast %scan3A_1153 : i32 to index
        %get3A_1165 = arith.constant 32 : index
        %get3A_1166 = tpu.vector_load %arg12[%get3A_1164, %get3A_1165] {strides = array<i32>} : memref<200x128xf32, #tpu.memory_space<vmem>>, vector<1x16xf32>,
        %get3A_1167 = vector.shape_cast %get3A_1166 : vector<1x16xf32> to vector<16xf32>
        %add3A_1168 = arith.addf %add3A_1086, %get3A_1167 : vector<16xf32>
        %get3A_1169 = arith.index_cast %scan3A_1153 : i32 to index
        %get3A_1170 = arith.constant 48 : index
        %get3A_1171 = tpu.vector_load %arg12[%get3A_1169, %get3A_1170] {strides = array<i32>} : memref<200x128xf32, #tpu.memory_space<vmem>>, vector<1x16xf32>,
        %get3A_1172 = vector.shape_cast %get3A_1171 : vector<1x16xf32> to vector<16xf32>
        %add3A_1173 = arith.addf %add3A_1091, %get3A_1172 : vector<16xf32>
        %get3A_1174 = arith.index_cast %scan3A_1153 : i32 to index
        %get3A_1175 = arith.constant 64 : index
        %get3A_1176 = tpu.vector_load %arg12[%get3A_1174, %get3A_1175] {strides = array<i32>} : memref<200x128xf32, #tpu.memory_space<vmem>>, vector<1x16xf32>,
        %get3A_1177 = vector.shape_cast %get3A_1176 : vector<1x16xf32> to vector<16xf32>
        %add3A_1178 = arith.addf %add3A_1096, %get3A_1177 : vector<16xf32>
        %get3A_1179 = arith.index_cast %scan3A_1153 : i32 to index
        %get3A_1180 = arith.constant 80 : index
        %get3A_1181 = tpu.vector_load %arg12[%get3A_1179, %get3A_1180] {strides = array<i32>} : memref<200x128xf32, #tpu.memory_space<vmem>>, vector<1x16xf32>,
        %get3A_1182 = vector.shape_cast %get3A_1181 : vector<1x16xf32> to vector<16xf32>
        %add3A_1183 = arith.addf %add3A_1101, %get3A_1182 : vector<16xf32>
        %get3A_1184 = arith.index_cast %scan3A_1153 : i32 to index
        %get3A_1185 = arith.constant 96 : index
        %get3A_1186 = tpu.vector_load %arg12[%get3A_1184, %get3A_1185] {strides = array<i32>} : memref<200x128xf32, #tpu.memory_space<vmem>>, vector<1x16xf32>,
        %get3A_1187 = vector.shape_cast %get3A_1186 : vector<1x16xf32> to vector<16xf32>
        %add3A_1188 = arith.addf %add3A_1106, %get3A_1187 : vector<16xf32>
        %get3A_1189 = arith.index_cast %scan3A_1153 : i32 to index
        %get3A_1190 = arith.constant 112 : index
        %get3A_1191 = tpu.vector_load %arg12[%get3A_1189, %get3A_1190] {strides = array<i32>} : memref<200x128xf32, #tpu.memory_space<vmem>>, vector<1x16xf32>,
        %get3A_1192 = vector.shape_cast %get3A_1191 : vector<1x16xf32> to vector<16xf32>
        %add3A_1193 = arith.addf %add3A_1111, %get3A_1192 : vector<16xf32>
        %get3A_1194 = arith.index_cast %scan3A_1153 : i32 to index
        %get3A_1195 = arith.constant 0 : index
        %get3A_1196 = tpu.vector_load %arg14[%get3A_1194, %get3A_1195] {strides = array<i32>} : memref<200x128xf32, #tpu.memory_space<vmem>>, vector<1x16xf32>,
        %get3A_1197 = vector.shape_cast %get3A_1196 : vector<1x16xf32> to vector<16xf32>
        %add3A_1198 = arith.addf %add3A_1116, %get3A_1197 : vector<16xf32>
        %get3A_1199 = arith.index_cast %scan3A_1153 : i32 to index
        %get3A_1200 = arith.constant 16 : index
        %get3A_1201 = tpu.vector_load %arg14[%get3A_1199, %get3A_1200] {strides = array<i32>} : memref<200x128xf32, #tpu.memory_space<vmem>>, vector<1x16xf32>,
        %get3A_1202 = vector.shape_cast %get3A_1201 : vector<1x16xf32> to vector<16xf32>
        %add3A_1203 = arith.addf %add3A_1121, %get3A_1202 : vector<16xf32>
        %get3A_1204 = arith.index_cast %scan3A_1153 : i32 to index
        %get3A_1205 = arith.constant 32 : index
        %get3A_1206 = tpu.vector_load %arg14[%get3A_1204, %get3A_1205] {strides = array<i32>} : memref<200x128xf32, #tpu.memory_space<vmem>>, vector<1x16xf32>,
        %get3A_1207 = vector.shape_cast %get3A_1206 : vector<1x16xf32> to vector<16xf32>
        %add3A_1208 = arith.addf %add3A_1126, %get3A_1207 : vector<16xf32>
        %get3A_1209 = arith.index_cast %scan3A_1153 : i32 to index
        %get3A_1210 = arith.constant 48 : index
        %get3A_1211 = tpu.vector_load %arg14[%get3A_1209, %get3A_1210] {strides = array<i32>} : memref<200x128xf32, #tpu.memory_space<vmem>>, vector<1x16xf32>,
        %get3A_1212 = vector.shape_cast %get3A_1211 : vector<1x16xf32> to vector<16xf32>
        %add3A_1213 = arith.addf %add3A_1131, %get3A_1212 : vector<16xf32>
        %get3A_1214 = arith.index_cast %scan3A_1153 : i32 to index
        %get3A_1215 = arith.constant 64 : index
        %get3A_1216 = tpu.vector_load %arg14[%get3A_1214, %get3A_1215] {strides = array<i32>} : memref<200x128xf32, #tpu.memory_space<vmem>>, vector<1x16xf32>,
        %get3A_1217 = vector.shape_cast %get3A_1216 : vector<1x16xf32> to vector<16xf32>
        %add3A_1218 = arith.addf %add3A_1136, %get3A_1217 : vector<16xf32>
        %get3A_1219 = arith.index_cast %scan3A_1153 : i32 to index
        %get3A_1220 = arith.constant 80 : index
        %get3A_1221 = tpu.vector_load %arg14[%get3A_1219, %get3A_1220] {strides = array<i32>} : memref<200x128xf32, #tpu.memory_space<vmem>>, vector<1x16xf32>,
        %get3A_1222 = vector.shape_cast %get3A_1221 : vector<1x16xf32> to vector<16xf32>
        %add3A_1223 = arith.addf %add3A_1141, %get3A_1222 : vector<16xf32>
        %get3A_1224 = arith.index_cast %scan3A_1153 : i32 to index
        %get3A_1225 = arith.constant 96 : index
        %get3A_1226 = tpu.vector_load %arg14[%get3A_1224, %get3A_1225] {strides = array<i32>} : memref<200x128xf32, #tpu.memory_space<vmem>>, vector<1x16xf32>,
        %get3A_1227 = vector.shape_cast %get3A_1226 : vector<1x16xf32> to vector<16xf32>
        %add3A_1228 = arith.addf %add3A_1146, %get3A_1227 : vector<16xf32>
        %get3A_1229 = arith.index_cast %scan3A_1153 : i32 to index
        %get3A_1230 = arith.constant 112 : index
        %get3A_1231 = tpu.vector_load %arg14[%get3A_1229, %get3A_1230] {strides = array<i32>} : memref<200x128xf32, #tpu.memory_space<vmem>>, vector<1x16xf32>,
        %get3A_1232 = vector.shape_cast %get3A_1231 : vector<1x16xf32> to vector<16xf32>
        %add3A_1233 = arith.addf %add3A_1151, %get3A_1232 : vector<16xf32>
        scf.yield %add3A_1158, %add3A_1163, %add3A_1168, %add3A_1173, %add3A_1178, %add3A_1183, %add3A_1188, %add3A_1193, %add3A_1198, %add3A_1203, %add3A_1208, %add3A_1213, %add3A_1218, %add3A_1223, %add3A_1228, %add3A_1233 : vector<16xf32>, vector<16xf32>, vector<16xf32>, vector<16xf32>, vector<16xf32>, vector<16xf32>, vector<16xf32>, vector<16xf32>, vector<16xf32>, vector<16xf32>, vector<16xf32>, vector<16xf32>, vector<16xf32>, vector<16xf32>, vector<16xf32>, vector<16xf32>
      }
      %scan3A_984 = arith.constant 200 : i32
      %swap3A_985 = arith.constant 0 : index
      %swap3A_986 = tpu.vector_load %arg16[%swap3A_985] {strides = array<i32>} : memref<256xf32, #tpu.memory_space<vmem>>, vector<16xf32>,
      %swap3A_987 = vector.shape_cast %swap3A_986 : vector<16xf32> to vector<16xf32>
      %swap3A_988 = vector.shape_cast %scan3A_983#0 : vector<16xf32> to vector<16xf32>
      tpu.vector_store %arg16[%swap3A_985], %swap3A_988 {strides = array<i32>} : memref<256xf32, #tpu.memory_space<vmem>>, vector<16xf32>,
      %swap3A_989 = arith.constant 16 : index
      %swap3A_990 = tpu.vector_load %arg16[%swap3A_989] {strides = array<i32>} : memref<256xf32, #tpu.memory_space<vmem>>, vector<16xf32>,
      %swap3A_991 = vector.shape_cast %swap3A_990 : vector<16xf32> to vector<16xf32>
      %swap3A_992 = vector.shape_cast %scan3A_983#1 : vector<16xf32> to vector<16xf32>
      tpu.vector_store %arg16[%swap3A_989], %swap3A_992 {strides = array<i32>} : memref<256xf32, #tpu.memory_space<vmem>>, vector<16xf32>,
      %swap3A_993 = arith.constant 32 : index
      %swap3A_994 = tpu.vector_load %arg16[%swap3A_993] {strides = array<i32>} : memref<256xf32, #tpu.memory_space<vmem>>, vector<16xf32>,
      %swap3A_995 = vector.shape_cast %swap3A_994 : vector<16xf32> to vector<16xf32>
      %swap3A_996 = vector.shape_cast %scan3A_983#2 : vector<16xf32> to vector<16xf32>
      tpu.vector_store %arg16[%swap3A_993], %swap3A_996 {strides = array<i32>} : memref<256xf32, #tpu.memory_space<vmem>>, vector<16xf32>,
      %swap3A_997 = arith.constant 48 : index
      %swap3A_998 = tpu.vector_load %arg16[%swap3A_997] {strides = array<i32>} : memref<256xf32, #tpu.memory_space<vmem>>, vector<16xf32>,
      %swap3A_999 = vector.shape_cast %swap3A_998 : vector<16xf32> to vector<16xf32>
      %swap3A_1000 = vector.shape_cast %scan3A_983#3 : vector<16xf32> to vector<16xf32>
      tpu.vector_store %arg16[%swap3A_997], %swap3A_1000 {strides = array<i32>} : memref<256xf32, #tpu.memory_space<vmem>>, vector<16xf32>,
      %swap3A_1001 = arith.constant 64 : index
      %swap3A_1002 = tpu.vector_load %arg16[%swap3A_1001] {strides = array<i32>} : memref<256xf32, #tpu.memory_space<vmem>>, vector<16xf32>,
      %swap3A_1003 = vector.shape_cast %swap3A_1002 : vector<16xf32> to vector<16xf32>
      %swap3A_1004 = vector.shape_cast %scan3A_983#4 : vector<16xf32> to vector<16xf32>
      tpu.vector_store %arg16[%swap3A_1001], %swap3A_1004 {strides = array<i32>} : memref<256xf32, #tpu.memory_space<vmem>>, vector<16xf32>,
      %swap3A_1005 = arith.constant 80 : index
      %swap3A_1006 = tpu.vector_load %arg16[%swap3A_1005] {strides = array<i32>} : memref<256xf32, #tpu.memory_space<vmem>>, vector<16xf32>,
      %swap3A_1007 = vector.shape_cast %swap3A_1006 : vector<16xf32> to vector<16xf32>
      %swap3A_1008 = vector.shape_cast %scan3A_983#5 : vector<16xf32> to vector<16xf32>
      tpu.vector_store %arg16[%swap3A_1005], %swap3A_1008 {strides = array<i32>} : memref<256xf32, #tpu.memory_space<vmem>>, vector<16xf32>,
      %swap3A_1009 = arith.constant 96 : index
      %swap3A_1010 = tpu.vector_load %arg16[%swap3A_1009] {strides = array<i32>} : memref<256xf32, #tpu.memory_space<vmem>>, vector<16xf32>,
      %swap3A_1011 = vector.shape_cast %swap3A_1010 : vector<16xf32> to vector<16xf32>
      %swap3A_1012 = vector.shape_cast %scan3A_983#6 : vector<16xf32> to vector<16xf32>
      tpu.vector_store %arg16[%swap3A_1009], %swap3A_1012 {strides = array<i32>} : memref<256xf32, #tpu.memory_space<vmem>>, vector<16xf32>,
      %swap3A_1013 = arith.constant 112 : index
      %swap3A_1014 = tpu.vector_load %arg16[%swap3A_1013] {strides = array<i32>} : memref<256xf32, #tpu.memory_space<vmem>>, vector<16xf32>,
      %swap3A_1015 = vector.shape_cast %swap3A_1014 : vector<16xf32> to vector<16xf32>
      %swap3A_1016 = vector.shape_cast %scan3A_983#7 : vector<16xf32> to vector<16xf32>
      tpu.vector_store %arg16[%swap3A_1013], %swap3A_1016 {strides = array<i32>} : memref<256xf32, #tpu.memory_space<vmem>>, vector<16xf32>,
      %swap3A_1017 = arith.constant 128 : index
      %swap3A_1018 = tpu.vector_load %arg16[%swap3A_1017] {strides = array<i32>} : memref<256xf32, #tpu.memory_space<vmem>>, vector<16xf32>,
      %swap3A_1019 = vector.shape_cast %swap3A_1018 : vector<16xf32> to vector<16xf32>
      %swap3A_1020 = vector.shape_cast %scan3A_983#8 : vector<16xf32> to vector<16xf32>
      tpu.vector_store %arg16[%swap3A_1017], %swap3A_1020 {strides = array<i32>} : memref<256xf32, #tpu.memory_space<vmem>>, vector<16xf32>,
      %swap3A_1021 = arith.constant 144 : index
      %swap3A_1022 = tpu.vector_load %arg16[%swap3A_1021] {strides = array<i32>} : memref<256xf32, #tpu.memory_space<vmem>>, vector<16xf32>,
      %swap3A_1023 = vector.shape_cast %swap3A_1022 : vector<16xf32> to vector<16xf32>
      %swap3A_1024 = vector.shape_cast %scan3A_983#9 : vector<16xf32> to vector<16xf32>
      tpu.vector_store %arg16[%swap3A_1021], %swap3A_1024 {strides = array<i32>} : memref<256xf32, #tpu.memory_space<vmem>>, vector<16xf32>,
      %swap3A_1025 = arith.constant 160 : index
      %swap3A_1026 = tpu.vector_load %arg16[%swap3A_1025] {strides = array<i32>} : memref<256xf32, #tpu.memory_space<vmem>>, vector<16xf32>,
      %swap3A_1027 = vector.shape_cast %swap3A_1026 : vector<16xf32> to vector<16xf32>
      %swap3A_1028 = vector.shape_cast %scan3A_983#10 : vector<16xf32> to vector<16xf32>
      tpu.vector_store %arg16[%swap3A_1025], %swap3A_1028 {strides = array<i32>} : memref<256xf32, #tpu.memory_space<vmem>>, vector<16xf32>,
      %swap3A_1029 = arith.constant 176 : index
      %swap3A_1030 = tpu.vector_load %arg16[%swap3A_1029] {strides = array<i32>} : memref<256xf32, #tpu.memory_space<vmem>>, vector<16xf32>,
      %swap3A_1031 = vector.shape_cast %swap3A_1030 : vector<16xf32> to vector<16xf32>
      %swap3A_1032 = vector.shape_cast %scan3A_983#11 : vector<16xf32> to vector<16xf32>
      tpu.vector_store %arg16[%swap3A_1029], %swap3A_1032 {strides = array<i32>} : memref<256xf32, #tpu.memory_space<vmem>>, vector<16xf32>,
      %swap3A_1033 = arith.constant 192 : index
      %swap3A_1034 = tpu.vector_load %arg16[%swap3A_1033] {strides = array<i32>} : memref<256xf32, #tpu.memory_space<vmem>>, vector<16xf32>,
      %swap3A_1035 = vector.shape_cast %swap3A_1034 : vector<16xf32> to vector<16xf32>
      %swap3A_1036 = vector.shape_cast %scan3A_983#12 : vector<16xf32> to vector<16xf32>
      tpu.vector_store %arg16[%swap3A_1033], %swap3A_1036 {strides = array<i32>} : memref<256xf32, #tpu.memory_space<vmem>>, vector<16xf32>,
      %swap3A_1037 = arith.constant 208 : index
      %swap3A_1038 = tpu.vector_load %arg16[%swap3A_1037] {strides = array<i32>} : memref<256xf32, #tpu.memory_space<vmem>>, vector<16xf32>,
      %swap3A_1039 = vector.shape_cast %swap3A_1038 : vector<16xf32> to vector<16xf32>
      %swap3A_1040 = vector.shape_cast %scan3A_983#13 : vector<16xf32> to vector<16xf32>
      tpu.vector_store %arg16[%swap3A_1037], %swap3A_1040 {strides = array<i32>} : memref<256xf32, #tpu.memory_space<vmem>>, vector<16xf32>,
      %swap3A_1041 = arith.constant 224 : index
      %swap3A_1042 = tpu.vector_load %arg16[%swap3A_1041] {strides = array<i32>} : memref<256xf32, #tpu.memory_space<vmem>>, vector<16xf32>,
      %swap3A_1043 = vector.shape_cast %swap3A_1042 : vector<16xf32> to vector<16xf32>
      %swap3A_1044 = vector.shape_cast %scan3A_983#14 : vector<16xf32> to vector<16xf32>
      tpu.vector_store %arg16[%swap3A_1041], %swap3A_1044 {strides = array<i32>} : memref<256xf32, #tpu.memory_space<vmem>>, vector<16xf32>,
      %swap3A_1045 = arith.constant 240 : index
      %swap3A_1046 = tpu.vector_load %arg16[%swap3A_1045] {strides = array<i32>} : memref<256xf32, #tpu.memory_space<vmem>>, vector<16xf32>,
      %swap3A_1047 = vector.shape_cast %swap3A_1046 : vector<16xf32> to vector<16xf32>
      %swap3A_1048 = vector.shape_cast %scan3A_983#15 : vector<16xf32> to vector<16xf32>
      tpu.vector_store %arg16[%swap3A_1045], %swap3A_1048 {strides = array<i32>} : memref<256xf32, #tpu.memory_space<vmem>>, vector<16xf32>,
      %dma_start3A_1049 = arith.constant 0 : i32
      %dma_start3A_1050 = tpu.memref_slice %arg6[%add3A_882, %dma_start3A_1049] : memref<4096x256xf32, #tpu.memory_space<hbm>> -> memref<1x256xf32, #tpu.memory_space<hbm>>
      %dma_start3A_1051 = tpu.memref_squeeze %dma_start3A_1050 : memref<1x256xf32, #tpu.memory_space<hbm>> -> memref<256xf32, #tpu.memory_space<hbm>>
      %dma_start3A_1052 = arith.constant 0 : i32
      %dma_start3A_1053 = tpu.memref_slice %arg6[%add3A_882, %dma_start3A_1052] : memref<4096x256xf32, #tpu.memory_space<hbm>> -> memref<1x256xf32, #tpu.memory_space<hbm>>
      %dma_start3A_1054 = tpu.memref_squeeze %dma_start3A_1053 : memref<1x256xf32, #tpu.memory_space<hbm>> -> memref<256xf32, #tpu.memory_space<hbm>>
      tpu.enqueue_dma source(%arg16 : memref<256xf32, #tpu.memory_space<vmem>>) target(%dma_start3A_1054 : memref<256xf32, #tpu.memory_space<hbm>>) target_semaphore(%arg22 : memref<!tpu.dma_semaphore, #tpu.memory_space<semaphore_mem>>)
      %scan3A_1055 = arith.constant 0 : i32
      scf.yield %scan3A_1055 : i32
    }
    %scan3A_380 = arith.constant 62 : i32
    %dma_wait3A_381 = arith.constant 0 : i32
    %dma_wait3A_382 = arith.constant 0 : i32
    %dma_wait3A_383 = tpu.memref_slice %arg2[%dma_wait3A_381, %dma_wait3A_382] : memref<4096x200xi32, #tpu.memory_space<hbm>> -> memref<1x200xi32, #tpu.memory_space<hbm>>
    %dma_wait3A_384 = tpu.memref_squeeze %dma_wait3A_383 : memref<1x200xi32, #tpu.memory_space<hbm>> -> memref<200xi32, #tpu.memory_space<hbm>>
    %dma_wait3A_385 = arith.constant 0 : i32
    %dma_wait3A_386 = tpu.memref_slice %arg2[%dma_wait3A_381, %dma_wait3A_385] : memref<4096x200xi32, #tpu.memory_space<hbm>> -> memref<1x200xi32, #tpu.memory_space<hbm>>
    %dma_wait3A_387 = tpu.memref_squeeze %dma_wait3A_386 : memref<1x200xi32, #tpu.memory_space<hbm>> -> memref<200xi32, #tpu.memory_space<hbm>>
    tpu.wait_dma2 semaphore(%arg20 : memref<!tpu.dma_semaphore, #tpu.memory_space<semaphore_mem>>) src(%dma_wait3A_387 : memref<200xi32, #tpu.memory_space<hbm>>) dst(%arg8 : memref<200xi32, #tpu.memory_space<vmem>>)
    %dma_wait3A_388 = arith.constant 0 : i32
    %dma_wait3A_389 = arith.constant 0 : i32
    %dma_wait3A_390 = tpu.memref_slice %arg3[%dma_wait3A_388, %dma_wait3A_389] : memref<4096x200xi32, #tpu.memory_space<hbm>> -> memref<1x200xi32, #tpu.memory_space<hbm>>
    %dma_wait3A_391 = tpu.memref_squeeze %dma_wait3A_390 : memref<1x200xi32, #tpu.memory_space<hbm>> -> memref<200xi32, #tpu.memory_space<hbm>>
    %dma_wait3A_392 = arith.constant 0 : i32
    %dma_wait3A_393 = tpu.memref_slice %arg3[%dma_wait3A_388, %dma_wait3A_392] : memref<4096x200xi32, #tpu.memory_space<hbm>> -> memref<1x200xi32, #tpu.memory_space<hbm>>
    %dma_wait3A_394 = tpu.memref_squeeze %dma_wait3A_393 : memref<1x200xi32, #tpu.memory_space<hbm>> -> memref<200xi32, #tpu.memory_space<hbm>>
    tpu.wait_dma2 semaphore(%arg20 : memref<!tpu.dma_semaphore, #tpu.memory_space<semaphore_mem>>) src(%dma_wait3A_394 : memref<200xi32, #tpu.memory_space<hbm>>) dst(%arg10 : memref<200xi32, #tpu.memory_space<vmem>>)
    %dma_start3A_395 = arith.constant 0 : i32
    %dma_start3A_396 = arith.constant 0 : i32
    %dma_start3A_397 = tpu.memref_slice %arg12[%dma_start3A_395, %dma_start3A_396] : memref<200x128xf32, #tpu.memory_space<vmem>> -> memref<128x128xf32, #tpu.memory_space<vmem>>
    %dma_start3A_398 = arith.constant 0 : i32
    %dma_start3A_399 = tpu.memref_slice %arg8[%dma_start3A_398] : memref<200xi32, #tpu.memory_space<vmem>> -> memref<128xi32, #tpu.memory_space<vmem>>
    %dma_start3A_400 = arith.constant 0 : i32
    %dma_start3A_401 = arith.constant 0 : i32
    %dma_start3A_402 = tpu.memref_slice %arg4[%dma_start3A_400, %dma_start3A_401] : memref<1000x128xf32, #tpu.memory_space<hbm>> -> memref<1000x128xf32, #tpu.memory_space<hbm>>
    tpu.enqueue_indirect_dma source(%dma_start3A_402 : memref<1000x128xf32, #tpu.memory_space<hbm>>) target(%dma_start3A_397 : memref<128x128xf32, #tpu.memory_space<vmem>>) offsets(%dma_start3A_399 : memref<128xi32, #tpu.memory_space<vmem>>) semaphore(%arg18 : memref<!tpu.dma_semaphore, #tpu.memory_space<semaphore_mem>>)
    %dma_start3A_403 = arith.constant 128 : i32
    %dma_start3A_404 = arith.constant 0 : i32
    %dma_start3A_405 = tpu.memref_slice %arg12[%dma_start3A_403, %dma_start3A_404] : memref<200x128xf32, #tpu.memory_space<vmem>> -> memref<72x128xf32, #tpu.memory_space<vmem>>
    %dma_start3A_406 = arith.constant 128 : i32
    %dma_start3A_407 = tpu.memref_slice %arg8[%dma_start3A_406] : memref<200xi32, #tpu.memory_space<vmem>> -> memref<72xi32, #tpu.memory_space<vmem>>
    %dma_start3A_408 = arith.constant 0 : i32
    %dma_start3A_409 = arith.constant 0 : i32
    %dma_start3A_410 = tpu.memref_slice %arg4[%dma_start3A_408, %dma_start3A_409] : memref<1000x128xf32, #tpu.memory_space<hbm>> -> memref<1000x128xf32, #tpu.memory_space<hbm>>
    tpu.enqueue_indirect_dma source(%dma_start3A_410 : memref<1000x128xf32, #tpu.memory_space<hbm>>) target(%dma_start3A_405 : memref<72x128xf32, #tpu.memory_space<vmem>>) offsets(%dma_start3A_407 : memref<72xi32, #tpu.memory_space<vmem>>) semaphore(%arg18 : memref<!tpu.dma_semaphore, #tpu.memory_space<semaphore_mem>>)
    %dma_start3A_411 = arith.constant 0 : i32
    %dma_start3A_412 = arith.constant 0 : i32
    %dma_start3A_413 = tpu.memref_slice %arg14[%dma_start3A_411, %dma_start3A_412] : memref<200x128xf32, #tpu.memory_space<vmem>> -> memref<128x128xf32, #tpu.memory_space<vmem>>
    %dma_start3A_414 = arith.constant 0 : i32
    %dma_start3A_415 = tpu.memref_slice %arg10[%dma_start3A_414] : memref<200xi32, #tpu.memory_space<vmem>> -> memref<128xi32, #tpu.memory_space<vmem>>
    %dma_start3A_416 = arith.constant 0 : i32
    %dma_start3A_417 = arith.constant 0 : i32
    %dma_start3A_418 = tpu.memref_slice %arg5[%dma_start3A_416, %dma_start3A_417] : memref<100000x128xf32, #tpu.memory_space<hbm>> -> memref<100000x128xf32, #tpu.memory_space<hbm>>
    tpu.enqueue_indirect_dma source(%dma_start3A_418 : memref<100000x128xf32, #tpu.memory_space<hbm>>) target(%dma_start3A_413 : memref<128x128xf32, #tpu.memory_space<vmem>>) offsets(%dma_start3A_415 : memref<128xi32, #tpu.memory_space<vmem>>) semaphore(%arg18 : memref<!tpu.dma_semaphore, #tpu.memory_space<semaphore_mem>>)
    %dma_start3A_419 = arith.constant 128 : i32
    %dma_start3A_420 = arith.constant 0 : i32
    %dma_start3A_421 = tpu.memref_slice %arg14[%dma_start3A_419, %dma_start3A_420] : memref<200x128xf32, #tpu.memory_space<vmem>> -> memref<72x128xf32, #tpu.memory_space<vmem>>
    %dma_start3A_422 = arith.constant 128 : i32
    %dma_start3A_423 = tpu.memref_slice %arg10[%dma_start3A_422] : memref<200xi32, #tpu.memory_space<vmem>> -> memref<72xi32, #tpu.memory_space<vmem>>
    %dma_start3A_424 = arith.constant 0 : i32
    %dma_start3A_425 = arith.constant 0 : i32
    %dma_start3A_426 = tpu.memref_slice %arg5[%dma_start3A_424, %dma_start3A_425] : memref<100000x128xf32, #tpu.memory_space<hbm>> -> memref<100000x128xf32, #tpu.memory_space<hbm>>
    tpu.enqueue_indirect_dma source(%dma_start3A_426 : memref<100000x128xf32, #tpu.memory_space<hbm>>) target(%dma_start3A_421 : memref<72x128xf32, #tpu.memory_space<vmem>>) offsets(%dma_start3A_423 : memref<72xi32, #tpu.memory_space<vmem>>) semaphore(%arg18 : memref<!tpu.dma_semaphore, #tpu.memory_space<semaphore_mem>>)
    %dma_wait3A_427 = arith.constant 0 : i32
    %dma_wait3A_428 = arith.constant 0 : i32
    %dma_wait3A_429 = tpu.memref_slice %arg4[%dma_wait3A_427, %dma_wait3A_428] : memref<1000x128xf32, #tpu.memory_space<hbm>> -> memref<200x128xf32, #tpu.memory_space<hbm>>
    %dma_wait3A_430 = arith.constant 0 : i32
    %dma_wait3A_431 = arith.constant 0 : i32
    %dma_wait3A_432 = tpu.memref_slice %arg4[%dma_wait3A_430, %dma_wait3A_431] : memref<1000x128xf32, #tpu.memory_space<hbm>> -> memref<200x128xf32, #tpu.memory_space<hbm>>
    tpu.wait_dma2 semaphore(%arg17 : memref<!tpu.dma_semaphore, #tpu.memory_space<semaphore_mem>>) src(%dma_wait3A_432 : memref<200x128xf32, #tpu.memory_space<hbm>>) dst(%arg11 : memref<200x128xf32, #tpu.memory_space<vmem>>)
    %dma_wait3A_433 = arith.constant 0 : i32
    %dma_wait3A_434 = arith.constant 0 : i32
    %dma_wait3A_435 = tpu.memref_slice %arg5[%dma_wait3A_433, %dma_wait3A_434] : memref<100000x128xf32, #tpu.memory_space<hbm>> -> memref<200x128xf32, #tpu.memory_space<hbm>>
    %dma_wait3A_436 = arith.constant 0 : i32
    %dma_wait3A_437 = arith.constant 0 : i32
    %dma_wait3A_438 = tpu.memref_slice %arg5[%dma_wait3A_436, %dma_wait3A_437] : memref<100000x128xf32, #tpu.memory_space<hbm>> -> memref<200x128xf32, #tpu.memory_space<hbm>>
    tpu.wait_dma2 semaphore(%arg17 : memref<!tpu.dma_semaphore, #tpu.memory_space<semaphore_mem>>) src(%dma_wait3A_438 : memref<200x128xf32, #tpu.memory_space<hbm>>) dst(%arg13 : memref<200x128xf32, #tpu.memory_space<vmem>>)
    %dma_wait3A_439 = arith.constant 0 : i32
    %dma_wait3A_440 = arith.constant 0 : i32
    %dma_wait3A_441 = tpu.memref_slice %arg15[%dma_wait3A_440] : memref<256xf32, #tpu.memory_space<vmem>> -> memref<128xf32, #tpu.memory_space<vmem>>
    %dma_wait3A_442 = arith.constant 0 : i32
    %dma_wait3A_443 = tpu.memref_slice %arg4[%dma_wait3A_439, %dma_wait3A_442] : memref<1000x128xf32, #tpu.memory_space<hbm>> -> memref<1x128xf32, #tpu.memory_space<hbm>>
    %dma_wait3A_444 = tpu.memref_squeeze %dma_wait3A_443 : memref<1x128xf32, #tpu.memory_space<hbm>> -> memref<128xf32, #tpu.memory_space<hbm>>
    %dma_wait3A_445 = arith.constant 0 : i32
    %dma_wait3A_446 = tpu.memref_slice %arg15[%dma_wait3A_445] : memref<256xf32, #tpu.memory_space<vmem>> -> memref<128xf32, #tpu.memory_space<vmem>>
    %dma_wait3A_447 = arith.constant 0 : i32
    %dma_wait3A_448 = tpu.memref_slice %arg4[%dma_wait3A_439, %dma_wait3A_447] : memref<1000x128xf32, #tpu.memory_space<hbm>> -> memref<1x128xf32, #tpu.memory_space<hbm>>
    %dma_wait3A_449 = tpu.memref_squeeze %dma_wait3A_448 : memref<1x128xf32, #tpu.memory_space<hbm>> -> memref<128xf32, #tpu.memory_space<hbm>>
    tpu.wait_dma2 semaphore(%arg21 : memref<!tpu.dma_semaphore, #tpu.memory_space<semaphore_mem>>) src(%dma_wait3A_449 : memref<128xf32, #tpu.memory_space<hbm>>) dst(%dma_wait3A_446 : memref<128xf32, #tpu.memory_space<vmem>>)
    %dma_wait3A_450 = arith.constant 0 : i32
    %dma_wait3A_451 = arith.constant 128 : i32
    %dma_wait3A_452 = tpu.memref_slice %arg15[%dma_wait3A_451] : memref<256xf32, #tpu.memory_space<vmem>> -> memref<128xf32, #tpu.memory_space<vmem>>
    %dma_wait3A_453 = arith.constant 0 : i32
    %dma_wait3A_454 = tpu.memref_slice %arg4[%dma_wait3A_450, %dma_wait3A_453] : memref<1000x128xf32, #tpu.memory_space<hbm>> -> memref<1x128xf32, #tpu.memory_space<hbm>>
    %dma_wait3A_455 = tpu.memref_squeeze %dma_wait3A_454 : memref<1x128xf32, #tpu.memory_space<hbm>> -> memref<128xf32, #tpu.memory_space<hbm>>
    %dma_wait3A_456 = arith.constant 128 : i32
    %dma_wait3A_457 = tpu.memref_slice %arg15[%dma_wait3A_456] : memref<256xf32, #tpu.memory_space<vmem>> -> memref<128xf32, #tpu.memory_space<vmem>>
    %dma_wait3A_458 = arith.constant 0 : i32
    %dma_wait3A_459 = tpu.memref_slice %arg4[%dma_wait3A_450, %dma_wait3A_458] : memref<1000x128xf32, #tpu.memory_space<hbm>> -> memref<1x128xf32, #tpu.memory_space<hbm>>
    %dma_wait3A_460 = tpu.memref_squeeze %dma_wait3A_459 : memref<1x128xf32, #tpu.memory_space<hbm>> -> memref<128xf32, #tpu.memory_space<hbm>>
    tpu.wait_dma2 semaphore(%arg21 : memref<!tpu.dma_semaphore, #tpu.memory_space<semaphore_mem>>) src(%dma_wait3A_460 : memref<128xf32, #tpu.memory_space<hbm>>) dst(%dma_wait3A_457 : memref<128xf32, #tpu.memory_space<vmem>>)
    %add3A_461 = arith.constant 128 : i32
    %add3A_462 = arith.addi %mul3A_2, %add3A_461 : i32
    %sub3A = arith.constant 2 : i32
    %sub3A_463 = arith.subi %add3A_462, %sub3A : i32
    %broadcast_in_dim3A_464 = arith.constant 0.000000e+00 : f32
    %broadcast_in_dim3A_465 = vector.broadcast %broadcast_in_dim3A_464 : f32 to vector<16xf32>
    %scan3A_466 = arith.constant 0 : i32
    %scan3A_467 = arith.constant 200 : i32
    %scan3A_468 = arith.addi %scan3A_466, %scan3A_467 : i32
    %scan3A_469 = arith.constant 2 : i32
    %scan3A_470:16 = scf.for %scan3A_702 = %scan3A_466 to %scan3A_468 step %scan3A_469 iter_args(%scan3A_703 = %broadcast_in_dim3A_465, %scan3A_704 = %broadcast_in_dim3A_465, %scan3A_705 = %broadcast_in_dim3A_465, %scan3A_706 = %broadcast_in_dim3A_465, %scan3A_707 = %broadcast_in_dim3A_465, %scan3A_708 = %broadcast_in_dim3A_465, %scan3A_709 = %broadcast_in_dim3A_465, %scan3A_710 = %broadcast_in_dim3A_465, %scan3A_711 = %broadcast_in_dim3A_465, %scan3A_712 = %broadcast_in_dim3A_465, %scan3A_713 = %broadcast_in_dim3A_465, %scan3A_714 = %broadcast_in_dim3A_465, %scan3A_715 = %broadcast_in_dim3A_465, %scan3A_716 = %broadcast_in_dim3A_465, %scan3A_717 = %broadcast_in_dim3A_465, %scan3A_718 = %broadcast_in_dim3A_465) -> (vector<16xf32>, vector<16xf32>, vector<16xf32>, vector<16xf32>, vector<16xf32>, vector<16xf32>, vector<16xf32>, vector<16xf32>, vector<16xf32>, vector<16xf32>, vector<16xf32>, vector<16xf32>, vector<16xf32>, vector<16xf32>, vector<16xf32>, vector<16xf32>)  : i32 {
      %get3A = arith.index_cast %scan3A_702 : i32 to index
      %get3A_719 = arith.constant 0 : index
      %get3A_720 = tpu.vector_load %arg11[%get3A, %get3A_719] {strides = array<i32>} : memref<200x128xf32, #tpu.memory_space<vmem>>, vector<1x16xf32>,
      %get3A_721 = vector.shape_cast %get3A_720 : vector<1x16xf32> to vector<16xf32>
      %add3A_722 = arith.addf %scan3A_703, %get3A_721 : vector<16xf32>
      %get3A_723 = arith.index_cast %scan3A_702 : i32 to index
      %get3A_724 = arith.constant 16 : index
      %get3A_725 = tpu.vector_load %arg11[%get3A_723, %get3A_724] {strides = array<i32>} : memref<200x128xf32, #tpu.memory_space<vmem>>, vector<1x16xf32>,
      %get3A_726 = vector.shape_cast %get3A_725 : vector<1x16xf32> to vector<16xf32>
      %add3A_727 = arith.addf %scan3A_704, %get3A_726 : vector<16xf32>
      %get3A_728 = arith.index_cast %scan3A_702 : i32 to index
      %get3A_729 = arith.constant 32 : index
      %get3A_730 = tpu.vector_load %arg11[%get3A_728, %get3A_729] {strides = array<i32>} : memref<200x128xf32, #tpu.memory_space<vmem>>, vector<1x16xf32>,
      %get3A_731 = vector.shape_cast %get3A_730 : vector<1x16xf32> to vector<16xf32>
      %add3A_732 = arith.addf %scan3A_705, %get3A_731 : vector<16xf32>
      %get3A_733 = arith.index_cast %scan3A_702 : i32 to index
      %get3A_734 = arith.constant 48 : index
      %get3A_735 = tpu.vector_load %arg11[%get3A_733, %get3A_734] {strides = array<i32>} : memref<200x128xf32, #tpu.memory_space<vmem>>, vector<1x16xf32>,
      %get3A_736 = vector.shape_cast %get3A_735 : vector<1x16xf32> to vector<16xf32>
      %add3A_737 = arith.addf %scan3A_706, %get3A_736 : vector<16xf32>
      %get3A_738 = arith.index_cast %scan3A_702 : i32 to index
      %get3A_739 = arith.constant 64 : index
      %get3A_740 = tpu.vector_load %arg11[%get3A_738, %get3A_739] {strides = array<i32>} : memref<200x128xf32, #tpu.memory_space<vmem>>, vector<1x16xf32>,
      %get3A_741 = vector.shape_cast %get3A_740 : vector<1x16xf32> to vector<16xf32>
      %add3A_742 = arith.addf %scan3A_707, %get3A_741 : vector<16xf32>
      %get3A_743 = arith.index_cast %scan3A_702 : i32 to index
      %get3A_744 = arith.constant 80 : index
      %get3A_745 = tpu.vector_load %arg11[%get3A_743, %get3A_744] {strides = array<i32>} : memref<200x128xf32, #tpu.memory_space<vmem>>, vector<1x16xf32>,
      %get3A_746 = vector.shape_cast %get3A_745 : vector<1x16xf32> to vector<16xf32>
      %add3A_747 = arith.addf %scan3A_708, %get3A_746 : vector<16xf32>
      %get3A_748 = arith.index_cast %scan3A_702 : i32 to index
      %get3A_749 = arith.constant 96 : index
      %get3A_750 = tpu.vector_load %arg11[%get3A_748, %get3A_749] {strides = array<i32>} : memref<200x128xf32, #tpu.memory_space<vmem>>, vector<1x16xf32>,
      %get3A_751 = vector.shape_cast %get3A_750 : vector<1x16xf32> to vector<16xf32>
      %add3A_752 = arith.addf %scan3A_709, %get3A_751 : vector<16xf32>
      %get3A_753 = arith.index_cast %scan3A_702 : i32 to index
      %get3A_754 = arith.constant 112 : index
      %get3A_755 = tpu.vector_load %arg11[%get3A_753, %get3A_754] {strides = array<i32>} : memref<200x128xf32, #tpu.memory_space<vmem>>, vector<1x16xf32>,
      %get3A_756 = vector.shape_cast %get3A_755 : vector<1x16xf32> to vector<16xf32>
      %add3A_757 = arith.addf %scan3A_710, %get3A_756 : vector<16xf32>
      %get3A_758 = arith.index_cast %scan3A_702 : i32 to index
      %get3A_759 = arith.constant 0 : index
      %get3A_760 = tpu.vector_load %arg13[%get3A_758, %get3A_759] {strides = array<i32>} : memref<200x128xf32, #tpu.memory_space<vmem>>, vector<1x16xf32>,
      %get3A_761 = vector.shape_cast %get3A_760 : vector<1x16xf32> to vector<16xf32>
      %add3A_762 = arith.addf %scan3A_711, %get3A_761 : vector<16xf32>
      %get3A_763 = arith.index_cast %scan3A_702 : i32 to index
      %get3A_764 = arith.constant 16 : index
      %get3A_765 = tpu.vector_load %arg13[%get3A_763, %get3A_764] {strides = array<i32>} : memref<200x128xf32, #tpu.memory_space<vmem>>, vector<1x16xf32>,
      %get3A_766 = vector.shape_cast %get3A_765 : vector<1x16xf32> to vector<16xf32>
      %add3A_767 = arith.addf %scan3A_712, %get3A_766 : vector<16xf32>
      %get3A_768 = arith.index_cast %scan3A_702 : i32 to index
      %get3A_769 = arith.constant 32 : index
      %get3A_770 = tpu.vector_load %arg13[%get3A_768, %get3A_769] {strides = array<i32>} : memref<200x128xf32, #tpu.memory_space<vmem>>, vector<1x16xf32>,
      %get3A_771 = vector.shape_cast %get3A_770 : vector<1x16xf32> to vector<16xf32>
      %add3A_772 = arith.addf %scan3A_713, %get3A_771 : vector<16xf32>
      %get3A_773 = arith.index_cast %scan3A_702 : i32 to index
      %get3A_774 = arith.constant 48 : index
      %get3A_775 = tpu.vector_load %arg13[%get3A_773, %get3A_774] {strides = array<i32>} : memref<200x128xf32, #tpu.memory_space<vmem>>, vector<1x16xf32>,
      %get3A_776 = vector.shape_cast %get3A_775 : vector<1x16xf32> to vector<16xf32>
      %add3A_777 = arith.addf %scan3A_714, %get3A_776 : vector<16xf32>
      %get3A_778 = arith.index_cast %scan3A_702 : i32 to index
      %get3A_779 = arith.constant 64 : index
      %get3A_780 = tpu.vector_load %arg13[%get3A_778, %get3A_779] {strides = array<i32>} : memref<200x128xf32, #tpu.memory_space<vmem>>, vector<1x16xf32>,
      %get3A_781 = vector.shape_cast %get3A_780 : vector<1x16xf32> to vector<16xf32>
      %add3A_782 = arith.addf %scan3A_715, %get3A_781 : vector<16xf32>
      %get3A_783 = arith.index_cast %scan3A_702 : i32 to index
      %get3A_784 = arith.constant 80 : index
      %get3A_785 = tpu.vector_load %arg13[%get3A_783, %get3A_784] {strides = array<i32>} : memref<200x128xf32, #tpu.memory_space<vmem>>, vector<1x16xf32>,
      %get3A_786 = vector.shape_cast %get3A_785 : vector<1x16xf32> to vector<16xf32>
      %add3A_787 = arith.addf %scan3A_716, %get3A_786 : vector<16xf32>
      %get3A_788 = arith.index_cast %scan3A_702 : i32 to index
      %get3A_789 = arith.constant 96 : index
      %get3A_790 = tpu.vector_load %arg13[%get3A_788, %get3A_789] {strides = array<i32>} : memref<200x128xf32, #tpu.memory_space<vmem>>, vector<1x16xf32>,
      %get3A_791 = vector.shape_cast %get3A_790 : vector<1x16xf32> to vector<16xf32>
      %add3A_792 = arith.addf %scan3A_717, %get3A_791 : vector<16xf32>
      %get3A_793 = arith.index_cast %scan3A_702 : i32 to index
      %get3A_794 = arith.constant 112 : index
      %get3A_795 = tpu.vector_load %arg13[%get3A_793, %get3A_794] {strides = array<i32>} : memref<200x128xf32, #tpu.memory_space<vmem>>, vector<1x16xf32>,
      %get3A_796 = vector.shape_cast %get3A_795 : vector<1x16xf32> to vector<16xf32>
      %add3A_797 = arith.addf %scan3A_718, %get3A_796 : vector<16xf32>
      %scan3A_798 = arith.constant 1 : i32
      %scan3A_799 = arith.addi %scan3A_702, %scan3A_798 : i32
      %get3A_800 = arith.index_cast %scan3A_799 : i32 to index
      %get3A_801 = arith.constant 0 : index
      %get3A_802 = tpu.vector_load %arg11[%get3A_800, %get3A_801] {strides = array<i32>} : memref<200x128xf32, #tpu.memory_space<vmem>>, vector<1x16xf32>,
      %get3A_803 = vector.shape_cast %get3A_802 : vector<1x16xf32> to vector<16xf32>
      %add3A_804 = arith.addf %add3A_722, %get3A_803 : vector<16xf32>
      %get3A_805 = arith.index_cast %scan3A_799 : i32 to index
      %get3A_806 = arith.constant 16 : index
      %get3A_807 = tpu.vector_load %arg11[%get3A_805, %get3A_806] {strides = array<i32>} : memref<200x128xf32, #tpu.memory_space<vmem>>, vector<1x16xf32>,
      %get3A_808 = vector.shape_cast %get3A_807 : vector<1x16xf32> to vector<16xf32>
      %add3A_809 = arith.addf %add3A_727, %get3A_808 : vector<16xf32>
      %get3A_810 = arith.index_cast %scan3A_799 : i32 to index
      %get3A_811 = arith.constant 32 : index
      %get3A_812 = tpu.vector_load %arg11[%get3A_810, %get3A_811] {strides = array<i32>} : memref<200x128xf32, #tpu.memory_space<vmem>>, vector<1x16xf32>,
      %get3A_813 = vector.shape_cast %get3A_812 : vector<1x16xf32> to vector<16xf32>
      %add3A_814 = arith.addf %add3A_732, %get3A_813 : vector<16xf32>
      %get3A_815 = arith.index_cast %scan3A_799 : i32 to index
      %get3A_816 = arith.constant 48 : index
      %get3A_817 = tpu.vector_load %arg11[%get3A_815, %get3A_816] {strides = array<i32>} : memref<200x128xf32, #tpu.memory_space<vmem>>, vector<1x16xf32>,
      %get3A_818 = vector.shape_cast %get3A_817 : vector<1x16xf32> to vector<16xf32>
      %add3A_819 = arith.addf %add3A_737, %get3A_818 : vector<16xf32>
      %get3A_820 = arith.index_cast %scan3A_799 : i32 to index
      %get3A_821 = arith.constant 64 : index
      %get3A_822 = tpu.vector_load %arg11[%get3A_820, %get3A_821] {strides = array<i32>} : memref<200x128xf32, #tpu.memory_space<vmem>>, vector<1x16xf32>,
      %get3A_823 = vector.shape_cast %get3A_822 : vector<1x16xf32> to vector<16xf32>
      %add3A_824 = arith.addf %add3A_742, %get3A_823 : vector<16xf32>
      %get3A_825 = arith.index_cast %scan3A_799 : i32 to index
      %get3A_826 = arith.constant 80 : index
      %get3A_827 = tpu.vector_load %arg11[%get3A_825, %get3A_826] {strides = array<i32>} : memref<200x128xf32, #tpu.memory_space<vmem>>, vector<1x16xf32>,
      %get3A_828 = vector.shape_cast %get3A_827 : vector<1x16xf32> to vector<16xf32>
      %add3A_829 = arith.addf %add3A_747, %get3A_828 : vector<16xf32>
      %get3A_830 = arith.index_cast %scan3A_799 : i32 to index
      %get3A_831 = arith.constant 96 : index
      %get3A_832 = tpu.vector_load %arg11[%get3A_830, %get3A_831] {strides = array<i32>} : memref<200x128xf32, #tpu.memory_space<vmem>>, vector<1x16xf32>,
      %get3A_833 = vector.shape_cast %get3A_832 : vector<1x16xf32> to vector<16xf32>
      %add3A_834 = arith.addf %add3A_752, %get3A_833 : vector<16xf32>
      %get3A_835 = arith.index_cast %scan3A_799 : i32 to index
      %get3A_836 = arith.constant 112 : index
      %get3A_837 = tpu.vector_load %arg11[%get3A_835, %get3A_836] {strides = array<i32>} : memref<200x128xf32, #tpu.memory_space<vmem>>, vector<1x16xf32>,
      %get3A_838 = vector.shape_cast %get3A_837 : vector<1x16xf32> to vector<16xf32>
      %add3A_839 = arith.addf %add3A_757, %get3A_838 : vector<16xf32>
      %get3A_840 = arith.index_cast %scan3A_799 : i32 to index
      %get3A_841 = arith.constant 0 : index
      %get3A_842 = tpu.vector_load %arg13[%get3A_840, %get3A_841] {strides = array<i32>} : memref<200x128xf32, #tpu.memory_space<vmem>>, vector<1x16xf32>,
      %get3A_843 = vector.shape_cast %get3A_842 : vector<1x16xf32> to vector<16xf32>
      %add3A_844 = arith.addf %add3A_762, %get3A_843 : vector<16xf32>
      %get3A_845 = arith.index_cast %scan3A_799 : i32 to index
      %get3A_846 = arith.constant 16 : index
      %get3A_847 = tpu.vector_load %arg13[%get3A_845, %get3A_846] {strides = array<i32>} : memref<200x128xf32, #tpu.memory_space<vmem>>, vector<1x16xf32>,
      %get3A_848 = vector.shape_cast %get3A_847 : vector<1x16xf32> to vector<16xf32>
      %add3A_849 = arith.addf %add3A_767, %get3A_848 : vector<16xf32>
      %get3A_850 = arith.index_cast %scan3A_799 : i32 to index
      %get3A_851 = arith.constant 32 : index
      %get3A_852 = tpu.vector_load %arg13[%get3A_850, %get3A_851] {strides = array<i32>} : memref<200x128xf32, #tpu.memory_space<vmem>>, vector<1x16xf32>,
      %get3A_853 = vector.shape_cast %get3A_852 : vector<1x16xf32> to vector<16xf32>
      %add3A_854 = arith.addf %add3A_772, %get3A_853 : vector<16xf32>
      %get3A_855 = arith.index_cast %scan3A_799 : i32 to index
      %get3A_856 = arith.constant 48 : index
      %get3A_857 = tpu.vector_load %arg13[%get3A_855, %get3A_856] {strides = array<i32>} : memref<200x128xf32, #tpu.memory_space<vmem>>, vector<1x16xf32>,
      %get3A_858 = vector.shape_cast %get3A_857 : vector<1x16xf32> to vector<16xf32>
      %add3A_859 = arith.addf %add3A_777, %get3A_858 : vector<16xf32>
      %get3A_860 = arith.index_cast %scan3A_799 : i32 to index
      %get3A_861 = arith.constant 64 : index
      %get3A_862 = tpu.vector_load %arg13[%get3A_860, %get3A_861] {strides = array<i32>} : memref<200x128xf32, #tpu.memory_space<vmem>>, vector<1x16xf32>,
      %get3A_863 = vector.shape_cast %get3A_862 : vector<1x16xf32> to vector<16xf32>
      %add3A_864 = arith.addf %add3A_782, %get3A_863 : vector<16xf32>
      %get3A_865 = arith.index_cast %scan3A_799 : i32 to index
      %get3A_866 = arith.constant 80 : index
      %get3A_867 = tpu.vector_load %arg13[%get3A_865, %get3A_866] {strides = array<i32>} : memref<200x128xf32, #tpu.memory_space<vmem>>, vector<1x16xf32>,
      %get3A_868 = vector.shape_cast %get3A_867 : vector<1x16xf32> to vector<16xf32>
      %add3A_869 = arith.addf %add3A_787, %get3A_868 : vector<16xf32>
      %get3A_870 = arith.index_cast %scan3A_799 : i32 to index
      %get3A_871 = arith.constant 96 : index
      %get3A_872 = tpu.vector_load %arg13[%get3A_870, %get3A_871] {strides = array<i32>} : memref<200x128xf32, #tpu.memory_space<vmem>>, vector<1x16xf32>,
      %get3A_873 = vector.shape_cast %get3A_872 : vector<1x16xf32> to vector<16xf32>
      %add3A_874 = arith.addf %add3A_792, %get3A_873 : vector<16xf32>
      %get3A_875 = arith.index_cast %scan3A_799 : i32 to index
      %get3A_876 = arith.constant 112 : index
      %get3A_877 = tpu.vector_load %arg13[%get3A_875, %get3A_876] {strides = array<i32>} : memref<200x128xf32, #tpu.memory_space<vmem>>, vector<1x16xf32>,
      %get3A_878 = vector.shape_cast %get3A_877 : vector<1x16xf32> to vector<16xf32>
      %add3A_879 = arith.addf %add3A_797, %get3A_878 : vector<16xf32>
      scf.yield %add3A_804, %add3A_809, %add3A_814, %add3A_819, %add3A_824, %add3A_829, %add3A_834, %add3A_839, %add3A_844, %add3A_849, %add3A_854, %add3A_859, %add3A_864, %add3A_869, %add3A_874, %add3A_879 : vector<16xf32>, vector<16xf32>, vector<16xf32>, vector<16xf32>, vector<16xf32>, vector<16xf32>, vector<16xf32>, vector<16xf32>, vector<16xf32>, vector<16xf32>, vector<16xf32>, vector<16xf32>, vector<16xf32>, vector<16xf32>, vector<16xf32>, vector<16xf32>
    }
    %scan3A_471 = arith.constant 200 : i32
    %swap3A_472 = arith.constant 0 : index
    %swap3A_473 = tpu.vector_load %arg15[%swap3A_472] {strides = array<i32>} : memref<256xf32, #tpu.memory_space<vmem>>, vector<16xf32>,
    %swap3A_474 = vector.shape_cast %swap3A_473 : vector<16xf32> to vector<16xf32>
    %swap3A_475 = vector.shape_cast %scan3A_470#0 : vector<16xf32> to vector<16xf32>
    tpu.vector_store %arg15[%swap3A_472], %swap3A_475 {strides = array<i32>} : memref<256xf32, #tpu.memory_space<vmem>>, vector<16xf32>,
    %swap3A_476 = arith.constant 16 : index
    %swap3A_477 = tpu.vector_load %arg15[%swap3A_476] {strides = array<i32>} : memref<256xf32, #tpu.memory_space<vmem>>, vector<16xf32>,
    %swap3A_478 = vector.shape_cast %swap3A_477 : vector<16xf32> to vector<16xf32>
    %swap3A_479 = vector.shape_cast %scan3A_470#1 : vector<16xf32> to vector<16xf32>
    tpu.vector_store %arg15[%swap3A_476], %swap3A_479 {strides = array<i32>} : memref<256xf32, #tpu.memory_space<vmem>>, vector<16xf32>,
    %swap3A_480 = arith.constant 32 : index
    %swap3A_481 = tpu.vector_load %arg15[%swap3A_480] {strides = array<i32>} : memref<256xf32, #tpu.memory_space<vmem>>, vector<16xf32>,
    %swap3A_482 = vector.shape_cast %swap3A_481 : vector<16xf32> to vector<16xf32>
    %swap3A_483 = vector.shape_cast %scan3A_470#2 : vector<16xf32> to vector<16xf32>
    tpu.vector_store %arg15[%swap3A_480], %swap3A_483 {strides = array<i32>} : memref<256xf32, #tpu.memory_space<vmem>>, vector<16xf32>,
    %swap3A_484 = arith.constant 48 : index
    %swap3A_485 = tpu.vector_load %arg15[%swap3A_484] {strides = array<i32>} : memref<256xf32, #tpu.memory_space<vmem>>, vector<16xf32>,
    %swap3A_486 = vector.shape_cast %swap3A_485 : vector<16xf32> to vector<16xf32>
    %swap3A_487 = vector.shape_cast %scan3A_470#3 : vector<16xf32> to vector<16xf32>
    tpu.vector_store %arg15[%swap3A_484], %swap3A_487 {strides = array<i32>} : memref<256xf32, #tpu.memory_space<vmem>>, vector<16xf32>,
    %swap3A_488 = arith.constant 64 : index
    %swap3A_489 = tpu.vector_load %arg15[%swap3A_488] {strides = array<i32>} : memref<256xf32, #tpu.memory_space<vmem>>, vector<16xf32>,
    %swap3A_490 = vector.shape_cast %swap3A_489 : vector<16xf32> to vector<16xf32>
    %swap3A_491 = vector.shape_cast %scan3A_470#4 : vector<16xf32> to vector<16xf32>
    tpu.vector_store %arg15[%swap3A_488], %swap3A_491 {strides = array<i32>} : memref<256xf32, #tpu.memory_space<vmem>>, vector<16xf32>,
    %swap3A_492 = arith.constant 80 : index
    %swap3A_493 = tpu.vector_load %arg15[%swap3A_492] {strides = array<i32>} : memref<256xf32, #tpu.memory_space<vmem>>, vector<16xf32>,
    %swap3A_494 = vector.shape_cast %swap3A_493 : vector<16xf32> to vector<16xf32>
    %swap3A_495 = vector.shape_cast %scan3A_470#5 : vector<16xf32> to vector<16xf32>
    tpu.vector_store %arg15[%swap3A_492], %swap3A_495 {strides = array<i32>} : memref<256xf32, #tpu.memory_space<vmem>>, vector<16xf32>,
    %swap3A_496 = arith.constant 96 : index
    %swap3A_497 = tpu.vector_load %arg15[%swap3A_496] {strides = array<i32>} : memref<256xf32, #tpu.memory_space<vmem>>, vector<16xf32>,
    %swap3A_498 = vector.shape_cast %swap3A_497 : vector<16xf32> to vector<16xf32>
    %swap3A_499 = vector.shape_cast %scan3A_470#6 : vector<16xf32> to vector<16xf32>
    tpu.vector_store %arg15[%swap3A_496], %swap3A_499 {strides = array<i32>} : memref<256xf32, #tpu.memory_space<vmem>>, vector<16xf32>,
    %swap3A_500 = arith.constant 112 : index
    %swap3A_501 = tpu.vector_load %arg15[%swap3A_500] {strides = array<i32>} : memref<256xf32, #tpu.memory_space<vmem>>, vector<16xf32>,
    %swap3A_502 = vector.shape_cast %swap3A_501 : vector<16xf32> to vector<16xf32>
    %swap3A_503 = vector.shape_cast %scan3A_470#7 : vector<16xf32> to vector<16xf32>
    tpu.vector_store %arg15[%swap3A_500], %swap3A_503 {strides = array<i32>} : memref<256xf32, #tpu.memory_space<vmem>>, vector<16xf32>,
    %swap3A_504 = arith.constant 128 : index
    %swap3A_505 = tpu.vector_load %arg15[%swap3A_504] {strides = array<i32>} : memref<256xf32, #tpu.memory_space<vmem>>, vector<16xf32>,
    %swap3A_506 = vector.shape_cast %swap3A_505 : vector<16xf32> to vector<16xf32>
    %swap3A_507 = vector.shape_cast %scan3A_470#8 : vector<16xf32> to vector<16xf32>
    tpu.vector_store %arg15[%swap3A_504], %swap3A_507 {strides = array<i32>} : memref<256xf32, #tpu.memory_space<vmem>>, vector<16xf32>,
    %swap3A_508 = arith.constant 144 : index
    %swap3A_509 = tpu.vector_load %arg15[%swap3A_508] {strides = array<i32>} : memref<256xf32, #tpu.memory_space<vmem>>, vector<16xf32>,
    %swap3A_510 = vector.shape_cast %swap3A_509 : vector<16xf32> to vector<16xf32>
    %swap3A_511 = vector.shape_cast %scan3A_470#9 : vector<16xf32> to vector<16xf32>
    tpu.vector_store %arg15[%swap3A_508], %swap3A_511 {strides = array<i32>} : memref<256xf32, #tpu.memory_space<vmem>>, vector<16xf32>,
    %swap3A_512 = arith.constant 160 : index
    %swap3A_513 = tpu.vector_load %arg15[%swap3A_512] {strides = array<i32>} : memref<256xf32, #tpu.memory_space<vmem>>, vector<16xf32>,
    %swap3A_514 = vector.shape_cast %swap3A_513 : vector<16xf32> to vector<16xf32>
    %swap3A_515 = vector.shape_cast %scan3A_470#10 : vector<16xf32> to vector<16xf32>
    tpu.vector_store %arg15[%swap3A_512], %swap3A_515 {strides = array<i32>} : memref<256xf32, #tpu.memory_space<vmem>>, vector<16xf32>,
    %swap3A_516 = arith.constant 176 : index
    %swap3A_517 = tpu.vector_load %arg15[%swap3A_516] {strides = array<i32>} : memref<256xf32, #tpu.memory_space<vmem>>, vector<16xf32>,
    %swap3A_518 = vector.shape_cast %swap3A_517 : vector<16xf32> to vector<16xf32>
    %swap3A_519 = vector.shape_cast %scan3A_470#11 : vector<16xf32> to vector<16xf32>
    tpu.vector_store %arg15[%swap3A_516], %swap3A_519 {strides = array<i32>} : memref<256xf32, #tpu.memory_space<vmem>>, vector<16xf32>,
    %swap3A_520 = arith.constant 192 : index
    %swap3A_521 = tpu.vector_load %arg15[%swap3A_520] {strides = array<i32>} : memref<256xf32, #tpu.memory_space<vmem>>, vector<16xf32>,
    %swap3A_522 = vector.shape_cast %swap3A_521 : vector<16xf32> to vector<16xf32>
    %swap3A_523 = vector.shape_cast %scan3A_470#12 : vector<16xf32> to vector<16xf32>
    tpu.vector_store %arg15[%swap3A_520], %swap3A_523 {strides = array<i32>} : memref<256xf32, #tpu.memory_space<vmem>>, vector<16xf32>,
    %swap3A_524 = arith.constant 208 : index
    %swap3A_525 = tpu.vector_load %arg15[%swap3A_524] {strides = array<i32>} : memref<256xf32, #tpu.memory_space<vmem>>, vector<16xf32>,
    %swap3A_526 = vector.shape_cast %swap3A_525 : vector<16xf32> to vector<16xf32>
    %swap3A_527 = vector.shape_cast %scan3A_470#13 : vector<16xf32> to vector<16xf32>
    tpu.vector_store %arg15[%swap3A_524], %swap3A_527 {strides = array<i32>} : memref<256xf32, #tpu.memory_space<vmem>>, vector<16xf32>,
    %swap3A_528 = arith.constant 224 : index
    %swap3A_529 = tpu.vector_load %arg15[%swap3A_528] {strides = array<i32>} : memref<256xf32, #tpu.memory_space<vmem>>, vector<16xf32>,
    %swap3A_530 = vector.shape_cast %swap3A_529 : vector<16xf32> to vector<16xf32>
    %swap3A_531 = vector.shape_cast %scan3A_470#14 : vector<16xf32> to vector<16xf32>
    tpu.vector_store %arg15[%swap3A_528], %swap3A_531 {strides = array<i32>} : memref<256xf32, #tpu.memory_space<vmem>>, vector<16xf32>,
    %swap3A_532 = arith.constant 240 : index
    %swap3A_533 = tpu.vector_load %arg15[%swap3A_532] {strides = array<i32>} : memref<256xf32, #tpu.memory_space<vmem>>, vector<16xf32>,
    %swap3A_534 = vector.shape_cast %swap3A_533 : vector<16xf32> to vector<16xf32>
    %swap3A_535 = vector.shape_cast %scan3A_470#15 : vector<16xf32> to vector<16xf32>
    tpu.vector_store %arg15[%swap3A_532], %swap3A_535 {strides = array<i32>} : memref<256xf32, #tpu.memory_space<vmem>>, vector<16xf32>,
    %dma_start3A_536 = arith.constant 0 : i32
    %dma_start3A_537 = tpu.memref_slice %arg6[%sub3A_463, %dma_start3A_536] : memref<4096x256xf32, #tpu.memory_space<hbm>> -> memref<1x256xf32, #tpu.memory_space<hbm>>
    %dma_start3A_538 = tpu.memref_squeeze %dma_start3A_537 : memref<1x256xf32, #tpu.memory_space<hbm>> -> memref<256xf32, #tpu.memory_space<hbm>>
    %dma_start3A_539 = arith.constant 0 : i32
    %dma_start3A_540 = tpu.memref_slice %arg6[%sub3A_463, %dma_start3A_539] : memref<4096x256xf32, #tpu.memory_space<hbm>> -> memref<1x256xf32, #tpu.memory_space<hbm>>
    %dma_start3A_541 = tpu.memref_squeeze %dma_start3A_540 : memref<1x256xf32, #tpu.memory_space<hbm>> -> memref<256xf32, #tpu.memory_space<hbm>>
    tpu.enqueue_dma source(%arg15 : memref<256xf32, #tpu.memory_space<vmem>>) target(%dma_start3A_541 : memref<256xf32, #tpu.memory_space<hbm>>) target_semaphore(%arg21 : memref<!tpu.dma_semaphore, #tpu.memory_space<semaphore_mem>>)
    %dma_wait3A_542 = arith.constant 0 : i32
    %dma_wait3A_543 = arith.constant 0 : i32
    %dma_wait3A_544 = tpu.memref_slice %arg4[%dma_wait3A_542, %dma_wait3A_543] : memref<1000x128xf32, #tpu.memory_space<hbm>> -> memref<200x128xf32, #tpu.memory_space<hbm>>
    %dma_wait3A_545 = arith.constant 0 : i32
    %dma_wait3A_546 = arith.constant 0 : i32
    %dma_wait3A_547 = tpu.memref_slice %arg4[%dma_wait3A_545, %dma_wait3A_546] : memref<1000x128xf32, #tpu.memory_space<hbm>> -> memref<200x128xf32, #tpu.memory_space<hbm>>
    tpu.wait_dma2 semaphore(%arg18 : memref<!tpu.dma_semaphore, #tpu.memory_space<semaphore_mem>>) src(%dma_wait3A_547 : memref<200x128xf32, #tpu.memory_space<hbm>>) dst(%arg12 : memref<200x128xf32, #tpu.memory_space<vmem>>)
    %dma_wait3A_548 = arith.constant 0 : i32
    %dma_wait3A_549 = arith.constant 0 : i32
    %dma_wait3A_550 = tpu.memref_slice %arg5[%dma_wait3A_548, %dma_wait3A_549] : memref<100000x128xf32, #tpu.memory_space<hbm>> -> memref<200x128xf32, #tpu.memory_space<hbm>>
    %dma_wait3A_551 = arith.constant 0 : i32
    %dma_wait3A_552 = arith.constant 0 : i32
    %dma_wait3A_553 = tpu.memref_slice %arg5[%dma_wait3A_551, %dma_wait3A_552] : memref<100000x128xf32, #tpu.memory_space<hbm>> -> memref<200x128xf32, #tpu.memory_space<hbm>>
    tpu.wait_dma2 semaphore(%arg18 : memref<!tpu.dma_semaphore, #tpu.memory_space<semaphore_mem>>) src(%dma_wait3A_553 : memref<200x128xf32, #tpu.memory_space<hbm>>) dst(%arg14 : memref<200x128xf32, #tpu.memory_space<vmem>>)
    %dma_wait3A_554 = arith.constant 0 : i32
    %dma_wait3A_555 = arith.constant 0 : i32
    %dma_wait3A_556 = tpu.memref_slice %arg16[%dma_wait3A_555] : memref<256xf32, #tpu.memory_space<vmem>> -> memref<128xf32, #tpu.memory_space<vmem>>
    %dma_wait3A_557 = arith.constant 0 : i32
    %dma_wait3A_558 = tpu.memref_slice %arg4[%dma_wait3A_554, %dma_wait3A_557] : memref<1000x128xf32, #tpu.memory_space<hbm>> -> memref<1x128xf32, #tpu.memory_space<hbm>>
    %dma_wait3A_559 = tpu.memref_squeeze %dma_wait3A_558 : memref<1x128xf32, #tpu.memory_space<hbm>> -> memref<128xf32, #tpu.memory_space<hbm>>
    %dma_wait3A_560 = arith.constant 0 : i32
    %dma_wait3A_561 = tpu.memref_slice %arg16[%dma_wait3A_560] : memref<256xf32, #tpu.memory_space<vmem>> -> memref<128xf32, #tpu.memory_space<vmem>>
    %dma_wait3A_562 = arith.constant 0 : i32
    %dma_wait3A_563 = tpu.memref_slice %arg4[%dma_wait3A_554, %dma_wait3A_562] : memref<1000x128xf32, #tpu.memory_space<hbm>> -> memref<1x128xf32, #tpu.memory_space<hbm>>
    %dma_wait3A_564 = tpu.memref_squeeze %dma_wait3A_563 : memref<1x128xf32, #tpu.memory_space<hbm>> -> memref<128xf32, #tpu.memory_space<hbm>>
    tpu.wait_dma2 semaphore(%arg22 : memref<!tpu.dma_semaphore, #tpu.memory_space<semaphore_mem>>) src(%dma_wait3A_564 : memref<128xf32, #tpu.memory_space<hbm>>) dst(%dma_wait3A_561 : memref<128xf32, #tpu.memory_space<vmem>>)
    %dma_wait3A_565 = arith.constant 0 : i32
    %dma_wait3A_566 = arith.constant 128 : i32
    %dma_wait3A_567 = tpu.memref_slice %arg16[%dma_wait3A_566] : memref<256xf32, #tpu.memory_space<vmem>> -> memref<128xf32, #tpu.memory_space<vmem>>
    %dma_wait3A_568 = arith.constant 0 : i32
    %dma_wait3A_569 = tpu.memref_slice %arg4[%dma_wait3A_565, %dma_wait3A_568] : memref<1000x128xf32, #tpu.memory_space<hbm>> -> memref<1x128xf32, #tpu.memory_space<hbm>>
    %dma_wait3A_570 = tpu.memref_squeeze %dma_wait3A_569 : memref<1x128xf32, #tpu.memory_space<hbm>> -> memref<128xf32, #tpu.memory_space<hbm>>
    %dma_wait3A_571 = arith.constant 128 : i32
    %dma_wait3A_572 = tpu.memref_slice %arg16[%dma_wait3A_571] : memref<256xf32, #tpu.memory_space<vmem>> -> memref<128xf32, #tpu.memory_space<vmem>>
    %dma_wait3A_573 = arith.constant 0 : i32
    %dma_wait3A_574 = tpu.memref_slice %arg4[%dma_wait3A_565, %dma_wait3A_573] : memref<1000x128xf32, #tpu.memory_space<hbm>> -> memref<1x128xf32, #tpu.memory_space<hbm>>
    %dma_wait3A_575 = tpu.memref_squeeze %dma_wait3A_574 : memref<1x128xf32, #tpu.memory_space<hbm>> -> memref<128xf32, #tpu.memory_space<hbm>>
    tpu.wait_dma2 semaphore(%arg22 : memref<!tpu.dma_semaphore, #tpu.memory_space<semaphore_mem>>) src(%dma_wait3A_575 : memref<128xf32, #tpu.memory_space<hbm>>) dst(%dma_wait3A_572 : memref<128xf32, #tpu.memory_space<vmem>>)
    %add3A_576 = arith.constant 128 : i32
    %add3A_577 = arith.addi %mul3A_2, %add3A_576 : i32
    %sub3A_578 = arith.constant 1 : i32
    %sub3A_579 = arith.subi %add3A_577, %sub3A_578 : i32
    %broadcast_in_dim3A_580 = arith.constant 0.000000e+00 : f32
    %broadcast_in_dim3A_581 = vector.broadcast %broadcast_in_dim3A_580 : f32 to vector<16xf32>
    %scan3A_582 = arith.constant 0 : i32
    %scan3A_583 = arith.constant 200 : i32
    %scan3A_584 = arith.addi %scan3A_582, %scan3A_583 : i32
    %scan3A_585 = arith.constant 2 : i32
    %scan3A_586:16 = scf.for %scan3A_702 = %scan3A_582 to %scan3A_584 step %scan3A_585 iter_args(%scan3A_703 = %broadcast_in_dim3A_581, %scan3A_704 = %broadcast_in_dim3A_581, %scan3A_705 = %broadcast_in_dim3A_581, %scan3A_706 = %broadcast_in_dim3A_581, %scan3A_707 = %broadcast_in_dim3A_581, %scan3A_708 = %broadcast_in_dim3A_581, %scan3A_709 = %broadcast_in_dim3A_581, %scan3A_710 = %broadcast_in_dim3A_581, %scan3A_711 = %broadcast_in_dim3A_581, %scan3A_712 = %broadcast_in_dim3A_581, %scan3A_713 = %broadcast_in_dim3A_581, %scan3A_714 = %broadcast_in_dim3A_581, %scan3A_715 = %broadcast_in_dim3A_581, %scan3A_716 = %broadcast_in_dim3A_581, %scan3A_717 = %broadcast_in_dim3A_581, %scan3A_718 = %broadcast_in_dim3A_581) -> (vector<16xf32>, vector<16xf32>, vector<16xf32>, vector<16xf32>, vector<16xf32>, vector<16xf32>, vector<16xf32>, vector<16xf32>, vector<16xf32>, vector<16xf32>, vector<16xf32>, vector<16xf32>, vector<16xf32>, vector<16xf32>, vector<16xf32>, vector<16xf32>)  : i32 {
      %get3A = arith.index_cast %scan3A_702 : i32 to index
      %get3A_719 = arith.constant 0 : index
      %get3A_720 = tpu.vector_load %arg12[%get3A, %get3A_719] {strides = array<i32>} : memref<200x128xf32, #tpu.memory_space<vmem>>, vector<1x16xf32>,
      %get3A_721 = vector.shape_cast %get3A_720 : vector<1x16xf32> to vector<16xf32>
      %add3A_722 = arith.addf %scan3A_703, %get3A_721 : vector<16xf32>
      %get3A_723 = arith.index_cast %scan3A_702 : i32 to index
      %get3A_724 = arith.constant 16 : index
      %get3A_725 = tpu.vector_load %arg12[%get3A_723, %get3A_724] {strides = array<i32>} : memref<200x128xf32, #tpu.memory_space<vmem>>, vector<1x16xf32>,
      %get3A_726 = vector.shape_cast %get3A_725 : vector<1x16xf32> to vector<16xf32>
      %add3A_727 = arith.addf %scan3A_704, %get3A_726 : vector<16xf32>
      %get3A_728 = arith.index_cast %scan3A_702 : i32 to index
      %get3A_729 = arith.constant 32 : index
      %get3A_730 = tpu.vector_load %arg12[%get3A_728, %get3A_729] {strides = array<i32>} : memref<200x128xf32, #tpu.memory_space<vmem>>, vector<1x16xf32>,
      %get3A_731 = vector.shape_cast %get3A_730 : vector<1x16xf32> to vector<16xf32>
      %add3A_732 = arith.addf %scan3A_705, %get3A_731 : vector<16xf32>
      %get3A_733 = arith.index_cast %scan3A_702 : i32 to index
      %get3A_734 = arith.constant 48 : index
      %get3A_735 = tpu.vector_load %arg12[%get3A_733, %get3A_734] {strides = array<i32>} : memref<200x128xf32, #tpu.memory_space<vmem>>, vector<1x16xf32>,
      %get3A_736 = vector.shape_cast %get3A_735 : vector<1x16xf32> to vector<16xf32>
      %add3A_737 = arith.addf %scan3A_706, %get3A_736 : vector<16xf32>
      %get3A_738 = arith.index_cast %scan3A_702 : i32 to index
      %get3A_739 = arith.constant 64 : index
      %get3A_740 = tpu.vector_load %arg12[%get3A_738, %get3A_739] {strides = array<i32>} : memref<200x128xf32, #tpu.memory_space<vmem>>, vector<1x16xf32>,
      %get3A_741 = vector.shape_cast %get3A_740 : vector<1x16xf32> to vector<16xf32>
      %add3A_742 = arith.addf %scan3A_707, %get3A_741 : vector<16xf32>
      %get3A_743 = arith.index_cast %scan3A_702 : i32 to index
      %get3A_744 = arith.constant 80 : index
      %get3A_745 = tpu.vector_load %arg12[%get3A_743, %get3A_744] {strides = array<i32>} : memref<200x128xf32, #tpu.memory_space<vmem>>, vector<1x16xf32>,
      %get3A_746 = vector.shape_cast %get3A_745 : vector<1x16xf32> to vector<16xf32>
      %add3A_747 = arith.addf %scan3A_708, %get3A_746 : vector<16xf32>
      %get3A_748 = arith.index_cast %scan3A_702 : i32 to index
      %get3A_749 = arith.constant 96 : index
      %get3A_750 = tpu.vector_load %arg12[%get3A_748, %get3A_749] {strides = array<i32>} : memref<200x128xf32, #tpu.memory_space<vmem>>, vector<1x16xf32>,
      %get3A_751 = vector.shape_cast %get3A_750 : vector<1x16xf32> to vector<16xf32>
      %add3A_752 = arith.addf %scan3A_709, %get3A_751 : vector<16xf32>
      %get3A_753 = arith.index_cast %scan3A_702 : i32 to index
      %get3A_754 = arith.constant 112 : index
      %get3A_755 = tpu.vector_load %arg12[%get3A_753, %get3A_754] {strides = array<i32>} : memref<200x128xf32, #tpu.memory_space<vmem>>, vector<1x16xf32>,
      %get3A_756 = vector.shape_cast %get3A_755 : vector<1x16xf32> to vector<16xf32>
      %add3A_757 = arith.addf %scan3A_710, %get3A_756 : vector<16xf32>
      %get3A_758 = arith.index_cast %scan3A_702 : i32 to index
      %get3A_759 = arith.constant 0 : index
      %get3A_760 = tpu.vector_load %arg14[%get3A_758, %get3A_759] {strides = array<i32>} : memref<200x128xf32, #tpu.memory_space<vmem>>, vector<1x16xf32>,
      %get3A_761 = vector.shape_cast %get3A_760 : vector<1x16xf32> to vector<16xf32>
      %add3A_762 = arith.addf %scan3A_711, %get3A_761 : vector<16xf32>
      %get3A_763 = arith.index_cast %scan3A_702 : i32 to index
      %get3A_764 = arith.constant 16 : index
      %get3A_765 = tpu.vector_load %arg14[%get3A_763, %get3A_764] {strides = array<i32>} : memref<200x128xf32, #tpu.memory_space<vmem>>, vector<1x16xf32>,
      %get3A_766 = vector.shape_cast %get3A_765 : vector<1x16xf32> to vector<16xf32>
      %add3A_767 = arith.addf %scan3A_712, %get3A_766 : vector<16xf32>
      %get3A_768 = arith.index_cast %scan3A_702 : i32 to index
      %get3A_769 = arith.constant 32 : index
      %get3A_770 = tpu.vector_load %arg14[%get3A_768, %get3A_769] {strides = array<i32>} : memref<200x128xf32, #tpu.memory_space<vmem>>, vector<1x16xf32>,
      %get3A_771 = vector.shape_cast %get3A_770 : vector<1x16xf32> to vector<16xf32>
      %add3A_772 = arith.addf %scan3A_713, %get3A_771 : vector<16xf32>
      %get3A_773 = arith.index_cast %scan3A_702 : i32 to index
      %get3A_774 = arith.constant 48 : index
      %get3A_775 = tpu.vector_load %arg14[%get3A_773, %get3A_774] {strides = array<i32>} : memref<200x128xf32, #tpu.memory_space<vmem>>, vector<1x16xf32>,
      %get3A_776 = vector.shape_cast %get3A_775 : vector<1x16xf32> to vector<16xf32>
      %add3A_777 = arith.addf %scan3A_714, %get3A_776 : vector<16xf32>
      %get3A_778 = arith.index_cast %scan3A_702 : i32 to index
      %get3A_779 = arith.constant 64 : index
      %get3A_780 = tpu.vector_load %arg14[%get3A_778, %get3A_779] {strides = array<i32>} : memref<200x128xf32, #tpu.memory_space<vmem>>, vector<1x16xf32>,
      %get3A_781 = vector.shape_cast %get3A_780 : vector<1x16xf32> to vector<16xf32>
      %add3A_782 = arith.addf %scan3A_715, %get3A_781 : vector<16xf32>
      %get3A_783 = arith.index_cast %scan3A_702 : i32 to index
      %get3A_784 = arith.constant 80 : index
      %get3A_785 = tpu.vector_load %arg14[%get3A_783, %get3A_784] {strides = array<i32>} : memref<200x128xf32, #tpu.memory_space<vmem>>, vector<1x16xf32>,
      %get3A_786 = vector.shape_cast %get3A_785 : vector<1x16xf32> to vector<16xf32>
      %add3A_787 = arith.addf %scan3A_716, %get3A_786 : vector<16xf32>
      %get3A_788 = arith.index_cast %scan3A_702 : i32 to index
      %get3A_789 = arith.constant 96 : index
      %get3A_790 = tpu.vector_load %arg14[%get3A_788, %get3A_789] {strides = array<i32>} : memref<200x128xf32, #tpu.memory_space<vmem>>, vector<1x16xf32>,
      %get3A_791 = vector.shape_cast %get3A_790 : vector<1x16xf32> to vector<16xf32>
      %add3A_792 = arith.addf %scan3A_717, %get3A_791 : vector<16xf32>
      %get3A_793 = arith.index_cast %scan3A_702 : i32 to index
      %get3A_794 = arith.constant 112 : index
      %get3A_795 = tpu.vector_load %arg14[%get3A_793, %get3A_794] {strides = array<i32>} : memref<200x128xf32, #tpu.memory_space<vmem>>, vector<1x16xf32>,
      %get3A_796 = vector.shape_cast %get3A_795 : vector<1x16xf32> to vector<16xf32>
      %add3A_797 = arith.addf %scan3A_718, %get3A_796 : vector<16xf32>
      %scan3A_798 = arith.constant 1 : i32
      %scan3A_799 = arith.addi %scan3A_702, %scan3A_798 : i32
      %get3A_800 = arith.index_cast %scan3A_799 : i32 to index
      %get3A_801 = arith.constant 0 : index
      %get3A_802 = tpu.vector_load %arg12[%get3A_800, %get3A_801] {strides = array<i32>} : memref<200x128xf32, #tpu.memory_space<vmem>>, vector<1x16xf32>,
      %get3A_803 = vector.shape_cast %get3A_802 : vector<1x16xf32> to vector<16xf32>
      %add3A_804 = arith.addf %add3A_722, %get3A_803 : vector<16xf32>
      %get3A_805 = arith.index_cast %scan3A_799 : i32 to index
      %get3A_806 = arith.constant 16 : index
      %get3A_807 = tpu.vector_load %arg12[%get3A_805, %get3A_806] {strides = array<i32>} : memref<200x128xf32, #tpu.memory_space<vmem>>, vector<1x16xf32>,
      %get3A_808 = vector.shape_cast %get3A_807 : vector<1x16xf32> to vector<16xf32>
      %add3A_809 = arith.addf %add3A_727, %get3A_808 : vector<16xf32>
      %get3A_810 = arith.index_cast %scan3A_799 : i32 to index
      %get3A_811 = arith.constant 32 : index
      %get3A_812 = tpu.vector_load %arg12[%get3A_810, %get3A_811] {strides = array<i32>} : memref<200x128xf32, #tpu.memory_space<vmem>>, vector<1x16xf32>,
      %get3A_813 = vector.shape_cast %get3A_812 : vector<1x16xf32> to vector<16xf32>
      %add3A_814 = arith.addf %add3A_732, %get3A_813 : vector<16xf32>
      %get3A_815 = arith.index_cast %scan3A_799 : i32 to index
      %get3A_816 = arith.constant 48 : index
      %get3A_817 = tpu.vector_load %arg12[%get3A_815, %get3A_816] {strides = array<i32>} : memref<200x128xf32, #tpu.memory_space<vmem>>, vector<1x16xf32>,
      %get3A_818 = vector.shape_cast %get3A_817 : vector<1x16xf32> to vector<16xf32>
      %add3A_819 = arith.addf %add3A_737, %get3A_818 : vector<16xf32>
      %get3A_820 = arith.index_cast %scan3A_799 : i32 to index
      %get3A_821 = arith.constant 64 : index
      %get3A_822 = tpu.vector_load %arg12[%get3A_820, %get3A_821] {strides = array<i32>} : memref<200x128xf32, #tpu.memory_space<vmem>>, vector<1x16xf32>,
      %get3A_823 = vector.shape_cast %get3A_822 : vector<1x16xf32> to vector<16xf32>
      %add3A_824 = arith.addf %add3A_742, %get3A_823 : vector<16xf32>
      %get3A_825 = arith.index_cast %scan3A_799 : i32 to index
      %get3A_826 = arith.constant 80 : index
      %get3A_827 = tpu.vector_load %arg12[%get3A_825, %get3A_826] {strides = array<i32>} : memref<200x128xf32, #tpu.memory_space<vmem>>, vector<1x16xf32>,
      %get3A_828 = vector.shape_cast %get3A_827 : vector<1x16xf32> to vector<16xf32>
      %add3A_829 = arith.addf %add3A_747, %get3A_828 : vector<16xf32>
      %get3A_830 = arith.index_cast %scan3A_799 : i32 to index
      %get3A_831 = arith.constant 96 : index
      %get3A_832 = tpu.vector_load %arg12[%get3A_830, %get3A_831] {strides = array<i32>} : memref<200x128xf32, #tpu.memory_space<vmem>>, vector<1x16xf32>,
      %get3A_833 = vector.shape_cast %get3A_832 : vector<1x16xf32> to vector<16xf32>
      %add3A_834 = arith.addf %add3A_752, %get3A_833 : vector<16xf32>
      %get3A_835 = arith.index_cast %scan3A_799 : i32 to index
      %get3A_836 = arith.constant 112 : index
      %get3A_837 = tpu.vector_load %arg12[%get3A_835, %get3A_836] {strides = array<i32>} : memref<200x128xf32, #tpu.memory_space<vmem>>, vector<1x16xf32>,
      %get3A_838 = vector.shape_cast %get3A_837 : vector<1x16xf32> to vector<16xf32>
      %add3A_839 = arith.addf %add3A_757, %get3A_838 : vector<16xf32>
      %get3A_840 = arith.index_cast %scan3A_799 : i32 to index
      %get3A_841 = arith.constant 0 : index
      %get3A_842 = tpu.vector_load %arg14[%get3A_840, %get3A_841] {strides = array<i32>} : memref<200x128xf32, #tpu.memory_space<vmem>>, vector<1x16xf32>,
      %get3A_843 = vector.shape_cast %get3A_842 : vector<1x16xf32> to vector<16xf32>
      %add3A_844 = arith.addf %add3A_762, %get3A_843 : vector<16xf32>
      %get3A_845 = arith.index_cast %scan3A_799 : i32 to index
      %get3A_846 = arith.constant 16 : index
      %get3A_847 = tpu.vector_load %arg14[%get3A_845, %get3A_846] {strides = array<i32>} : memref<200x128xf32, #tpu.memory_space<vmem>>, vector<1x16xf32>,
      %get3A_848 = vector.shape_cast %get3A_847 : vector<1x16xf32> to vector<16xf32>
      %add3A_849 = arith.addf %add3A_767, %get3A_848 : vector<16xf32>
      %get3A_850 = arith.index_cast %scan3A_799 : i32 to index
      %get3A_851 = arith.constant 32 : index
      %get3A_852 = tpu.vector_load %arg14[%get3A_850, %get3A_851] {strides = array<i32>} : memref<200x128xf32, #tpu.memory_space<vmem>>, vector<1x16xf32>,
      %get3A_853 = vector.shape_cast %get3A_852 : vector<1x16xf32> to vector<16xf32>
      %add3A_854 = arith.addf %add3A_772, %get3A_853 : vector<16xf32>
      %get3A_855 = arith.index_cast %scan3A_799 : i32 to index
      %get3A_856 = arith.constant 48 : index
      %get3A_857 = tpu.vector_load %arg14[%get3A_855, %get3A_856] {strides = array<i32>} : memref<200x128xf32, #tpu.memory_space<vmem>>, vector<1x16xf32>,
      %get3A_858 = vector.shape_cast %get3A_857 : vector<1x16xf32> to vector<16xf32>
      %add3A_859 = arith.addf %add3A_777, %get3A_858 : vector<16xf32>
      %get3A_860 = arith.index_cast %scan3A_799 : i32 to index
      %get3A_861 = arith.constant 64 : index
      %get3A_862 = tpu.vector_load %arg14[%get3A_860, %get3A_861] {strides = array<i32>} : memref<200x128xf32, #tpu.memory_space<vmem>>, vector<1x16xf32>,
      %get3A_863 = vector.shape_cast %get3A_862 : vector<1x16xf32> to vector<16xf32>
      %add3A_864 = arith.addf %add3A_782, %get3A_863 : vector<16xf32>
      %get3A_865 = arith.index_cast %scan3A_799 : i32 to index
      %get3A_866 = arith.constant 80 : index
      %get3A_867 = tpu.vector_load %arg14[%get3A_865, %get3A_866] {strides = array<i32>} : memref<200x128xf32, #tpu.memory_space<vmem>>, vector<1x16xf32>,
      %get3A_868 = vector.shape_cast %get3A_867 : vector<1x16xf32> to vector<16xf32>
      %add3A_869 = arith.addf %add3A_787, %get3A_868 : vector<16xf32>
      %get3A_870 = arith.index_cast %scan3A_799 : i32 to index
      %get3A_871 = arith.constant 96 : index
      %get3A_872 = tpu.vector_load %arg14[%get3A_870, %get3A_871] {strides = array<i32>} : memref<200x128xf32, #tpu.memory_space<vmem>>, vector<1x16xf32>,
      %get3A_873 = vector.shape_cast %get3A_872 : vector<1x16xf32> to vector<16xf32>
      %add3A_874 = arith.addf %add3A_792, %get3A_873 : vector<16xf32>
      %get3A_875 = arith.index_cast %scan3A_799 : i32 to index
      %get3A_876 = arith.constant 112 : index
      %get3A_877 = tpu.vector_load %arg14[%get3A_875, %get3A_876] {strides = array<i32>} : memref<200x128xf32, #tpu.memory_space<vmem>>, vector<1x16xf32>,
      %get3A_878 = vector.shape_cast %get3A_877 : vector<1x16xf32> to vector<16xf32>
      %add3A_879 = arith.addf %add3A_797, %get3A_878 : vector<16xf32>
      scf.yield %add3A_804, %add3A_809, %add3A_814, %add3A_819, %add3A_824, %add3A_829, %add3A_834, %add3A_839, %add3A_844, %add3A_849, %add3A_854, %add3A_859, %add3A_864, %add3A_869, %add3A_874, %add3A_879 : vector<16xf32>, vector<16xf32>, vector<16xf32>, vector<16xf32>, vector<16xf32>, vector<16xf32>, vector<16xf32>, vector<16xf32>, vector<16xf32>, vector<16xf32>, vector<16xf32>, vector<16xf32>, vector<16xf32>, vector<16xf32>, vector<16xf32>, vector<16xf32>
    }
    %scan3A_587 = arith.constant 200 : i32
    %swap3A_588 = arith.constant 0 : index
    %swap3A_589 = tpu.vector_load %arg16[%swap3A_588] {strides = array<i32>} : memref<256xf32, #tpu.memory_space<vmem>>, vector<16xf32>,
    %swap3A_590 = vector.shape_cast %swap3A_589 : vector<16xf32> to vector<16xf32>
    %swap3A_591 = vector.shape_cast %scan3A_586#0 : vector<16xf32> to vector<16xf32>
    tpu.vector_store %arg16[%swap3A_588], %swap3A_591 {strides = array<i32>} : memref<256xf32, #tpu.memory_space<vmem>>, vector<16xf32>,
    %swap3A_592 = arith.constant 16 : index
    %swap3A_593 = tpu.vector_load %arg16[%swap3A_592] {strides = array<i32>} : memref<256xf32, #tpu.memory_space<vmem>>, vector<16xf32>,
    %swap3A_594 = vector.shape_cast %swap3A_593 : vector<16xf32> to vector<16xf32>
    %swap3A_595 = vector.shape_cast %scan3A_586#1 : vector<16xf32> to vector<16xf32>
    tpu.vector_store %arg16[%swap3A_592], %swap3A_595 {strides = array<i32>} : memref<256xf32, #tpu.memory_space<vmem>>, vector<16xf32>,
    %swap3A_596 = arith.constant 32 : index
    %swap3A_597 = tpu.vector_load %arg16[%swap3A_596] {strides = array<i32>} : memref<256xf32, #tpu.memory_space<vmem>>, vector<16xf32>,
    %swap3A_598 = vector.shape_cast %swap3A_597 : vector<16xf32> to vector<16xf32>
    %swap3A_599 = vector.shape_cast %scan3A_586#2 : vector<16xf32> to vector<16xf32>
    tpu.vector_store %arg16[%swap3A_596], %swap3A_599 {strides = array<i32>} : memref<256xf32, #tpu.memory_space<vmem>>, vector<16xf32>,
    %swap3A_600 = arith.constant 48 : index
    %swap3A_601 = tpu.vector_load %arg16[%swap3A_600] {strides = array<i32>} : memref<256xf32, #tpu.memory_space<vmem>>, vector<16xf32>,
    %swap3A_602 = vector.shape_cast %swap3A_601 : vector<16xf32> to vector<16xf32>
    %swap3A_603 = vector.shape_cast %scan3A_586#3 : vector<16xf32> to vector<16xf32>
    tpu.vector_store %arg16[%swap3A_600], %swap3A_603 {strides = array<i32>} : memref<256xf32, #tpu.memory_space<vmem>>, vector<16xf32>,
    %swap3A_604 = arith.constant 64 : index
    %swap3A_605 = tpu.vector_load %arg16[%swap3A_604] {strides = array<i32>} : memref<256xf32, #tpu.memory_space<vmem>>, vector<16xf32>,
    %swap3A_606 = vector.shape_cast %swap3A_605 : vector<16xf32> to vector<16xf32>
    %swap3A_607 = vector.shape_cast %scan3A_586#4 : vector<16xf32> to vector<16xf32>
    tpu.vector_store %arg16[%swap3A_604], %swap3A_607 {strides = array<i32>} : memref<256xf32, #tpu.memory_space<vmem>>, vector<16xf32>,
    %swap3A_608 = arith.constant 80 : index
    %swap3A_609 = tpu.vector_load %arg16[%swap3A_608] {strides = array<i32>} : memref<256xf32, #tpu.memory_space<vmem>>, vector<16xf32>,
    %swap3A_610 = vector.shape_cast %swap3A_609 : vector<16xf32> to vector<16xf32>
    %swap3A_611 = vector.shape_cast %scan3A_586#5 : vector<16xf32> to vector<16xf32>
    tpu.vector_store %arg16[%swap3A_608], %swap3A_611 {strides = array<i32>} : memref<256xf32, #tpu.memory_space<vmem>>, vector<16xf32>,
    %swap3A_612 = arith.constant 96 : index
    %swap3A_613 = tpu.vector_load %arg16[%swap3A_612] {strides = array<i32>} : memref<256xf32, #tpu.memory_space<vmem>>, vector<16xf32>,
    %swap3A_614 = vector.shape_cast %swap3A_613 : vector<16xf32> to vector<16xf32>
    %swap3A_615 = vector.shape_cast %scan3A_586#6 : vector<16xf32> to vector<16xf32>
    tpu.vector_store %arg16[%swap3A_612], %swap3A_615 {strides = array<i32>} : memref<256xf32, #tpu.memory_space<vmem>>, vector<16xf32>,
    %swap3A_616 = arith.constant 112 : index
    %swap3A_617 = tpu.vector_load %arg16[%swap3A_616] {strides = array<i32>} : memref<256xf32, #tpu.memory_space<vmem>>, vector<16xf32>,
    %swap3A_618 = vector.shape_cast %swap3A_617 : vector<16xf32> to vector<16xf32>
    %swap3A_619 = vector.shape_cast %scan3A_586#7 : vector<16xf32> to vector<16xf32>
    tpu.vector_store %arg16[%swap3A_616], %swap3A_619 {strides = array<i32>} : memref<256xf32, #tpu.memory_space<vmem>>, vector<16xf32>,
    %swap3A_620 = arith.constant 128 : index
    %swap3A_621 = tpu.vector_load %arg16[%swap3A_620] {strides = array<i32>} : memref<256xf32, #tpu.memory_space<vmem>>, vector<16xf32>,
    %swap3A_622 = vector.shape_cast %swap3A_621 : vector<16xf32> to vector<16xf32>
    %swap3A_623 = vector.shape_cast %scan3A_586#8 : vector<16xf32> to vector<16xf32>
    tpu.vector_store %arg16[%swap3A_620], %swap3A_623 {strides = array<i32>} : memref<256xf32, #tpu.memory_space<vmem>>, vector<16xf32>,
    %swap3A_624 = arith.constant 144 : index
    %swap3A_625 = tpu.vector_load %arg16[%swap3A_624] {strides = array<i32>} : memref<256xf32, #tpu.memory_space<vmem>>, vector<16xf32>,
    %swap3A_626 = vector.shape_cast %swap3A_625 : vector<16xf32> to vector<16xf32>
    %swap3A_627 = vector.shape_cast %scan3A_586#9 : vector<16xf32> to vector<16xf32>
    tpu.vector_store %arg16[%swap3A_624], %swap3A_627 {strides = array<i32>} : memref<256xf32, #tpu.memory_space<vmem>>, vector<16xf32>,
    %swap3A_628 = arith.constant 160 : index
    %swap3A_629 = tpu.vector_load %arg16[%swap3A_628] {strides = array<i32>} : memref<256xf32, #tpu.memory_space<vmem>>, vector<16xf32>,
    %swap3A_630 = vector.shape_cast %swap3A_629 : vector<16xf32> to vector<16xf32>
    %swap3A_631 = vector.shape_cast %scan3A_586#10 : vector<16xf32> to vector<16xf32>
    tpu.vector_store %arg16[%swap3A_628], %swap3A_631 {strides = array<i32>} : memref<256xf32, #tpu.memory_space<vmem>>, vector<16xf32>,
    %swap3A_632 = arith.constant 176 : index
    %swap3A_633 = tpu.vector_load %arg16[%swap3A_632] {strides = array<i32>} : memref<256xf32, #tpu.memory_space<vmem>>, vector<16xf32>,
    %swap3A_634 = vector.shape_cast %swap3A_633 : vector<16xf32> to vector<16xf32>
    %swap3A_635 = vector.shape_cast %scan3A_586#11 : vector<16xf32> to vector<16xf32>
    tpu.vector_store %arg16[%swap3A_632], %swap3A_635 {strides = array<i32>} : memref<256xf32, #tpu.memory_space<vmem>>, vector<16xf32>,
    %swap3A_636 = arith.constant 192 : index
    %swap3A_637 = tpu.vector_load %arg16[%swap3A_636] {strides = array<i32>} : memref<256xf32, #tpu.memory_space<vmem>>, vector<16xf32>,
    %swap3A_638 = vector.shape_cast %swap3A_637 : vector<16xf32> to vector<16xf32>
    %swap3A_639 = vector.shape_cast %scan3A_586#12 : vector<16xf32> to vector<16xf32>
    tpu.vector_store %arg16[%swap3A_636], %swap3A_639 {strides = array<i32>} : memref<256xf32, #tpu.memory_space<vmem>>, vector<16xf32>,
    %swap3A_640 = arith.constant 208 : index
    %swap3A_641 = tpu.vector_load %arg16[%swap3A_640] {strides = array<i32>} : memref<256xf32, #tpu.memory_space<vmem>>, vector<16xf32>,
    %swap3A_642 = vector.shape_cast %swap3A_641 : vector<16xf32> to vector<16xf32>
    %swap3A_643 = vector.shape_cast %scan3A_586#13 : vector<16xf32> to vector<16xf32>
    tpu.vector_store %arg16[%swap3A_640], %swap3A_643 {strides = array<i32>} : memref<256xf32, #tpu.memory_space<vmem>>, vector<16xf32>,
    %swap3A_644 = arith.constant 224 : index
    %swap3A_645 = tpu.vector_load %arg16[%swap3A_644] {strides = array<i32>} : memref<256xf32, #tpu.memory_space<vmem>>, vector<16xf32>,
    %swap3A_646 = vector.shape_cast %swap3A_645 : vector<16xf32> to vector<16xf32>
    %swap3A_647 = vector.shape_cast %scan3A_586#14 : vector<16xf32> to vector<16xf32>
    tpu.vector_store %arg16[%swap3A_644], %swap3A_647 {strides = array<i32>} : memref<256xf32, #tpu.memory_space<vmem>>, vector<16xf32>,
    %swap3A_648 = arith.constant 240 : index
    %swap3A_649 = tpu.vector_load %arg16[%swap3A_648] {strides = array<i32>} : memref<256xf32, #tpu.memory_space<vmem>>, vector<16xf32>,
    %swap3A_650 = vector.shape_cast %swap3A_649 : vector<16xf32> to vector<16xf32>
    %swap3A_651 = vector.shape_cast %scan3A_586#15 : vector<16xf32> to vector<16xf32>
    tpu.vector_store %arg16[%swap3A_648], %swap3A_651 {strides = array<i32>} : memref<256xf32, #tpu.memory_space<vmem>>, vector<16xf32>,
    %dma_start3A_652 = arith.constant 0 : i32
    %dma_start3A_653 = tpu.memref_slice %arg6[%sub3A_579, %dma_start3A_652] : memref<4096x256xf32, #tpu.memory_space<hbm>> -> memref<1x256xf32, #tpu.memory_space<hbm>>
    %dma_start3A_654 = tpu.memref_squeeze %dma_start3A_653 : memref<1x256xf32, #tpu.memory_space<hbm>> -> memref<256xf32, #tpu.memory_space<hbm>>
    %dma_start3A_655 = arith.constant 0 : i32
    %dma_start3A_656 = tpu.memref_slice %arg6[%sub3A_579, %dma_start3A_655] : memref<4096x256xf32, #tpu.memory_space<hbm>> -> memref<1x256xf32, #tpu.memory_space<hbm>>
    %dma_start3A_657 = tpu.memref_squeeze %dma_start3A_656 : memref<1x256xf32, #tpu.memory_space<hbm>> -> memref<256xf32, #tpu.memory_space<hbm>>
    tpu.enqueue_dma source(%arg16 : memref<256xf32, #tpu.memory_space<vmem>>) target(%dma_start3A_657 : memref<256xf32, #tpu.memory_space<hbm>>) target_semaphore(%arg22 : memref<!tpu.dma_semaphore, #tpu.memory_space<semaphore_mem>>)
    %dma_wait3A_658 = arith.constant 0 : i32
    %dma_wait3A_659 = arith.constant 0 : i32
    %dma_wait3A_660 = tpu.memref_slice %arg15[%dma_wait3A_659] : memref<256xf32, #tpu.memory_space<vmem>> -> memref<128xf32, #tpu.memory_space<vmem>>
    %dma_wait3A_661 = arith.constant 0 : i32
    %dma_wait3A_662 = tpu.memref_slice %arg4[%dma_wait3A_658, %dma_wait3A_661] : memref<1000x128xf32, #tpu.memory_space<hbm>> -> memref<1x128xf32, #tpu.memory_space<hbm>>
    %dma_wait3A_663 = tpu.memref_squeeze %dma_wait3A_662 : memref<1x128xf32, #tpu.memory_space<hbm>> -> memref<128xf32, #tpu.memory_space<hbm>>
    %dma_wait3A_664 = arith.constant 0 : i32
    %dma_wait3A_665 = tpu.memref_slice %arg15[%dma_wait3A_664] : memref<256xf32, #tpu.memory_space<vmem>> -> memref<128xf32, #tpu.memory_space<vmem>>
    %dma_wait3A_666 = arith.constant 0 : i32
    %dma_wait3A_667 = tpu.memref_slice %arg4[%dma_wait3A_658, %dma_wait3A_666] : memref<1000x128xf32, #tpu.memory_space<hbm>> -> memref<1x128xf32, #tpu.memory_space<hbm>>
    %dma_wait3A_668 = tpu.memref_squeeze %dma_wait3A_667 : memref<1x128xf32, #tpu.memory_space<hbm>> -> memref<128xf32, #tpu.memory_space<hbm>>
    tpu.wait_dma2 semaphore(%arg21 : memref<!tpu.dma_semaphore, #tpu.memory_space<semaphore_mem>>) src(%dma_wait3A_668 : memref<128xf32, #tpu.memory_space<hbm>>) dst(%dma_wait3A_665 : memref<128xf32, #tpu.memory_space<vmem>>)
    %dma_wait3A_669 = arith.constant 0 : i32
    %dma_wait3A_670 = arith.constant 128 : i32
    %dma_wait3A_671 = tpu.memref_slice %arg15[%dma_wait3A_670] : memref<256xf32, #tpu.memory_space<vmem>> -> memref<128xf32, #tpu.memory_space<vmem>>
    %dma_wait3A_672 = arith.constant 0 : i32
    %dma_wait3A_673 = tpu.memref_slice %arg4[%dma_wait3A_669, %dma_wait3A_672] : memref<1000x128xf32, #tpu.memory_space<hbm>> -> memref<1x128xf32, #tpu.memory_space<hbm>>
    %dma_wait3A_674 = tpu.memref_squeeze %dma_wait3A_673 : memref<1x128xf32, #tpu.memory_space<hbm>> -> memref<128xf32, #tpu.memory_space<hbm>>
    %dma_wait3A_675 = arith.constant 128 : i32
    %dma_wait3A_676 = tpu.memref_slice %arg15[%dma_wait3A_675] : memref<256xf32, #tpu.memory_space<vmem>> -> memref<128xf32, #tpu.memory_space<vmem>>
    %dma_wait3A_677 = arith.constant 0 : i32
    %dma_wait3A_678 = tpu.memref_slice %arg4[%dma_wait3A_669, %dma_wait3A_677] : memref<1000x128xf32, #tpu.memory_space<hbm>> -> memref<1x128xf32, #tpu.memory_space<hbm>>
    %dma_wait3A_679 = tpu.memref_squeeze %dma_wait3A_678 : memref<1x128xf32, #tpu.memory_space<hbm>> -> memref<128xf32, #tpu.memory_space<hbm>>
    tpu.wait_dma2 semaphore(%arg21 : memref<!tpu.dma_semaphore, #tpu.memory_space<semaphore_mem>>) src(%dma_wait3A_679 : memref<128xf32, #tpu.memory_space<hbm>>) dst(%dma_wait3A_676 : memref<128xf32, #tpu.memory_space<vmem>>)
    %dma_wait3A_680 = arith.constant 0 : i32
    %dma_wait3A_681 = arith.constant 0 : i32
    %dma_wait3A_682 = tpu.memref_slice %arg16[%dma_wait3A_681] : memref<256xf32, #tpu.memory_space<vmem>> -> memref<128xf32, #tpu.memory_space<vmem>>
    %dma_wait3A_683 = arith.constant 0 : i32
    %dma_wait3A_684 = tpu.memref_slice %arg4[%dma_wait3A_680, %dma_wait3A_683] : memref<1000x128xf32, #tpu.memory_space<hbm>> -> memref<1x128xf32, #tpu.memory_space<hbm>>
    %dma_wait3A_685 = tpu.memref_squeeze %dma_wait3A_684 : memref<1x128xf32, #tpu.memory_space<hbm>> -> memref<128xf32, #tpu.memory_space<hbm>>
    %dma_wait3A_686 = arith.constant 0 : i32
    %dma_wait3A_687 = tpu.memref_slice %arg16[%dma_wait3A_686] : memref<256xf32, #tpu.memory_space<vmem>> -> memref<128xf32, #tpu.memory_space<vmem>>
    %dma_wait3A_688 = arith.constant 0 : i32
    %dma_wait3A_689 = tpu.memref_slice %arg4[%dma_wait3A_680, %dma_wait3A_688] : memref<1000x128xf32, #tpu.memory_space<hbm>> -> memref<1x128xf32, #tpu.memory_space<hbm>>
    %dma_wait3A_690 = tpu.memref_squeeze %dma_wait3A_689 : memref<1x128xf32, #tpu.memory_space<hbm>> -> memref<128xf32, #tpu.memory_space<hbm>>
    tpu.wait_dma2 semaphore(%arg22 : memref<!tpu.dma_semaphore, #tpu.memory_space<semaphore_mem>>) src(%dma_wait3A_690 : memref<128xf32, #tpu.memory_space<hbm>>) dst(%dma_wait3A_687 : memref<128xf32, #tpu.memory_space<vmem>>)
    %dma_wait3A_691 = arith.constant 0 : i32
    %dma_wait3A_692 = arith.constant 128 : i32
    %dma_wait3A_693 = tpu.memref_slice %arg16[%dma_wait3A_692] : memref<256xf32, #tpu.memory_space<vmem>> -> memref<128xf32, #tpu.memory_space<vmem>>
    %dma_wait3A_694 = arith.constant 0 : i32
    %dma_wait3A_695 = tpu.memref_slice %arg4[%dma_wait3A_691, %dma_wait3A_694] : memref<1000x128xf32, #tpu.memory_space<hbm>> -> memref<1x128xf32, #tpu.memory_space<hbm>>
    %dma_wait3A_696 = tpu.memref_squeeze %dma_wait3A_695 : memref<1x128xf32, #tpu.memory_space<hbm>> -> memref<128xf32, #tpu.memory_space<hbm>>
    %dma_wait3A_697 = arith.constant 128 : i32
    %dma_wait3A_698 = tpu.memref_slice %arg16[%dma_wait3A_697] : memref<256xf32, #tpu.memory_space<vmem>> -> memref<128xf32, #tpu.memory_space<vmem>>
    %dma_wait3A_699 = arith.constant 0 : i32
    %dma_wait3A_700 = tpu.memref_slice %arg4[%dma_wait3A_691, %dma_wait3A_699] : memref<1000x128xf32, #tpu.memory_space<hbm>> -> memref<1x128xf32, #tpu.memory_space<hbm>>
    %dma_wait3A_701 = tpu.memref_squeeze %dma_wait3A_700 : memref<1x128xf32, #tpu.memory_space<hbm>> -> memref<128xf32, #tpu.memory_space<hbm>>
    tpu.wait_dma2 semaphore(%arg22 : memref<!tpu.dma_semaphore, #tpu.memory_space<semaphore_mem>>) src(%dma_wait3A_701 : memref<128xf32, #tpu.memory_space<hbm>>) dst(%dma_wait3A_698 : memref<128xf32, #tpu.memory_space<vmem>>)
    return
  }
}

module attributes {stable_mosaic.version = 14 : i64} {
  func.func @_tc_head(%arg0: i32, %arg1: memref<512x256xf32, #tpu.memory_space<vmem>>, %arg2: memref<512x1xf32, #tpu.memory_space<vmem>>, %arg3: memref<256x512xf32, #tpu.memory_space<vmem>>, %arg4: memref<1x512xf32, #tpu.memory_space<vmem>>, %arg5: memref<512x512xf32, #tpu.memory_space<vmem>>) attributes {dimension_semantics = [#tpu.dimension_semantics<arbitrary>], iteration_bounds = array<i64: 8>, scalar_prefetch = 0 : i64, scratch_operands = 0 : i64, tpu.core_type = #tpu.core_type<tc>, window_params = [{transform_indices = @transform_0, window_bounds = array<i64: 512, 256>}, {transform_indices = @transform_1, window_bounds = array<i64: 512, 1>}, {pipeline_mode = #tpu.pipeline_mode<synchronous>, transform_indices = @transform_2, window_bounds = array<i64: 256, 512>}, {pipeline_mode = #tpu.pipeline_mode<synchronous>, transform_indices = @transform_3, window_bounds = array<i64: 1, 512>}, {transform_indices = @transform_4, window_bounds = array<i64: 512, 512>}]} {
    %get3A = arith.constant 0 : index
    %get3A_0 = arith.constant 0 : index
    %get3A_1 = vector.load %arg1[%get3A, %get3A_0] : memref<512x256xf32, #tpu.memory_space<vmem>>, vector<512x256xf32>
    %get3A_2 = arith.constant 0 : index
    %get3A_3 = arith.constant 0 : index
    %get3A_4 = vector.load %arg2[%get3A_2, %get3A_3] : memref<512x1xf32, #tpu.memory_space<vmem>>, vector<512x1xf32>
    %div3A = vector.broadcast %get3A_4 : vector<512x1xf32> to vector<512x256xf32>
    %div3A_5 = arith.divf %get3A_1, %div3A : vector<512x256xf32>
    %get3A_6 = arith.constant 0 : index
    %get3A_7 = arith.constant 0 : index
    %get3A_8 = vector.load %arg3[%get3A_6, %get3A_7] : memref<256x512xf32, #tpu.memory_space<vmem>>, vector<256x512xf32>
    %dot_general3A = arith.constant dense<0.000000e+00> : vector<512x512xf32>
    %dot_general3A_9 = tpu.matmul %div3A_5, %get3A_8, %dot_general3A {dimension_numbers = #tpu.dot_dimension_numbers<[1], [0], [0], [1], [0, 0, 1, 1], [], []>, transpose_lhs_hint = false} : vector<512x256xf32>, vector<256x512xf32>, vector<512x512xf32> -> vector<512x512xf32>
    %get3A_10 = arith.constant 0 : index
    %get3A_11 = arith.constant 0 : index
    %get3A_12 = vector.load %arg4[%get3A_10, %get3A_11] : memref<1x512xf32, #tpu.memory_space<vmem>>, vector<1x512xf32>
    %add3A = vector.broadcast %get3A_12 : vector<1x512xf32> to vector<512x512xf32>
    %add3A_13 = arith.addf %dot_general3A_9, %add3A : vector<512x512xf32>
    %reduce_max3A = arith.constant dense<0xFF800000> : vector<512xf32>
    %reduce_max3A_14 = vector.multi_reduction <maximumf>, %add3A_13, %reduce_max3A [1] : vector<512x512xf32> to vector<512xf32>
    %broadcast_in_dim3A = vector.shape_cast %reduce_max3A_14 : vector<512xf32> to vector<512x1xf32>
    %sub3A = vector.broadcast %broadcast_in_dim3A : vector<512x1xf32> to vector<512x512xf32>
    %sub3A_15 = arith.subf %add3A_13, %sub3A : vector<512x512xf32>
    %exp3A = math.exp %sub3A_15 : vector<512x512xf32>
    %reduce_sum3A = arith.constant dense<0.000000e+00> : vector<512xf32>
    %reduce_sum3A_16 = vector.multi_reduction <add>, %exp3A, %reduce_sum3A [1] : vector<512x512xf32> to vector<512xf32>
    %broadcast_in_dim3A_17 = vector.shape_cast %reduce_sum3A_16 : vector<512xf32> to vector<512x1xf32>
    %log3A = math.log %broadcast_in_dim3A_17 : vector<512x1xf32>
    %sub3A_18 = vector.broadcast %log3A : vector<512x1xf32> to vector<512x512xf32>
    %sub3A_19 = arith.subf %sub3A_15, %sub3A_18 : vector<512x512xf32>
    %swap3A = arith.constant 0 : index
    %swap3A_20 = arith.constant 0 : index
    %swap3A_21 = vector.load %arg5[%swap3A, %swap3A_20] : memref<512x512xf32, #tpu.memory_space<vmem>>, vector<512x512xf32>
    tpu.vector_store %arg5[%swap3A, %swap3A_20], %sub3A_19 {strides = array<i32>} : memref<512x512xf32, #tpu.memory_space<vmem>>, vector<512x512xf32>,
    return
  }
  func.func @transform_0(%arg0: i32) -> (i32, i32) {
    %c0_i32 = arith.constant 0 : i32
    %c0_i32_0 = arith.constant 0 : i32
    return %arg0, %c0_i32 : i32, i32
  }
  func.func @transform_1(%arg0: i32) -> (i32, i32) {
    %c0_i32 = arith.constant 0 : i32
    %c0_i32_0 = arith.constant 0 : i32
    return %arg0, %c0_i32 : i32, i32
  }
  func.func @transform_2(%arg0: i32) -> (i32, i32) {
    %c0_i32 = arith.constant 0 : i32
    %c0_i32_0 = arith.constant 0 : i32
    %c0_i32_1 = arith.constant 0 : i32
    return %c0_i32, %c0_i32_0 : i32, i32
  }
  func.func @transform_3(%arg0: i32) -> (i32, i32) {
    %c0_i32 = arith.constant 0 : i32
    %c0_i32_0 = arith.constant 0 : i32
    %c0_i32_1 = arith.constant 0 : i32
    return %c0_i32, %c0_i32_0 : i32, i32
  }
  func.func @transform_4(%arg0: i32) -> (i32, i32) {
    %c0_i32 = arith.constant 0 : i32
    %c0_i32_0 = arith.constant 0 : i32
    return %arg0, %c0_i32 : i32, i32
  }
}

</mosaic_0001>

<sc_bundles>
// kernel: kernel.4.cloned.1.call-start
scs
__scs_entry_jumppad:
0x0: {  	(pc) =	sbr.rel $0x88, $3  }
0x1: {  	(tag) =	ssettag $0x0;
	lr =	simm.s32 $0x1  }
0x2: {  	[smem:$0x3F9A] =	sst lr;
	_ =	strace $0xD0000000  }
0x3: {  	_ = 	snop  }
0x4: {  	_ = 	snop  }
0x5: {  	_ = 	snop  }
0x6: {  	_ = 	snop  }
0x7: {  	_ = 	snop  }
__scs_overlays_trampoline_lowered:
0x8: {  	[smem:$0x3FA9] =	sst s0  }
0x9: {  	[smem:$0x3FAA] =	sst s1  }
0xa: {  	[smem:$0x3FAB] =	sst s2  }
0xb: {  	[smem:$0x3FAC] =	sst s3  }
0xc: {  	[smem:$0x3FAD] =	sst s4  }
0xd: {  	[smem:$0x3FAE] =	sst s5  }
0xe: {  	[smem:$0x3FAF] =	sst s6  }
0xf: {  	[smem:$0x3FB0] =	sst s7  }
0x10: {  	[smem:$0x3FB1] =	sst s8  }
0x11: {  	[smem:$0x3FB2] =	sst s9;
	s0 =	simm.s32 @!p0 $0x0  }
0x12: {  	s1 =	sld [smem:$0x3F98];
	s0 =	simm.s32 @p0 $0x1  }
0x13: {  	[smem:$0x3FB3] =	sst s0;
	s0 =	simm.s32 @!p1 $0x0  }
0x14: {  	s2 =	sld [smem:$0x3F97];
	s0 =	simm.s32 @p1 $0x1  }
0x15: {  	[smem:$0x3FB4] =	sst s0;
	s0 =	simm.s32 @!p2 $0x0  }
0x16: {  	s3 =	sld [smem:$0x3FDB];
	s0 =	simm.s32 @p2 $0x1  }
0x17: {  	s4 =	simm.s32 $0x1BF5;
	[smem:$0x3FB6] =	sst s0  }
0x18: {  	s0 =	sld [smem:$0x3F99];
	_ =	swait.ge [sflag:s4], $0x0  }
0x19: {  	s7 =	sld [smem:$0x3F9A]  }
0x1a: {  	s8 =	sadd.s32 $0xFFFFE003, lr  }
0x1b: {  	s9 =	sadd.s32 $0xFFFFFEF7, lr;
	s5 =	simm.s32 $0xFFFFFFFF;
	p2 =	slt.u32 s8, $0xFFFFF086  }
0x1c: {  	p1 =	slt.u32 s9, $0xF7A;
	s5 =	simm.s32 @!p2 $0x0  }
0x1d: {  	s5 =	simm.s32 @p1 $0x1;
	p0 =	seq.s32 s7, s2  }
0x1e: {  	s7 =	smul.u32 @!p0 $0xF7A, s2;
	p2 =	seq.s32 @!p0 s5, $0x0  }
0x1f: {  	s9 =	smul.u32 $0xF7A, s1;
	s8 =	simm.s32 @!p0 $0x1BF5;
	p2 =	por !p2, p0  }
0x20: {  	[sflag:s8] =	ssyncset.s32 @!p0 $0xFFFFF086;
	s6 =	sadd.s32 @!p0 s3, s7;
	s7 =	simm.s32 @!p0 $0x108  }
0x21: {  	s3 =	sadd.s32 s3, s9;
	s6 =	sadd.s32 @!p0 $0x88, s6;
	s7 =	simm.s32 @p2 $0x1082  }
0x22: {  	[simem:s7], [sflag:s8] =	dma.local @!p0 [hbm:s6], $0xF7A  }
0x23: {  	s9 =	sor.u32 $0xD0000000, s2;
	s6 =	simm.s32 $0x108;
	_ =	swait.ge @!p0 [sflag:s8], $0x0  }
0x24: {  	s3 =	sadd.s32 $0x88, s3;
	s6 =	simm.s32 @!p1 $0x1082;
	[sflag:s4] =	ssyncset.s32 $0xFFFFF086  }
0x25: {  	[simem:s6], [sflag:s4] =	dma.local [hbm:s3], $0xF7A  }
0x26: {  	[smem:$0x3F9A] =	sst s1;
	(tag) =	ssettag s2;
	_ =	strace s9  }
0x27: {  	s1 =	sld [smem:$0x3FAA]  }
0x28: {  	s2 =	sld [smem:$0x3FAB]  }
0x29: {  	s4 =	sld [smem:$0x3FAD]  }
0x2a: {  	p0 =	seq.s32 s5, $0x0;
	s5 =	sld [smem:$0x3FAE]  }
0x2b: {  	s6 =	sld [smem:$0x3FAF]  }
0x2c: {  	s7 =	sld [smem:$0x3FB0]  }
0x2d: {  	s3 =	simm.s32 $0x108;
	s8 =	sld [smem:$0x3FB1]  }
0x2e: {  	s3 =	simm.s32 @!p0 $0x1082;
	s9 =	sld [smem:$0x3FB2]  }
0x2f: {  	lr =	sadd.s32 s0, s3;
	s0 =	sld [smem:$0x3FA9]  }
0x30: {  	s3 =	sld [smem:$0x3FAC]  }
0x31: {  	[smem:$0x3FB5] =	sst s10  }
0x32: {  	s10 =	sld [smem:$0x3FB3];
	_ =	sdelay $0x3  }
0x33: {  	p0 =	seq.s32 s10, $0x1;
	s10 =	sld [smem:$0x3FB5];
	_ =	sdelay $0x3  }
0x34: {  	[smem:$0x3FB5] =	sst s10  }
0x35: {  	s10 =	sld [smem:$0x3FB4];
	_ =	sdelay $0x3  }
0x36: {  	p1 =	seq.s32 s10, $0x1;
	s10 =	sld [smem:$0x3FB5];
	_ =	sdelay $0x3  }
0x37: {  	[smem:$0x3FB5] =	sst s10  }
0x38: {  	s10 =	sld [smem:$0x3FB6]  }
0x39: {  	_ = 	snop;
	(pc) =	sbr.ind lr, $3  }
0x3a: {  	_ = 	snop  }
0x3b: {  	_ = 	snop  }
0x3c: {  	p2 =	seq.s32 s10, $0x1;
	s10 =	sld [smem:$0x3FB5]  }
0x3d: {  	_ =	shalt  }
0x3e: {  	_ =	shalt  }
0x3f: {  	_ =	shalt  }
0x40: {  	_ =	shalt  }
0x41: {  	_ =	shalt  }
0x42: {  	_ =	shalt  }
0x43: {  	_ =	shalt  }
0x44: {  	_ =	shalt  }
0x45: {  	_ =	shalt  }
0x46: {  	_ =	shalt  }
0x47: {  	_ =	shalt  }
0x48: {  	_ =	shalt  }
0x49: {  	_ =	shalt  }
0x4a: {  	_ =	shalt  }
0x4b: {  	_ =	shalt  }
0x4c: {  	_ =	shalt  }
0x4d: {  	_ =	shalt  }
0x4e: {  	_ =	shalt  }
0x4f: {  	_ =	shalt  }
0x50: {  	_ =	shalt  }
0x51: {  	_ =	shalt  }
0x52: {  	_ =	shalt  }
0x53: {  	_ =	shalt  }
0x54: {  	_ =	shalt  }
0x55: {  	_ =	shalt  }
0x56: {  	_ =	shalt  }
0x57: {  	_ =	shalt  }
0x58: {  	_ =	shalt  }
0x59: {  	_ =	shalt  }
0x5a: {  	_ =	shalt  }
0x5b: {  	_ =	shalt  }
0x5c: {  	_ =	shalt  }
0x5d: {  	_ =	shalt  }
0x5e: {  	_ =	shalt  }
0x5f: {  	_ =	shalt  }
0x60: {  	_ =	shalt  }
0x61: {  	_ =	shalt  }
0x62: {  	_ =	shalt  }
0x63: {  	_ =	shalt  }
0x64: {  	_ =	shalt  }
0x65: {  	_ =	shalt  }
0x66: {  	_ =	shalt  }
0x67: {  	_ =	shalt  }
0x68: {  	_ =	shalt  }
0x69: {  	_ =	shalt  }
0x6a: {  	_ =	shalt  }
0x6b: {  	_ =	shalt  }
0x6c: {  	_ =	shalt  }
0x6d: {  	_ =	shalt  }
0x6e: {  	_ =	shalt  }
0x6f: {  	_ =	shalt  }
0x70: {  	_ =	shalt  }
0x71: {  	_ =	shalt  }
0x72: {  	_ =	shalt  }
0x73: {  	_ =	shalt  }
0x74: {  	_ =	shalt  }
0x75: {  	_ =	shalt  }
0x76: {  	_ =	shalt  }
0x77: {  	_ =	shalt  }
0x78: {  	_ =	shalt  }
0x79: {  	_ =	shalt  }
0x7a: {  	_ =	shalt  }
0x7b: {  	_ =	shalt  }
0x7c: {  	_ =	shalt  }
0x7d: {  	_ =	shalt  }
0x7e: {  	_ =	shalt  }
0x7f: {  	_ =	shalt  }
0x80: {  	_ =	shalt  }
0x81: {  	_ =	shalt  }
0x82: {  	_ =	shalt  }
0x83: {  	_ =	shalt  }
0x84: {  	_ =	shalt  }
0x85: {  	_ =	shalt  }
0x86: {  	_ =	shalt  }
0x87: {  	_ =	shalt  }
.Lfunc_end0:
.L_simem_size_0:
called_computation_lowered:
.L_overlay_start_0:
0x88: {  	s2 =	sld [smem:$0x3FD9]  }
0x89: {  	s3 =	sld [smem:$0x3FFE];
	_ =	sdelay $0x1  }
0x8a: {  	s1 =	srdreg.scid  }
0x8b: {  	s0 =	sand.u32 $0x1, s1  }
0x8c: {  	s17 =	sshll.u32 s0, $0xA;
	s2 =	sadd.s32 s3, s2  }
0x8d: {  	s2 =	sadd.s32 s2, s17  }
0x8e: {  	[smem:$0x3FC1] =	sst s2  }
0x8f: {  	_ = 	snop  }
0x90: {  	s2 =	sld [smem:$0x3FC6]  }
0x91: {  	s18 =	sld [smem:$0x3FC5]  }
0x92: {  	s4 =	sld [smem:$0x3FD0];
	(tm) =	ssettm $0x1  }
0x93: {  	s5 =	sld [smem:$0x3FFB];
	_ =	sdelay $0x3  }
0x94: {  	_ =	strace s5  }
0x95: {  	s5 =	sld [smem:$0x3FFC];
	_ =	sdelay $0x3  }
0x96: {  	_ =	strace s5  }
0x97: {  	s5 =	sld [smem:$0x3FFD];
	_ =	sdelay $0x3  }
0x98: {  	_ =	strace s5  }
0x99: {  	_ =	strace $0x8FFFFFFF  }
0x9a: {  	s19 =	sld [smem:$0x3FDB];
	_ =	sdelay $0x1  }
0x9b: {  	s6 =	simm.s32 $_scs_section_size  }
0x9c: {  	s7 =	simm.s32 $_size__tile_overlayer_lowered;
	s8 =	simm.s32 $_tile_overlayer_lowered  }
0x9d: {  	s22 =	simm.s32 $0x1BFF;
	s21 =	sshll.u32 s8, $0x1;
	s5 =	sadd.s32 s6, s19  }
0x9e: {  	s9 =	simm.s32 $0x0;
	s20 =	sshll.u32 s7, $0x1;
	s7 =	sadd.s32 s21, s5  }
0x9f: {  	[timem:s9], [sflag:s22] =	dma.local [hbm:s7], s20  }
0xa0: {  	_ =	swait.ge [sflag:s22], s20  }
0xa1: {  	s6 =	ssub.s32 $0x0, s20;
	[sflag:s22] =	ssyncset.done $0x0  }
0xa2: {  	[sflag:s22] =	ssyncadd.s32 s6;
	_ =	sdelay $0x1  }
0xa3: {  	s23 =	simm.s32 $0x1B8B  }
0xa4: {  	_ =	swait.ge [sflag:s23], $0x1  }
0xa5: {  	[sflag:s23] =	ssyncset.done $0x0  }
0xa6: {  	s25 =	simm.s32 $0x1B8E;
	s24 =	sld [smem:$0x3FFE];
	[sflag:s23] =	ssyncadd.s32 $0xFFFFFFFF  }
0xa7: {  	s26 =	simm.s32 $execute0_lowered;
	[smem:$0x3FD2] =	sst s25  }
0xa8: {  	s7 =	sshll.u32 s26, $0x1;
	_ =	strace $0x80000046;
	[dreg:$0x1] =	wrdreg $0xFFFFFFFF  }
0xa9: {  	s28 =	simm.s32 $_size_execute0_lowered;
	s5 =	sadd.s32 s5, s7;
	[dreg:$0x0] =	wrdreg $0x0  }
0xaa: {  	s7 =	sshll.u32 s28, $0x1;
	[dreg:$0x2] =	wrdreg s5  }
0xab: {  	[dreg:$0x3] =	wrdreg s7  }
0xac: {  	[dreg:$0x4] =	wrdreg $0xC0  }
0xad: {  	_ =	task [dreg:s9], $0x5FFFF  }
0xae: {  	[dreg:$0x1] =	wrdreg $0xFFFFFFFF  }
0xaf: {  	[dreg:$0x0] =	wrdreg $0x60  }
0xb0: {  	[dreg:$0x2] =	wrdreg s4  }
0xb1: {  	[dreg:$0x3] =	wrdreg s24  }
0xb2: {  	[dreg:$0x4] =	wrdreg s2  }
0xb3: {  	[dreg:$0x5] =	wrdreg s18  }
0xb4: {  	[dreg:$0x6] =	wrdreg $0x9  }
0xb5: {  	_ =	task.clear_ibuf [dreg:s9], $0x7FFFF;
	_ =	strace $0x90000046  }
0xb6: {  	s29 =	simm.s32 $0x9;
	_ =	strace $0x80000048  }
0xb7: {  	_ =	swait.ge [sflag:s29], $0x1  }
0xb8: {  	[sflag:s29] =	ssyncadd.s32 $0xFFFFFFFF  }
0xb9: {  	_ =	strace $0x90000048  }
0xba: {  	_ =	sfence  }
0xbb: {  	s30 =	sld [smem:$0x0];
	_ =	sdelay $0x2  }
0xbc: {  	s31 =	sshll.u32 s1, $0xD;
	s1 =	sshrl.u32 s1, $0x2  }
0xbd: {  	s3 =	sand.u32 $0x4000, s31;
	s1 =	sadd.s32 s1, s30  }
0xbe: {  	s0 =	sor.u32 s3, s0;
	s1 =	sshll.u32 s1, $0x11  }
0xbf: {  	s0 =	sor.u32 s1, s0  }
0xc0: {  	s0 =	sadd.s32 $0x8F2B, s0  }
0xc1: {  	[sflag:s0] =	ssyncadd.remote.s32 $0x1  }
0xc2: {  	_ =	sfence.sel $0xFFFF  }
0xc3: {  	[dreg:$0x0] =	wrdreg $0xFFFFFFFF;
	(pc) =	sbr.abs _section_cstart, $3  }
0xc4: {  	[dreg:$0x1] =	wrdreg $0xFFFFFFFF  }
0xc5: {  	_ =	task.clear_ibuf [dreg:s9], $0x2FFFF;
	_ =	strace $0x9FFFFFFF  }
0xc6: {  	(tm) =	ssettm $0x7FFFFFFF  }
0xc7: {  	_ =	shalt  }
tec
execute0_lowered:
.L_overlay_start_1:
0x0: {  	(tag) =	ssettag $0x1  }
0x1: {  	s1 =	rddreg [dreg:$0x0]  }
0x2: {  	s0 =	rddreg [dreg:$0x1]  }
0x3: {  	s2 =	rddreg [dreg:$0x2]  }
0x4: {  	s3 =	rddreg [dreg:$0x3]  }
0x5: {  	s5 =	simm.s32 $0x0;
	s4 =	srdreg.scid;
	s6 =	stileid.u32  }
0x6: {  	s28 =	simm.s32 $0x3;
	s29 =	simm.s32 $0x48;
	s12 =	simm.s32 $0xA800  }
0x7: {  	s13 =	simm.s32 $0x13000;
	[smem:$0x7FF] =	sst s5;
	s4 =	sand.u32 $0x1, s4  }
0x8: {  	s7 =	sshll.u32 s6, $0x8;
	s6 =	sadd.s32 $0xE00, s0;
	s8 =	sshll.u32 s4, $0x7  }
0x9: {  	_ =	strace $0x80000047;
	s4 =	ssub.s32 $0x2, s4;
	s7 =	sor.u32 s8, s7  }
0xa: {  	s8 =	sadd.s32 $0x20E00, s0;
	s18 =	sshrl.u32 s4, $0x1;
	s9 =	sshll.u32 s7, $0x5  }
0xb: {  	s0 =	ssub.s32 s4, s18;
	s19 =	sadd.s32 s1, s9;
	s20 =	sor.u32 $0x10, s9  }
0xc: {  	s10 =	sadd.s32 s6, s9;
	s22 =	sor.u32 $0x20, s9;
	[dreg:$0x5] =	wrdreg s19  }
0xd: {  	s24 =	sor.u32 $0x30, s9;
	s9 =	sadd.s32 s8, s9;
	[dreg:$0x6] =	wrdreg s10  }
0xe: {  	s14 =	simm.s32 $0x380;
	s0 =	smax.u32 s0, $0x1;
	[dreg:$0xb] =	wrdreg s9  }
0xf: {  	s16 =	simm.s32 $0x17000;
	s21 =	sadd.s32 s1, s20;
	[dreg:$0x11] =	wrdreg s0  }
0x10: {  	s17 =	simm.s32 $0x1;
	s11 =	sadd.s32 s6, s20;
	[dreg:$0x7] =	wrdreg s21  }
0x11: {  	s15 =	simm.s32 $0x6;
	s23 =	sadd.s32 s1, s22;
	[dreg:$0x8] =	wrdreg s11  }
0x12: {  	s18 =	simm.s32 $0x19400;
	s10 =	sadd.s32 s6, s22;
	[dreg:$0x9] =	wrdreg s23  }
0x13: {  	s25 =	sadd.s32 s1, s24;
	s26 =	sadd.s32 s6, s24;
	[dreg:$0xa] =	wrdreg s10  }
0x14: {  	s4 =	sadd.s32 s8, s20;
	s30 =	sadd.s32 $0xF60, s9;
	[dreg:$0xc] =	wrdreg s25  }
0x15: {  	s31 =	sadd.s32 $0xF70, s9;
	s22 =	simm.s32 $0x80;
	[dreg:$0xd] =	wrdreg s26  }
0x16: {  	s24 =	simm.s32 $0x200;
	s9 =	simm.s32 $0x4;
	[dreg:$0xe] =	wrdreg s4  }
0x17: {  	s19 =	simm.s32 $0x2;
	s20 =	simm.s32 $0x19500;
	[dreg:$0xf] =	wrdreg s30  }
0x18: {  	[dreg:$0x10] =	wrdreg s31;
	s23 =	simm.s32 $0x400;
	s25 =	simm.s32 $0x100  }
0x19: {  	s26 =	simm.s32 $0x300;
	s21 =	simm.s32 $0x5;
	s4 =	simm.s32 $0x0  }
.LBB2_1:
0x1a: {  	[dreg:$0x12] =	wrdreg s4  }
0x1b: {  	s0 =	rddreg [dreg:$0x5]  }
0x1c: {  	[tilespmem:s5], [sflag:$0x3] =	stream.strided.gather [hbm4b:s0+s22], $0x100, s23, s22, $0x38;
	[tilespmem:$0x19600] =	vst v63  }
0x1d: {  	s30 =	rddreg [dreg:$0x6]  }
0x1e: {  	[tilespmem:s24], [sflag:$0x3] =	stream.strided.gather [hbm4b:s30+s22], $0x100, s23, s22, $0x38;
	[tilespmem:$0x19600] =	vst v63  }
0x1f: {  	s31 =	rddreg [dreg:$0x7]  }
0x20: {  	[tilespmem:s25], [sflag:$0x4] =	stream.strided.gather [hbm4b:s31+s22], $0x100, s23, s22, $0x38;
	[tilespmem:$0x19600] =	vst v63  }
0x21: {  	s4 =	rddreg [dreg:$0x8]  }
0x22: {  	[tilespmem:s26], [sflag:$0x4] =	stream.strided.gather [hbm4b:s4+s22], $0x100, s23, s22, $0x38;
	[tilespmem:$0x19600] =	vst v63  }
0x23: {  	_ =	swait.ge [sflag:s28], $0x100  }
0x24: {  	[sflag:s28] =	ssyncset.done $0x0  }
0x25: {  	[sflag:s28] =	ssyncadd.s32 $0xFFFFFF00  }
0x26: {  	_ =	swait.ge [sflag:s28], $0x100  }
0x27: {  	[sflag:s28] =	ssyncset.done $0x0  }
0x28: {  	[sflag:s28] =	ssyncadd.s32 $0xFFFFFF00  }
0x29: {  	[tilespmem:s23], [sflag:$0x1] =	stream.indirect.gather [hbm4b:s2+s22], $0x80, s5, s22, $0xb8;
	[tilespmem:$0x19600] =	vst v63  }
0x2a: {  	s10 =	simm.s32 $0x4400  }
0x2b: {  	[tilespmem:s10], [sflag:$0x1] =	stream.indirect.gather [hbm4b:s2+s29], $0x80, s22, s29, $0xb8;
	[tilespmem:$0x19600] =	vst v63  }
0x2c: {  	s11 =	simm.s32 $0xCC00  }
0x2d: {  	[tilespmem:s11], [sflag:$0x1] =	stream.indirect.gather [hbm4b:s3+s22], $0x80, s24, s22, $0xb8;
	[tilespmem:$0x19600] =	vst v63  }
0x2e: {  	s30 =	simm.s32 $0x280;
	s31 =	simm.s32 $0x10C00  }
0x2f: {  	[tilespmem:s31], [sflag:$0x1] =	stream.indirect.gather [hbm4b:s3+s29], $0x80, s30, s29, $0xb8;
	[tilespmem:$0x19600] =	vst v63  }
0x30: {  	_ =	swait.ge [sflag:s9], $0x100  }
0x31: {  	[sflag:s9] =	ssyncset.done $0x0  }
0x32: {  	[sflag:s9] =	ssyncadd.s32 $0xFFFFFF00  }
0x33: {  	_ =	swait.ge [sflag:s9], $0x100  }
0x34: {  	[sflag:s9] =	ssyncset.done $0x0  }
0x35: {  	s10 =	simm.s32 $0x6800;
	[sflag:s9] =	ssyncadd.s32 $0xFFFFFF00  }
0x36: {  	[tilespmem:s10], [sflag:$0x2] =	stream.indirect.gather [hbm4b:s2+s22], $0x80, s25, s22, $0xb8;
	[tilespmem:$0x19600] =	vst v63  }
0x37: {  	s11 =	simm.s32 $0x180  }
0x38: {  	[tilespmem:s12], [sflag:$0x2] =	stream.indirect.gather [hbm4b:s2+s29], $0x80, s11, s29, $0xb8;
	[tilespmem:$0x19600] =	vst v63  }
0x39: {  	_ = 	snop  }
0x3a: {  	[tilespmem:s13], [sflag:$0x2] =	stream.indirect.gather [hbm4b:s3+s22], $0x80, s26, s22, $0xb8;
	[tilespmem:$0x19600] =	vst v63  }
0x3b: {  	_ = 	snop  }
0x3c: {  	[tilespmem:s16], [sflag:$0x2] =	stream.indirect.gather [hbm4b:s3+s29], $0x80, s14, s29, $0xb8;
	[tilespmem:$0x19600] =	vst v63  }
0x3d: {  	_ =	swait.ge [sflag:s17], $0x6400  }
0x3e: {  	[sflag:s17] =	ssyncset.done $0x0  }
0x3f: {  	[sflag:s17] =	ssyncadd.s32 $0xFFFF9C00  }
0x40: {  	_ =	swait.ge [sflag:s17], $0x6400  }
0x41: {  	[sflag:s17] =	ssyncset.done $0x0  }
0x42: {  	s30 =	rddreg [dreg:$0x9];
	[sflag:s17] =	ssyncadd.s32 $0xFFFF9C00  }
0x43: {  	[tilespmem:s5], [sflag:$0x3] =	stream.strided.gather [hbm4b:s30+s22], $0x100, s23, s22, $0x38;
	[tilespmem:$0x19600] =	vst v63  }
0x44: {  	s10 =	simm.s32 $0xCC80;
	s31 =	rddreg [dreg:$0xa]  }
0x45: {  	[tilespmem:s24], [sflag:$0x3] =	stream.strided.gather [hbm4b:s31+s22], $0x100, s23, s22, $0x38;
	[tilespmem:$0x19600] =	vst v63  }
0x46: {  	v13 =	vld [tilespmem:s10+$0x0]  }
0x47: {  	v14 =	vld [tilespmem:s10+$0x10]  }
0x48: {  	v1 =	vld [tilespmem:s10+$0x20]  }
0x49: {  	v2 =	vld [tilespmem:s10+$0x30]  }
0x4a: {  	v0 =	vld [tilespmem:s10+$0x40]  }
0x4b: {  	v15 =	vld [tilespmem:s10+$0xFFFFFF80]  }
0x4c: {  	s0 =	simm.s32 $0x480;
	v16 =	vld [tilespmem:s10+$0xFFFFFF90]  }
0x4d: {  	v4 =	vld [tilespmem:s0+$0x0]  }
0x4e: {  	v6 =	vld [tilespmem:s0+$0x10]  }
0x4f: {  	v7 =	vld [tilespmem:s0+$0x20]  }
0x50: {  	v8 =	vld [tilespmem:s0+$0x30]  }
0x51: {  	v9 =	vld [tilespmem:s0+$0x40]  }
0x52: {  	v10 =	vld [tilespmem:s0+$0x50]  }
0x53: {  	v5 =	vld [tilespmem:s0+$0xFFFFFF80]  }
0x54: {  	v11 =	vld [tilespmem:s0+$0xFFFFFF90]  }
0x55: {  	v12 =	vld [tilespmem:s0+$0xFFFFFFA0]  }
0x56: {  	v17 =	vld [tilespmem:s0+$0xFFFFFFB0]  }
0x57: {  	v20 =	vld [tilespmem:s0+$0xFFFFFFE0]  }
0x58: {  	v21 =	vld [tilespmem:s0+$0xFFFFFFF0]  }
0x59: {  	v3 =	vimm.f32 $0.0e+00;
	v18 =	vld [tilespmem:s0+$0xFFFFFFC0]  }
0x5a: {  	v19 =	vld [tilespmem:s0+$0xFFFFFFD0];
	v5 =	vadd.f32 v5, v3  }
0x5b: {  	v22 =	vld [tilespmem:s0+$0x60];
	v11 =	vadd.f32 v11, v3;
	v12 =	vadd.f32 v12, v3  }
0x5c: {  	v24 =	vld [tilespmem:s10+$0xFFFFFFA0];
	v17 =	vadd.f32 v17, v3;
	v20 =	vadd.f32 v20, v3  }
0x5d: {  	v23 =	vld [tilespmem:s0+$0x70];
	v21 =	vadd.f32 v21, v3;
	v15 =	vadd.f32 v15, v3  }
0x5e: {  	v5 =	vadd.f32 v4, v5;
	v8 =	vadd.f32 v8, v17;
	v17 =	vld [tilespmem:s10+$0xFFFFFFB0]  }
0x5f: {  	v6 =	vadd.f32 v6, v11;
	v11 =	vadd.f32 v18, v3;
	v4 =	vld [tilespmem:s10+$0x50]  }
0x60: {  	v7 =	vadd.f32 v7, v12;
	v12 =	vadd.f32 v19, v3;
	v18 =	vld [tilespmem:s10+$0xFFFFFFC0]  }
0x61: {  	v25 =	vadd.f32 v24, v3;
	v19 =	vld [tilespmem:s10+$0xFFFFFFD0];
	v9 =	vadd.f32 v9, v11  }
0x62: {  	v10 =	vadd.f32 v10, v12;
	v11 =	vadd.f32 v22, v20;
	v20 =	vld [tilespmem:s10+$0xFFFFFFE0]  }
0x63: {  	v12 =	vadd.f32 v23, v21;
	v23 =	vadd.f32 v16, v3;
	v22 =	vld [tilespmem:s10+$0xFFFFFFF0]  }
0x64: {  	v21 =	vld [tilespmem:s10+$0x60];
	v16 =	vadd.f32 v13, v15;
	v15 =	vimm.f32 $0.0e+00;
	v24 =	vadd.f32 v17, v3  }
0x65: {  	s4 =	simm.s32 $0x0;
	v13 =	vimm.f32 $0.0e+00;
	v14 =	vadd.f32 v14, v23;
	v23 =	vld [tilespmem:s10+$0x70];
	s10 =	simm.s32 $0xCD80;
	v17 =	vimm.f32 $0.0e+00  }
.LBB2_2:
0x66: {  	v26 =	vld [tilespmem:s10+$0x0];
	v25 =	vadd.f32 v1, v25;
	v24 =	vadd.f32 v2, v24  }
0x67: {  	v3 =	vadd.f32 v18, v3;
	v17 =	vadd.f32 v19, v17;
	v27 =	vld [tilespmem:s10+$0x10]  }
0x68: {  	v15 =	vadd.f32 v20, v15;
	v1 =	vld [tilespmem:s10+$0x20];
	v13 =	vadd.f32 v22, v13  }
0x69: {  	v3 =	vadd.f32 v0, v3;
	v17 =	vadd.f32 v4, v17;
	v2 =	vld [tilespmem:s10+$0x30]  }
0x6a: {  	v15 =	vadd.f32 v21, v15;
	v0 =	vld [tilespmem:s10+$0x40];
	v13 =	vadd.f32 v23, v13  }
0x6b: {  	v4 =	vld [tilespmem:s10+$0x50]  }
0x6c: {  	v21 =	vld [tilespmem:s10+$0xFFFFFF80]  }
0x6d: {  	s0 =	sadd.s32 $0x100, s0;
	v22 =	vld [tilespmem:s10+$0xFFFFFF90]  }
0x6e: {  	v18 =	vld [tilespmem:s0+$0x0]  }
0x6f: {  	v19 =	vld [tilespmem:s0+$0x10]  }
0x70: {  	v20 =	vld [tilespmem:s0+$0x20]  }
0x71: {  	v23 =	vld [tilespmem:s0+$0x30]  }
0x72: {  	v28 =	vld [tilespmem:s0+$0x40]  }
0x73: {  	v29 =	vld [tilespmem:s0+$0x50]  }
0x74: {  	v30 =	vld [tilespmem:s0+$0xFFFFFF80]  }
0x75: {  	v31 =	vld [tilespmem:s0+$0xFFFFFF90]  }
0x76: {  	v32 =	vld [tilespmem:s0+$0xFFFFFFA0]  }
0x77: {  	v33 =	vld [tilespmem:s0+$0xFFFFFFB0]  }
0x78: {  	v34 =	vld [tilespmem:s0+$0xFFFFFFC0]  }
0x79: {  	v35 =	vld [tilespmem:s0+$0xFFFFFFD0]  }
0x7a: {  	v36 =	vld [tilespmem:s0+$0xFFFFFFE0]  }
0x7b: {  	v5 =	vadd.f32 v30, v5;
	v6 =	vadd.f32 v31, v6;
	v30 =	vld [tilespmem:s0+$0xFFFFFFF0]  }
0x7c: {  	v7 =	vadd.f32 v32, v7;
	v8 =	vadd.f32 v33, v8;
	v31 =	vld [tilespmem:s0+$0x60]  }
0x7d: {  	v5 =	vadd.f32 v18, v5;
	v6 =	vadd.f32 v19, v6;
	v32 =	vld [tilespmem:s0+$0x70]  }
0x7e: {  	v7 =	vadd.f32 v20, v7;
	v33 =	vld [tilespmem:s10+$0xFFFFFFA0];
	v8 =	vadd.f32 v23, v8  }
0x7f: {  	s4 =	sadd.s32 $0x2, s4;
	v9 =	vadd.f32 v34, v9;
	v10 =	vadd.f32 v35, v10;
	v23 =	vld [tilespmem:s10+$0xFFFFFFB0]  }
0x80: {  	p0 =	slt.u32 s4, $0xC6;
	v11 =	vadd.f32 v36, v11;
	v12 =	vadd.f32 v30, v12;
	v18 =	vld [tilespmem:s10+$0xFFFFFFC0]  }
.Ltmp0:
0x81: {  	v9 =	vadd.f32 v28, v9;
	v10 =	vadd.f32 v29, v10;
	v19 =	vld [tilespmem:s10+$0xFFFFFFD0];
	(pc) =	sbr.rel @p0 .LBB2_2-.Ltmp0, $4  }
0x82: {  	v11 =	vadd.f32 v31, v11;
	v20 =	vld [tilespmem:s10+$0xFFFFFFE0];
	v12 =	vadd.f32 v32, v12  }
0x83: {  	v16 =	vadd.f32 v21, v16;
	v14 =	vadd.f32 v22, v14;
	v22 =	vld [tilespmem:s10+$0xFFFFFFF0]  }
0x84: {  	v25 =	vadd.f32 v33, v25;
	v24 =	vadd.f32 v23, v24;
	v21 =	vld [tilespmem:s10+$0x60]  }
0x85: {  	v16 =	vadd.f32 v26, v16;
	v14 =	vadd.f32 v27, v14;
	v23 =	vld [tilespmem:s10+$0x70];
	s10 =	sadd.s32 $0x100, s10  }
0x86: {  	[tilespmem:$0x19400] =	vst v5  }
0x87: {  	[tilespmem:$0x19410] =	vst v6  }
0x88: {  	[tilespmem:$0x19420] =	vst v7  }
0x89: {  	[tilespmem:$0x19430] =	vst v8  }
0x8a: {  	[tilespmem:$0x19440] =	vst v9  }
0x8b: {  	[tilespmem:$0x19450] =	vst v10  }
0x8c: {  	[tilespmem:$0x19460] =	vst v11  }
0x8d: {  	[tilespmem:$0x19470] =	vst v12  }
0x8e: {  	v1 =	vadd.f32 v1, v25;
	v3 =	vadd.f32 v18, v3;
	[tilespmem:$0x19480] =	vst v16  }
0x8f: {  	v2 =	vadd.f32 v2, v24;
	v5 =	vadd.f32 v19, v17;
	[tilespmem:$0x19490] =	vst v14  }
0x90: {  	v6 =	vadd.f32 v20, v15;
	v0 =	vadd.f32 v0, v3;
	[tilespmem:$0x194A0] =	vst v1  }
0x91: {  	v1 =	vadd.f32 v22, v13;
	v3 =	vadd.f32 v4, v5;
	[tilespmem:$0x194B0] =	vst v2  }
0x92: {  	v2 =	vadd.f32 v21, v6;
	[tilespmem:$0x194C0] =	vst v0  }
0x93: {  	v0 =	vadd.f32 v23, v1;
	[tilespmem:$0x194D0] =	vst v3  }
0x94: {  	[tilespmem:$0x194E0] =	vst v2  }
0x95: {  	s0 =	rddreg [dreg:$0xb];
	[tilespmem:$0x194F0] =	vst v0  }
0x96: {  	[hbm4b:s0+s22] =	stream.strided.scatter [tilespmem:s18], [sflag:$0x5], $0x100, s23, s22, $0x38;
	[tilespmem:$0x19600] =	vst v63  }
0x97: {  	_ =	swait.ge [sflag:s28], $0x100  }
0x98: {  	[sflag:s28] =	ssyncset.done $0x0  }
0x99: {  	[sflag:s28] =	ssyncadd.s32 $0xFFFFFF00  }
0x9a: {  	_ =	swait.ge [sflag:s28], $0x100  }
0x9b: {  	[sflag:s28] =	ssyncset.done $0x0  }
0x9c: {  	[sflag:s28] =	ssyncadd.s32 $0xFFFFFF00  }
0x9d: {  	[tilespmem:s23], [sflag:$0x1] =	stream.indirect.gather [hbm4b:s2+s22], $0x80, s5, s22, $0xb8;
	[tilespmem:$0x19600] =	vst v63  }
0x9e: {  	s4 =	simm.s32 $0x4400  }
0x9f: {  	[tilespmem:s4], [sflag:$0x1] =	stream.indirect.gather [hbm4b:s2+s29], $0x80, s22, s29, $0xb8;
	[tilespmem:$0x19600] =	vst v63  }
0xa0: {  	s10 =	simm.s32 $0xCC00  }
0xa1: {  	[tilespmem:s10], [sflag:$0x1] =	stream.indirect.gather [hbm4b:s3+s22], $0x80, s24, s22, $0xb8;
	[tilespmem:$0x19600] =	vst v63  }
0xa2: {  	s11 =	simm.s32 $0x280;
	s4 =	simm.s32 $0x10C00  }
0xa3: {  	[tilespmem:s4], [sflag:$0x1] =	stream.indirect.gather [hbm4b:s3+s29], $0x80, s11, s29, $0xb8;
	[tilespmem:$0x19600] =	vst v63  }
0xa4: {  	_ =	swait.ge [sflag:s19], $0x6400  }
0xa5: {  	[sflag:s19] =	ssyncset.done $0x0  }
0xa6: {  	[sflag:s19] =	ssyncadd.s32 $0xFFFF9C00  }
0xa7: {  	_ =	swait.ge [sflag:s19], $0x6400  }
0xa8: {  	[sflag:s19] =	ssyncset.done $0x0  }
0xa9: {  	s30 =	rddreg [dreg:$0xc];
	[sflag:s19] =	ssyncadd.s32 $0xFFFF9C00  }
0xaa: {  	[tilespmem:s25], [sflag:$0x4] =	stream.strided.gather [hbm4b:s30+s22], $0x100, s23, s22, $0x38;
	[tilespmem:$0x19600] =	vst v63  }
0xab: {  	s10 =	simm.s32 $0x13080;
	s31 =	rddreg [dreg:$0xd]  }
0xac: {  	[tilespmem:s26], [sflag:$0x4] =	stream.strided.gather [hbm4b:s31+s22], $0x100, s23, s22, $0x38;
	[tilespmem:$0x19600] =	vst v63  }
0xad: {  	v13 =	vld [tilespmem:s10+$0x0]  }
0xae: {  	v14 =	vld [tilespmem:s10+$0x10]  }
0xaf: {  	v1 =	vld [tilespmem:s10+$0x20]  }
0xb0: {  	v2 =	vld [tilespmem:s10+$0x30]  }
0xb1: {  	v0 =	vld [tilespmem:s10+$0x40]  }
0xb2: {  	v15 =	vld [tilespmem:s10+$0xFFFFFF80]  }
0xb3: {  	s0 =	simm.s32 $0x6880;
	v16 =	vld [tilespmem:s10+$0xFFFFFF90]  }
0xb4: {  	v4 =	vld [tilespmem:s0+$0x0]  }
0xb5: {  	v6 =	vld [tilespmem:s0+$0x10]  }
0xb6: {  	v7 =	vld [tilespmem:s0+$0x20]  }
0xb7: {  	v8 =	vld [tilespmem:s0+$0x30]  }
0xb8: {  	v9 =	vld [tilespmem:s0+$0x40]  }
0xb9: {  	v10 =	vld [tilespmem:s0+$0x50]  }
0xba: {  	v5 =	vld [tilespmem:s0+$0xFFFFFF80]  }
0xbb: {  	v11 =	vld [tilespmem:s0+$0xFFFFFF90]  }
0xbc: {  	v12 =	vld [tilespmem:s0+$0xFFFFFFA0]  }
0xbd: {  	v17 =	vld [tilespmem:s0+$0xFFFFFFB0]  }
0xbe: {  	v20 =	vld [tilespmem:s0+$0xFFFFFFE0]  }
0xbf: {  	v21 =	vld [tilespmem:s0+$0xFFFFFFF0]  }
0xc0: {  	v3 =	vimm.f32 $0.0e+00;
	v18 =	vld [tilespmem:s0+$0xFFFFFFC0]  }
0xc1: {  	v19 =	vld [tilespmem:s0+$0xFFFFFFD0];
	v5 =	vadd.f32 v5, v3  }
0xc2: {  	v22 =	vld [tilespmem:s0+$0x60];
	v11 =	vadd.f32 v11, v3;
	v12 =	vadd.f32 v12, v3  }
0xc3: {  	v24 =	vld [tilespmem:s10+$0xFFFFFFA0];
	v17 =	vadd.f32 v17, v3;
	v20 =	vadd.f32 v20, v3  }
0xc4: {  	v23 =	vld [tilespmem:s0+$0x70];
	v21 =	vadd.f32 v21, v3;
	v15 =	vadd.f32 v15, v3  }
0xc5: {  	v5 =	vadd.f32 v4, v5;
	v8 =	vadd.f32 v8, v17;
	v17 =	vld [tilespmem:s10+$0xFFFFFFB0]  }
0xc6: {  	v6 =	vadd.f32 v6, v11;
	v11 =	vadd.f32 v18, v3;
	v4 =	vld [tilespmem:s10+$0x50]  }
0xc7: {  	v7 =	vadd.f32 v7, v12;
	v12 =	vadd.f32 v19, v3;
	v18 =	vld [tilespmem:s10+$0xFFFFFFC0]  }
0xc8: {  	v25 =	vadd.f32 v24, v3;
	v19 =	vld [tilespmem:s10+$0xFFFFFFD0];
	v9 =	vadd.f32 v9, v11  }
0xc9: {  	v10 =	vadd.f32 v10, v12;
	v11 =	vadd.f32 v22, v20;
	v20 =	vld [tilespmem:s10+$0xFFFFFFE0]  }
0xca: {  	v12 =	vadd.f32 v23, v21;
	v23 =	vadd.f32 v16, v3;
	v22 =	vld [tilespmem:s10+$0xFFFFFFF0]  }
0xcb: {  	v21 =	vld [tilespmem:s10+$0x60];
	v16 =	vadd.f32 v13, v15;
	v15 =	vimm.f32 $0.0e+00;
	v24 =	vadd.f32 v17, v3  }
0xcc: {  	s4 =	simm.s32 $0x0;
	v13 =	vimm.f32 $0.0e+00;
	v14 =	vadd.f32 v14, v23;
	v23 =	vld [tilespmem:s10+$0x70];
	s10 =	simm.s32 $0x13180;
	v17 =	vimm.f32 $0.0e+00  }
.LBB2_4:
0xcd: {  	v26 =	vld [tilespmem:s10+$0x0];
	v25 =	vadd.f32 v1, v25;
	v24 =	vadd.f32 v2, v24  }
0xce: {  	v3 =	vadd.f32 v18, v3;
	v17 =	vadd.f32 v19, v17;
	v27 =	vld [tilespmem:s10+$0x10]  }
0xcf: {  	v15 =	vadd.f32 v20, v15;
	v1 =	vld [tilespmem:s10+$0x20];
	v13 =	vadd.f32 v22, v13  }
0xd0: {  	v3 =	vadd.f32 v0, v3;
	v17 =	vadd.f32 v4, v17;
	v2 =	vld [tilespmem:s10+$0x30]  }
0xd1: {  	v15 =	vadd.f32 v21, v15;
	v0 =	vld [tilespmem:s10+$0x40];
	v13 =	vadd.f32 v23, v13  }
0xd2: {  	v4 =	vld [tilespmem:s10+$0x50]  }
0xd3: {  	v21 =	vld [tilespmem:s10+$0xFFFFFF80]  }
0xd4: {  	s0 =	sadd.s32 $0x100, s0;
	v22 =	vld [tilespmem:s10+$0xFFFFFF90]  }
0xd5: {  	v18 =	vld [tilespmem:s0+$0x0]  }
0xd6: {  	v19 =	vld [tilespmem:s0+$0x10]  }
0xd7: {  	v20 =	vld [tilespmem:s0+$0x20]  }
0xd8: {  	v23 =	vld [tilespmem:s0+$0x30]  }
0xd9: {  	v28 =	vld [tilespmem:s0+$0x40]  }
0xda: {  	v29 =	vld [tilespmem:s0+$0x50]  }
0xdb: {  	v30 =	vld [tilespmem:s0+$0xFFFFFF80]  }
0xdc: {  	v31 =	vld [tilespmem:s0+$0xFFFFFF90]  }
0xdd: {  	v32 =	vld [tilespmem:s0+$0xFFFFFFA0]  }
0xde: {  	v33 =	vld [tilespmem:s0+$0xFFFFFFB0]  }
0xdf: {  	v34 =	vld [tilespmem:s0+$0xFFFFFFC0]  }
0xe0: {  	v35 =	vld [tilespmem:s0+$0xFFFFFFD0]  }
0xe1: {  	v36 =	vld [tilespmem:s0+$0xFFFFFFE0]  }
0xe2: {  	v5 =	vadd.f32 v30, v5;
	v6 =	vadd.f32 v31, v6;
	v30 =	vld [tilespmem:s0+$0xFFFFFFF0]  }
0xe3: {  	v7 =	vadd.f32 v32, v7;
	v8 =	vadd.f32 v33, v8;
	v31 =	vld [tilespmem:s0+$0x60]  }
0xe4: {  	v5 =	vadd.f32 v18, v5;
	v6 =	vadd.f32 v19, v6;
	v32 =	vld [tilespmem:s0+$0x70]  }
0xe5: {  	v7 =	vadd.f32 v20, v7;
	v33 =	vld [tilespmem:s10+$0xFFFFFFA0];
	v8 =	vadd.f32 v23, v8  }
0xe6: {  	s4 =	sadd.s32 $0x2, s4;
	v9 =	vadd.f32 v34, v9;
	v10 =	vadd.f32 v35, v10;
	v23 =	vld [tilespmem:s10+$0xFFFFFFB0]  }
0xe7: {  	p0 =	slt.u32 s4, $0xC6;
	v11 =	vadd.f32 v36, v11;
	v12 =	vadd.f32 v30, v12;
	v18 =	vld [tilespmem:s10+$0xFFFFFFC0]  }
.Ltmp1:
0xe8: {  	v9 =	vadd.f32 v28, v9;
	v10 =	vadd.f32 v29, v10;
	v19 =	vld [tilespmem:s10+$0xFFFFFFD0];
	(pc) =	sbr.rel @p0 .LBB2_4-.Ltmp1, $4  }
0xe9: {  	v11 =	vadd.f32 v31, v11;
	v20 =	vld [tilespmem:s10+$0xFFFFFFE0];
	v12 =	vadd.f32 v32, v12  }
0xea: {  	v16 =	vadd.f32 v21, v16;
	v14 =	vadd.f32 v22, v14;
	v22 =	vld [tilespmem:s10+$0xFFFFFFF0]  }
0xeb: {  	v25 =	vadd.f32 v33, v25;
	v24 =	vadd.f32 v23, v24;
	v21 =	vld [tilespmem:s10+$0x60]  }
0xec: {  	v16 =	vadd.f32 v26, v16;
	v14 =	vadd.f32 v27, v14;
	v23 =	vld [tilespmem:s10+$0x70];
	s10 =	sadd.s32 $0x100, s10  }
0xed: {  	[tilespmem:$0x19500] =	vst v5  }
0xee: {  	[tilespmem:$0x19510] =	vst v6  }
0xef: {  	[tilespmem:$0x19520] =	vst v7  }
0xf0: {  	[tilespmem:$0x19530] =	vst v8  }
0xf1: {  	[tilespmem:$0x19540] =	vst v9  }
0xf2: {  	[tilespmem:$0x19550] =	vst v10  }
0xf3: {  	[tilespmem:$0x19560] =	vst v11  }
0xf4: {  	[tilespmem:$0x19570] =	vst v12  }
0xf5: {  	v1 =	vadd.f32 v1, v25;
	v3 =	vadd.f32 v18, v3;
	[tilespmem:$0x19580] =	vst v16  }
0xf6: {  	v2 =	vadd.f32 v2, v24;
	v58 =	vadd.f32 v19, v17;
	[tilespmem:$0x19590] =	vst v14  }
0xf7: {  	v59 =	vadd.f32 v20, v15;
	v0 =	vadd.f32 v0, v3;
	[tilespmem:$0x195A0] =	vst v1  }
0xf8: {  	v60 =	vadd.f32 v22, v13;
	v61 =	vadd.f32 v4, v58;
	[tilespmem:$0x195B0] =	vst v2  }
0xf9: {  	v62 =	vadd.f32 v21, v59;
	[tilespmem:$0x195C0] =	vst v0  }
0xfa: {  	v63 =	vadd.f32 v23, v60;
	[tilespmem:$0x195D0] =	vst v61  }
0xfb: {  	[tilespmem:$0x195E0] =	vst v62  }
0xfc: {  	s0 =	rddreg [dreg:$0xe];
	s30 =	simm.s32 $0x1;
	[tilespmem:$0x195F0] =	vst v63  }
0xfd: {  	[hbm4b:s0+s22] =	stream.strided.scatter [tilespmem:s20], [sflag:$0x6], $0x100, s23, s22, $0x38;
	[tilespmem:$0x19600] =	vst v63  }
.LBB2_6:
0xfe: {  	_ =	swait.ge [sflag:s9], $0x100  }
0xff: {  	[sflag:s9] =	ssyncset.done $0x0  }
0x100: {  	[sflag:s9] =	ssyncadd.s32 $0xFFFFFF00  }
0x101: {  	_ =	swait.ge [sflag:s9], $0x100  }
0x102: {  	[sflag:s9] =	ssyncset.done $0x0  }
0x103: {  	s0 =	simm.s32 $0x6800;
	[sflag:s9] =	ssyncadd.s32 $0xFFFFFF00  }
0x104: {  	[tilespmem:s0], [sflag:$0x2] =	stream.indirect.gather [hbm4b:s2+s22], $0x80, s25, s22, $0xb8;
	[tilespmem:$0x19600] =	vst v63  }
0x105: {  	s10 =	simm.s32 $0x180  }
0x106: {  	[tilespmem:s12], [sflag:$0x2] =	stream.indirect.gather [hbm4b:s2+s29], $0x80, s10, s29, $0xb8;
	[tilespmem:$0x19600] =	vst v63  }
0x107: {  	_ = 	snop  }
0x108: {  	[tilespmem:s13], [sflag:$0x2] =	stream.indirect.gather [hbm4b:s3+s22], $0x80, s26, s22, $0xb8;
	[tilespmem:$0x19600] =	vst v63  }
0x109: {  	s11 =	sshll.u32 s30, $0x1  }
0x10a: {  	[tilespmem:s16], [sflag:$0x2] =	stream.indirect.gather [hbm4b:s3+s29], $0x80, s14, s29, $0xb8;
	[tilespmem:$0x19600] =	vst v63  }
0x10b: {  	s31 =	sadd.s32 s7, s11;
	_ =	swait.ge [sflag:s17], $0x6400  }
0x10c: {  	s0 =	sadd.s32 $0x2, s31;
	[sflag:s17] =	ssyncset.done $0x0  }
0x10d: {  	s4 =	sshll.u32 s0, $0x5;
	s0 =	sshll.u32 s0, $0x4;
	[sflag:s17] =	ssyncadd.s32 $0xFFFF9C00  }
0x10e: {  	s4 =	sand.u32 $0xFFFFF00, s4;
	s0 =	sand.u32 $0x60, s0;
	_ =	swait.ge [sflag:s17], $0x6400  }
0x10f: {  	s0 =	sor.u32 s0, s4;
	[sflag:s17] =	ssyncset.done $0x0  }
0x110: {  	s4 =	sadd.s32 s1, s0;
	[sflag:s17] =	ssyncadd.s32 $0xFFFF9C00  }
0x111: {  	[tilespmem:s5], [sflag:$0x3] =	stream.strided.gather [hbm4b:s4+s22], $0x100, s23, s22, $0x38;
	[tilespmem:$0x19600] =	vst v63  }
0x112: {  	s0 =	sadd.s32 s6, s0  }
0x113: {  	[tilespmem:s24], [sflag:$0x3] =	stream.strided.gather [hbm4b:s0+s22], $0x100, s23, s22, $0x38;
	[tilespmem:$0x19600] =	vst v63  }
0x114: {  	_ =	swait.ge [sflag:s21], $0x80  }
0x115: {  	[sflag:s21] =	ssyncset.done $0x0  }
0x116: {  	[sflag:s21] =	ssyncadd.s32 $0xFFFFFF80  }
0x117: {  	_ =	swait.ge [sflag:s21], $0x80  }
0x118: {  	[sflag:s21] =	ssyncset.done $0x0  }
0x119: {  	s10 =	simm.s32 $0xCC80;
	[sflag:s21] =	ssyncadd.s32 $0xFFFFFF80  }
0x11a: {  	v13 =	vld [tilespmem:s10+$0x0]  }
0x11b: {  	v14 =	vld [tilespmem:s10+$0x10]  }
0x11c: {  	v1 =	vld [tilespmem:s10+$0x20]  }
0x11d: {  	v2 =	vld [tilespmem:s10+$0x30]  }
0x11e: {  	v0 =	vld [tilespmem:s10+$0x40]  }
0x11f: {  	v15 =	vld [tilespmem:s10+$0xFFFFFF80]  }
0x120: {  	s0 =	simm.s32 $0x480;
	v16 =	vld [tilespmem:s10+$0xFFFFFF90]  }
0x121: {  	v4 =	vld [tilespmem:s0+$0x0]  }
0x122: {  	v6 =	vld [tilespmem:s0+$0x10]  }
0x123: {  	v7 =	vld [tilespmem:s0+$0x20]  }
0x124: {  	v8 =	vld [tilespmem:s0+$0x30]  }
0x125: {  	v9 =	vld [tilespmem:s0+$0x40]  }
0x126: {  	v10 =	vld [tilespmem:s0+$0x50]  }
0x127: {  	v5 =	vld [tilespmem:s0+$0xFFFFFF80]  }
0x128: {  	v11 =	vld [tilespmem:s0+$0xFFFFFF90]  }
0x129: {  	v12 =	vld [tilespmem:s0+$0xFFFFFFA0]  }
0x12a: {  	v17 =	vld [tilespmem:s0+$0xFFFFFFB0]  }
0x12b: {  	v20 =	vld [tilespmem:s0+$0xFFFFFFE0]  }
0x12c: {  	v21 =	vld [tilespmem:s0+$0xFFFFFFF0]  }
0x12d: {  	v3 =	vimm.f32 $0.0e+00;
	v18 =	vld [tilespmem:s0+$0xFFFFFFC0]  }
0x12e: {  	v19 =	vld [tilespmem:s0+$0xFFFFFFD0];
	v5 =	vadd.f32 v5, v3  }
0x12f: {  	v22 =	vld [tilespmem:s0+$0x60];
	v11 =	vadd.f32 v11, v3;
	v12 =	vadd.f32 v12, v3  }
0x130: {  	v24 =	vld [tilespmem:s10+$0xFFFFFFA0];
	v17 =	vadd.f32 v17, v3;
	v20 =	vadd.f32 v20, v3  }
0x131: {  	v23 =	vld [tilespmem:s0+$0x70];
	v21 =	vadd.f32 v21, v3;
	v15 =	vadd.f32 v15, v3  }
0x132: {  	v5 =	vadd.f32 v4, v5;
	v8 =	vadd.f32 v8, v17;
	v17 =	vld [tilespmem:s10+$0xFFFFFFB0]  }
0x133: {  	v6 =	vadd.f32 v6, v11;
	v11 =	vadd.f32 v18, v3;
	v4 =	vld [tilespmem:s10+$0x50]  }
0x134: {  	v7 =	vadd.f32 v7, v12;
	v12 =	vadd.f32 v19, v3;
	v18 =	vld [tilespmem:s10+$0xFFFFFFC0]  }
0x135: {  	v25 =	vadd.f32 v24, v3;
	v19 =	vld [tilespmem:s10+$0xFFFFFFD0];
	v9 =	vadd.f32 v9, v11  }
0x136: {  	v10 =	vadd.f32 v10, v12;
	v11 =	vadd.f32 v22, v20;
	v20 =	vld [tilespmem:s10+$0xFFFFFFE0]  }
0x137: {  	v12 =	vadd.f32 v23, v21;
	v23 =	vadd.f32 v16, v3;
	v22 =	vld [tilespmem:s10+$0xFFFFFFF0]  }
0x138: {  	v21 =	vld [tilespmem:s10+$0x60];
	v16 =	vadd.f32 v13, v15;
	v15 =	vimm.f32 $0.0e+00;
	v24 =	vadd.f32 v17, v3  }
0x139: {  	s4 =	simm.s32 $0x0;
	v13 =	vimm.f32 $0.0e+00;
	v14 =	vadd.f32 v14, v23;
	v23 =	vld [tilespmem:s10+$0x70];
	s10 =	simm.s32 $0xCD80;
	v17 =	vimm.f32 $0.0e+00  }
.LBB2_7:
0x13a: {  	v26 =	vld [tilespmem:s10+$0x0];
	v25 =	vadd.f32 v1, v25;
	v24 =	vadd.f32 v2, v24  }
0x13b: {  	v3 =	vadd.f32 v18, v3;
	v17 =	vadd.f32 v19, v17;
	v27 =	vld [tilespmem:s10+$0x10]  }
0x13c: {  	v15 =	vadd.f32 v20, v15;
	v1 =	vld [tilespmem:s10+$0x20];
	v13 =	vadd.f32 v22, v13  }
0x13d: {  	v3 =	vadd.f32 v0, v3;
	v17 =	vadd.f32 v4, v17;
	v2 =	vld [tilespmem:s10+$0x30]  }
0x13e: {  	v15 =	vadd.f32 v21, v15;
	v0 =	vld [tilespmem:s10+$0x40];
	v13 =	vadd.f32 v23, v13  }
0x13f: {  	v4 =	vld [tilespmem:s10+$0x50]  }
0x140: {  	v21 =	vld [tilespmem:s10+$0xFFFFFF80]  }
0x141: {  	s0 =	sadd.s32 $0x100, s0;
	v22 =	vld [tilespmem:s10+$0xFFFFFF90]  }
0x142: {  	v18 =	vld [tilespmem:s0+$0x0]  }
0x143: {  	v19 =	vld [tilespmem:s0+$0x10]  }
0x144: {  	v20 =	vld [tilespmem:s0+$0x20]  }
0x145: {  	v23 =	vld [tilespmem:s0+$0x30]  }
0x146: {  	v28 =	vld [tilespmem:s0+$0x40]  }
0x147: {  	v29 =	vld [tilespmem:s0+$0x50]  }
0x148: {  	v30 =	vld [tilespmem:s0+$0xFFFFFF80]  }
0x149: {  	v31 =	vld [tilespmem:s0+$0xFFFFFF90]  }
0x14a: {  	v32 =	vld [tilespmem:s0+$0xFFFFFFA0]  }
0x14b: {  	v33 =	vld [tilespmem:s0+$0xFFFFFFB0]  }
0x14c: {  	v34 =	vld [tilespmem:s0+$0xFFFFFFC0]  }
0x14d: {  	v35 =	vld [tilespmem:s0+$0xFFFFFFD0]  }
0x14e: {  	v36 =	vld [tilespmem:s0+$0xFFFFFFE0]  }
0x14f: {  	v5 =	vadd.f32 v30, v5;
	v6 =	vadd.f32 v31, v6;
	v30 =	vld [tilespmem:s0+$0xFFFFFFF0]  }
0x150: {  	v7 =	vadd.f32 v32, v7;
	v8 =	vadd.f32 v33, v8;
	v31 =	vld [tilespmem:s0+$0x60]  }
0x151: {  	v5 =	vadd.f32 v18, v5;
	v6 =	vadd.f32 v19, v6;
	v32 =	vld [tilespmem:s0+$0x70]  }
0x152: {  	v7 =	vadd.f32 v20, v7;
	v33 =	vld [tilespmem:s10+$0xFFFFFFA0];
	v8 =	vadd.f32 v23, v8  }
0x153: {  	s4 =	sadd.s32 $0x2, s4;
	v9 =	vadd.f32 v34, v9;
	v10 =	vadd.f32 v35, v10;
	v23 =	vld [tilespmem:s10+$0xFFFFFFB0]  }
0x154: {  	p0 =	slt.u32 s4, $0xC6;
	v11 =	vadd.f32 v36, v11;
	v12 =	vadd.f32 v30, v12;
	v18 =	vld [tilespmem:s10+$0xFFFFFFC0]  }
.Ltmp2:
0x155: {  	v9 =	vadd.f32 v28, v9;
	v10 =	vadd.f32 v29, v10;
	v19 =	vld [tilespmem:s10+$0xFFFFFFD0];
	(pc) =	sbr.rel @p0 .LBB2_7-.Ltmp2, $4  }
0x156: {  	v11 =	vadd.f32 v31, v11;
	v20 =	vld [tilespmem:s10+$0xFFFFFFE0];
	v12 =	vadd.f32 v32, v12  }
0x157: {  	v16 =	vadd.f32 v21, v16;
	v14 =	vadd.f32 v22, v14;
	v22 =	vld [tilespmem:s10+$0xFFFFFFF0]  }
0x158: {  	v25 =	vadd.f32 v33, v25;
	v24 =	vadd.f32 v23, v24;
	v21 =	vld [tilespmem:s10+$0x60]  }
0x159: {  	v16 =	vadd.f32 v26, v16;
	v14 =	vadd.f32 v27, v14;
	v23 =	vld [tilespmem:s10+$0x70];
	s10 =	sadd.s32 $0x100, s10  }
0x15a: {  	[tilespmem:$0x19400] =	vst v5  }
0x15b: {  	[tilespmem:$0x19410] =	vst v6  }
0x15c: {  	[tilespmem:$0x19420] =	vst v7  }
0x15d: {  	[tilespmem:$0x19430] =	vst v8  }
0x15e: {  	[tilespmem:$0x19440] =	vst v9  }
0x15f: {  	[tilespmem:$0x19450] =	vst v10  }
0x160: {  	[tilespmem:$0x19460] =	vst v11  }
0x161: {  	[tilespmem:$0x19470] =	vst v12  }
0x162: {  	v1 =	vadd.f32 v1, v25;
	v3 =	vadd.f32 v18, v3;
	[tilespmem:$0x19480] =	vst v16  }
0x163: {  	v2 =	vadd.f32 v2, v24;
	v5 =	vadd.f32 v19, v17;
	[tilespmem:$0x19490] =	vst v14  }
0x164: {  	v6 =	vadd.f32 v20, v15;
	v0 =	vadd.f32 v0, v3;
	[tilespmem:$0x194A0] =	vst v1  }
0x165: {  	v1 =	vadd.f32 v22, v13;
	v3 =	vadd.f32 v4, v5;
	[tilespmem:$0x194B0] =	vst v2  }
0x166: {  	s0 =	sshll.u32 s30, $0x5;
	v2 =	vadd.f32 v21, v6;
	[tilespmem:$0x194C0] =	vst v0  }
0x167: {  	s10 =	sshll.u32 s31, $0x5;
	s4 =	sand.u32 $0x60, s0;
	v0 =	vadd.f32 v23, v1;
	[tilespmem:$0x194D0] =	vst v3  }
0x168: {  	s0 =	sand.u32 $0x1FF00, s10;
	s11 =	sadd.s32 s8, s4;
	[tilespmem:$0x194E0] =	vst v2  }
0x169: {  	s10 =	sadd.s32 s0, s11;
	[tilespmem:$0x194F0] =	vst v0  }
0x16a: {  	[hbm4b:s10+s22] =	stream.strided.scatter [tilespmem:s18], [sflag:$0x5], $0x100, s23, s22, $0x38;
	[tilespmem:$0x19600] =	vst v63  }
0x16b: {  	_ =	swait.ge [sflag:s28], $0x100  }
0x16c: {  	[sflag:s28] =	ssyncset.done $0x0  }
0x16d: {  	[sflag:s28] =	ssyncadd.s32 $0xFFFFFF00  }
0x16e: {  	_ =	swait.ge [sflag:s28], $0x100  }
0x16f: {  	[sflag:s28] =	ssyncset.done $0x0  }
0x170: {  	[sflag:s28] =	ssyncadd.s32 $0xFFFFFF00  }
0x171: {  	[tilespmem:s23], [sflag:$0x1] =	stream.indirect.gather [hbm4b:s2+s22], $0x80, s5, s22, $0xb8;
	[tilespmem:$0x19600] =	vst v63  }
0x172: {  	s11 =	simm.s32 $0x4400  }
0x173: {  	[tilespmem:s11], [sflag:$0x1] =	stream.indirect.gather [hbm4b:s2+s29], $0x80, s22, s29, $0xb8;
	[tilespmem:$0x19600] =	vst v63  }
0x174: {  	s11 =	simm.s32 $0xCC00  }
0x175: {  	[tilespmem:s11], [sflag:$0x1] =	stream.indirect.gather [hbm4b:s3+s22], $0x80, s24, s22, $0xb8;
	[tilespmem:$0x19600] =	vst v63  }
0x176: {  	s10 =	simm.s32 $0x280;
	s11 =	simm.s32 $0x10C00  }
0x177: {  	[tilespmem:s11], [sflag:$0x1] =	stream.indirect.gather [hbm4b:s3+s29], $0x80, s10, s29, $0xb8;
	[tilespmem:$0x19600] =	vst v63  }
0x178: {  	_ =	swait.ge [sflag:s19], $0x6400  }
0x179: {  	s10 =	sadd.s32 $0x3, s31;
	[sflag:s19] =	ssyncset.done $0x0  }
0x17a: {  	s11 =	sshll.u32 s10, $0x5;
	s10 =	sshll.u32 s10, $0x4;
	[sflag:s19] =	ssyncadd.s32 $0xFFFF9C00  }
0x17b: {  	s11 =	sand.u32 $0xFFFFF00, s11;
	s10 =	sand.u32 $0x70, s10;
	_ =	swait.ge [sflag:s19], $0x6400  }
0x17c: {  	s10 =	sor.u32 s10, s11;
	[sflag:s19] =	ssyncset.done $0x0  }
0x17d: {  	s11 =	sadd.s32 s1, s10;
	[sflag:s19] =	ssyncadd.s32 $0xFFFF9C00  }
0x17e: {  	[tilespmem:s25], [sflag:$0x4] =	stream.strided.gather [hbm4b:s11+s22], $0x100, s23, s22, $0x38;
	[tilespmem:$0x19600] =	vst v63  }
0x17f: {  	s10 =	sadd.s32 s6, s10  }
0x180: {  	[tilespmem:s26], [sflag:$0x4] =	stream.strided.gather [hbm4b:s10+s22], $0x100, s23, s22, $0x38;
	[tilespmem:$0x19600] =	vst v63  }
0x181: {  	_ =	swait.ge [sflag:s15], $0x80  }
0x182: {  	[sflag:s15] =	ssyncset.done $0x0  }
0x183: {  	[sflag:s15] =	ssyncadd.s32 $0xFFFFFF80  }
0x184: {  	_ =	swait.ge [sflag:s15], $0x80  }
0x185: {  	[sflag:s15] =	ssyncset.done $0x0  }
0x186: {  	s11 =	simm.s32 $0x13080;
	[sflag:s15] =	ssyncadd.s32 $0xFFFFFF80  }
0x187: {  	v13 =	vld [tilespmem:s11+$0x0]  }
0x188: {  	v14 =	vld [tilespmem:s11+$0x10]  }
0x189: {  	v1 =	vld [tilespmem:s11+$0x20]  }
0x18a: {  	v2 =	vld [tilespmem:s11+$0x30]  }
0x18b: {  	v0 =	vld [tilespmem:s11+$0x40]  }
0x18c: {  	v15 =	vld [tilespmem:s11+$0xFFFFFF80]  }
0x18d: {  	s31 =	simm.s32 $0x6880;
	v16 =	vld [tilespmem:s11+$0xFFFFFF90]  }
0x18e: {  	v4 =	vld [tilespmem:s31+$0x0]  }
0x18f: {  	v6 =	vld [tilespmem:s31+$0x10]  }
0x190: {  	v7 =	vld [tilespmem:s31+$0x20]  }
0x191: {  	v8 =	vld [tilespmem:s31+$0x30]  }
0x192: {  	v9 =	vld [tilespmem:s31+$0x40]  }
0x193: {  	v10 =	vld [tilespmem:s31+$0x50]  }
0x194: {  	v5 =	vld [tilespmem:s31+$0xFFFFFF80]  }
0x195: {  	v11 =	vld [tilespmem:s31+$0xFFFFFF90]  }
0x196: {  	v12 =	vld [tilespmem:s31+$0xFFFFFFA0]  }
0x197: {  	v17 =	vld [tilespmem:s31+$0xFFFFFFB0]  }
0x198: {  	v20 =	vld [tilespmem:s31+$0xFFFFFFE0]  }
0x199: {  	v21 =	vld [tilespmem:s31+$0xFFFFFFF0]  }
0x19a: {  	v3 =	vimm.f32 $0.0e+00;
	v18 =	vld [tilespmem:s31+$0xFFFFFFC0]  }
0x19b: {  	v19 =	vld [tilespmem:s31+$0xFFFFFFD0];
	v5 =	vadd.f32 v5, v3  }
0x19c: {  	v22 =	vld [tilespmem:s31+$0x60];
	v11 =	vadd.f32 v11, v3;
	v12 =	vadd.f32 v12, v3  }
0x19d: {  	v24 =	vld [tilespmem:s11+$0xFFFFFFA0];
	v17 =	vadd.f32 v17, v3;
	v20 =	vadd.f32 v20, v3  }
0x19e: {  	v23 =	vld [tilespmem:s31+$0x70];
	v21 =	vadd.f32 v21, v3;
	v15 =	vadd.f32 v15, v3  }
0x19f: {  	v5 =	vadd.f32 v4, v5;
	v8 =	vadd.f32 v8, v17;
	v17 =	vld [tilespmem:s11+$0xFFFFFFB0]  }
0x1a0: {  	v6 =	vadd.f32 v6, v11;
	v11 =	vadd.f32 v18, v3;
	v4 =	vld [tilespmem:s11+$0x50]  }
0x1a1: {  	v7 =	vadd.f32 v7, v12;
	v12 =	vadd.f32 v19, v3;
	v18 =	vld [tilespmem:s11+$0xFFFFFFC0]  }
0x1a2: {  	v25 =	vadd.f32 v24, v3;
	v19 =	vld [tilespmem:s11+$0xFFFFFFD0];
	v9 =	vadd.f32 v9, v11  }
0x1a3: {  	v10 =	vadd.f32 v10, v12;
	v11 =	vadd.f32 v22, v20;
	v20 =	vld [tilespmem:s11+$0xFFFFFFE0]  }
0x1a4: {  	v12 =	vadd.f32 v23, v21;
	v23 =	vadd.f32 v16, v3;
	v22 =	vld [tilespmem:s11+$0xFFFFFFF0]  }
0x1a5: {  	v21 =	vld [tilespmem:s11+$0x60];
	v16 =	vadd.f32 v13, v15;
	v15 =	vimm.f32 $0.0e+00;
	v24 =	vadd.f32 v17, v3  }
0x1a6: {  	s10 =	simm.s32 $0x0;
	v13 =	vimm.f32 $0.0e+00;
	v14 =	vadd.f32 v14, v23;
	v23 =	vld [tilespmem:s11+$0x70];
	s11 =	simm.s32 $0x13180;
	v17 =	vimm.f32 $0.0e+00  }
.LBB2_9:
0x1a7: {  	v26 =	vld [tilespmem:s11+$0x0];
	v25 =	vadd.f32 v1, v25;
	v24 =	vadd.f32 v2, v24  }
0x1a8: {  	v3 =	vadd.f32 v18, v3;
	v17 =	vadd.f32 v19, v17;
	v27 =	vld [tilespmem:s11+$0x10]  }
0x1a9: {  	v15 =	vadd.f32 v20, v15;
	v1 =	vld [tilespmem:s11+$0x20];
	v13 =	vadd.f32 v22, v13  }
0x1aa: {  	v3 =	vadd.f32 v0, v3;
	v17 =	vadd.f32 v4, v17;
	v2 =	vld [tilespmem:s11+$0x30]  }
0x1ab: {  	v15 =	vadd.f32 v21, v15;
	v0 =	vld [tilespmem:s11+$0x40];
	v13 =	vadd.f32 v23, v13  }
0x1ac: {  	v4 =	vld [tilespmem:s11+$0x50]  }
0x1ad: {  	v21 =	vld [tilespmem:s11+$0xFFFFFF80]  }
0x1ae: {  	s31 =	sadd.s32 $0x100, s31;
	v22 =	vld [tilespmem:s11+$0xFFFFFF90]  }
0x1af: {  	v18 =	vld [tilespmem:s31+$0x0]  }
0x1b0: {  	v19 =	vld [tilespmem:s31+$0x10]  }
0x1b1: {  	v20 =	vld [tilespmem:s31+$0x20]  }
0x1b2: {  	v23 =	vld [tilespmem:s31+$0x30]  }
0x1b3: {  	v28 =	vld [tilespmem:s31+$0x40]  }
0x1b4: {  	v29 =	vld [tilespmem:s31+$0x50]  }
0x1b5: {  	v30 =	vld [tilespmem:s31+$0xFFFFFF80]  }
0x1b6: {  	v31 =	vld [tilespmem:s31+$0xFFFFFF90]  }
0x1b7: {  	v32 =	vld [tilespmem:s31+$0xFFFFFFA0]  }
0x1b8: {  	v33 =	vld [tilespmem:s31+$0xFFFFFFB0]  }
0x1b9: {  	v34 =	vld [tilespmem:s31+$0xFFFFFFC0]  }
0x1ba: {  	v35 =	vld [tilespmem:s31+$0xFFFFFFD0]  }
0x1bb: {  	v36 =	vld [tilespmem:s31+$0xFFFFFFE0]  }
0x1bc: {  	v5 =	vadd.f32 v30, v5;
	v6 =	vadd.f32 v31, v6;
	v30 =	vld [tilespmem:s31+$0xFFFFFFF0]  }
0x1bd: {  	v7 =	vadd.f32 v32, v7;
	v8 =	vadd.f32 v33, v8;
	v31 =	vld [tilespmem:s31+$0x60]  }
0x1be: {  	v5 =	vadd.f32 v18, v5;
	v6 =	vadd.f32 v19, v6;
	v32 =	vld [tilespmem:s31+$0x70]  }
0x1bf: {  	v7 =	vadd.f32 v20, v7;
	v33 =	vld [tilespmem:s11+$0xFFFFFFA0];
	v8 =	vadd.f32 v23, v8  }
0x1c0: {  	s10 =	sadd.s32 $0x2, s10;
	v9 =	vadd.f32 v34, v9;
	v10 =	vadd.f32 v35, v10;
	v23 =	vld [tilespmem:s11+$0xFFFFFFB0]  }
0x1c1: {  	p0 =	slt.u32 s10, $0xC6;
	v11 =	vadd.f32 v36, v11;
	v12 =	vadd.f32 v30, v12;
	v18 =	vld [tilespmem:s11+$0xFFFFFFC0]  }
.Ltmp3:
0x1c2: {  	v9 =	vadd.f32 v28, v9;
	v10 =	vadd.f32 v29, v10;
	v19 =	vld [tilespmem:s11+$0xFFFFFFD0];
	(pc) =	sbr.rel @p0 .LBB2_9-.Ltmp3, $4  }
0x1c3: {  	v11 =	vadd.f32 v31, v11;
	v20 =	vld [tilespmem:s11+$0xFFFFFFE0];
	v12 =	vadd.f32 v32, v12  }
0x1c4: {  	v16 =	vadd.f32 v21, v16;
	v14 =	vadd.f32 v22, v14;
	v22 =	vld [tilespmem:s11+$0xFFFFFFF0]  }
0x1c5: {  	v25 =	vadd.f32 v33, v25;
	v24 =	vadd.f32 v23, v24;
	v21 =	vld [tilespmem:s11+$0x60]  }
0x1c6: {  	v16 =	vadd.f32 v26, v16;
	v14 =	vadd.f32 v27, v14;
	v23 =	vld [tilespmem:s11+$0x70];
	s11 =	sadd.s32 $0x100, s11  }
0x1c7: {  	[tilespmem:$0x19500] =	vst v5  }
0x1c8: {  	[tilespmem:$0x19510] =	vst v6  }
0x1c9: {  	[tilespmem:$0x19520] =	vst v7  }
0x1ca: {  	[tilespmem:$0x19530] =	vst v8  }
0x1cb: {  	[tilespmem:$0x19540] =	vst v9  }
0x1cc: {  	[tilespmem:$0x19550] =	vst v10  }
0x1cd: {  	[tilespmem:$0x19560] =	vst v11  }
0x1ce: {  	[tilespmem:$0x19570] =	vst v12  }
0x1cf: {  	v1 =	vadd.f32 v1, v25;
	v3 =	vadd.f32 v18, v3;
	[tilespmem:$0x19580] =	vst v16  }
0x1d0: {  	v2 =	vadd.f32 v2, v24;
	v58 =	vadd.f32 v19, v17;
	[tilespmem:$0x19590] =	vst v14  }
0x1d1: {  	s30 =	sadd.s32 $0x1, s30;
	v59 =	vadd.f32 v20, v15;
	v0 =	vadd.f32 v0, v3;
	[tilespmem:$0x195A0] =	vst v1  }
0x1d2: {  	p0 =	sne.s32 s30, $0x3F;
	v60 =	vadd.f32 v22, v13;
	v61 =	vadd.f32 v4, v58;
	[tilespmem:$0x195B0] =	vst v2  }
.Ltmp4:
0x1d3: {  	v62 =	vadd.f32 v21, v59;
	[tilespmem:$0x195C0] =	vst v0;
	(pc) =	sbr.rel @p0 .LBB2_6-.Ltmp4, $4  }
0x1d4: {  	s4 =	sadd.s32 s4, s8;
	v63 =	vadd.f32 v23, v60;
	[tilespmem:$0x195D0] =	vst v61  }
0x1d5: {  	s0 =	sadd.s32 s0, s4;
	[tilespmem:$0x195E0] =	vst v62  }
0x1d6: {  	s0 =	sadd.s32 $0x10, s0;
	[tilespmem:$0x195F0] =	vst v63  }
0x1d7: {  	[hbm4b:s0+s22] =	stream.strided.scatter [tilespmem:s20], [sflag:$0x6], $0x100, s23, s22, $0x38;
	[tilespmem:$0x19600] =	vst v63  }
0x1d8: {  	_ =	swait.ge [sflag:s9], $0x100  }
0x1d9: {  	[sflag:s9] =	ssyncset.done $0x0  }
0x1da: {  	[sflag:s9] =	ssyncadd.s32 $0xFFFFFF00  }
0x1db: {  	_ =	swait.ge [sflag:s9], $0x100  }
0x1dc: {  	[sflag:s9] =	ssyncset.done $0x0  }
0x1dd: {  	s0 =	simm.s32 $0x6800;
	[sflag:s9] =	ssyncadd.s32 $0xFFFFFF00  }
0x1de: {  	[tilespmem:s0], [sflag:$0x2] =	stream.indirect.gather [hbm4b:s2+s22], $0x80, s25, s22, $0xb8;
	[tilespmem:$0x19600] =	vst v63  }
0x1df: {  	s31 =	simm.s32 $0x180  }
0x1e0: {  	[tilespmem:s12], [sflag:$0x2] =	stream.indirect.gather [hbm4b:s2+s29], $0x80, s31, s29, $0xb8;
	[tilespmem:$0x19600] =	vst v63  }
0x1e1: {  	_ = 	snop  }
0x1e2: {  	[tilespmem:s13], [sflag:$0x2] =	stream.indirect.gather [hbm4b:s3+s22], $0x80, s26, s22, $0xb8;
	[tilespmem:$0x19600] =	vst v63  }
0x1e3: {  	_ = 	snop  }
0x1e4: {  	[tilespmem:s16], [sflag:$0x2] =	stream.indirect.gather [hbm4b:s3+s29], $0x80, s14, s29, $0xb8;
	[tilespmem:$0x19600] =	vst v63  }
0x1e5: {  	_ =	swait.ge [sflag:s17], $0x6400  }
0x1e6: {  	[sflag:s17] =	ssyncset.done $0x0  }
0x1e7: {  	[sflag:s17] =	ssyncadd.s32 $0xFFFF9C00  }
0x1e8: {  	_ =	swait.ge [sflag:s17], $0x6400  }
0x1e9: {  	[sflag:s17] =	ssyncset.done $0x0  }
0x1ea: {  	[sflag:s17] =	ssyncadd.s32 $0xFFFF9C00  }
0x1eb: {  	_ =	swait.ge [sflag:s21], $0x80  }
0x1ec: {  	[sflag:s21] =	ssyncset.done $0x0  }
0x1ed: {  	[sflag:s21] =	ssyncadd.s32 $0xFFFFFF80  }
0x1ee: {  	_ =	swait.ge [sflag:s21], $0x80  }
0x1ef: {  	[sflag:s21] =	ssyncset.done $0x0  }
0x1f0: {  	s10 =	simm.s32 $0xCC80;
	[sflag:s21] =	ssyncadd.s32 $0xFFFFFF80  }
0x1f1: {  	v13 =	vld [tilespmem:s10+$0x0]  }
0x1f2: {  	v14 =	vld [tilespmem:s10+$0x10]  }
0x1f3: {  	v1 =	vld [tilespmem:s10+$0x20]  }
0x1f4: {  	v2 =	vld [tilespmem:s10+$0x30]  }
0x1f5: {  	v0 =	vld [tilespmem:s10+$0x40]  }
0x1f6: {  	v15 =	vld [tilespmem:s10+$0xFFFFFF80]  }
0x1f7: {  	s0 =	simm.s32 $0x480;
	v16 =	vld [tilespmem:s10+$0xFFFFFF90]  }
0x1f8: {  	v4 =	vld [tilespmem:s0+$0x0]  }
0x1f9: {  	v6 =	vld [tilespmem:s0+$0x10]  }
0x1fa: {  	v7 =	vld [tilespmem:s0+$0x20]  }
0x1fb: {  	v8 =	vld [tilespmem:s0+$0x30]  }
0x1fc: {  	v9 =	vld [tilespmem:s0+$0x40]  }
0x1fd: {  	v10 =	vld [tilespmem:s0+$0x50]  }
0x1fe: {  	v5 =	vld [tilespmem:s0+$0xFFFFFF80]  }
0x1ff: {  	v11 =	vld [tilespmem:s0+$0xFFFFFF90]  }
0x200: {  	v12 =	vld [tilespmem:s0+$0xFFFFFFA0]  }
0x201: {  	v17 =	vld [tilespmem:s0+$0xFFFFFFB0]  }
0x202: {  	v20 =	vld [tilespmem:s0+$0xFFFFFFE0]  }
0x203: {  	v21 =	vld [tilespmem:s0+$0xFFFFFFF0]  }
0x204: {  	v3 =	vimm.f32 $0.0e+00;
	v18 =	vld [tilespmem:s0+$0xFFFFFFC0]  }
0x205: {  	v19 =	vld [tilespmem:s0+$0xFFFFFFD0];
	v5 =	vadd.f32 v5, v3  }
0x206: {  	v22 =	vld [tilespmem:s0+$0x60];
	v11 =	vadd.f32 v11, v3;
	v12 =	vadd.f32 v12, v3  }
0x207: {  	v24 =	vld [tilespmem:s10+$0xFFFFFFA0];
	v17 =	vadd.f32 v17, v3;
	v20 =	vadd.f32 v20, v3  }
0x208: {  	v23 =	vld [tilespmem:s0+$0x70];
	v21 =	vadd.f32 v21, v3;
	v15 =	vadd.f32 v15, v3  }
0x209: {  	v5 =	vadd.f32 v4, v5;
	v8 =	vadd.f32 v8, v17;
	v17 =	vld [tilespmem:s10+$0xFFFFFFB0]  }
0x20a: {  	v6 =	vadd.f32 v6, v11;
	v11 =	vadd.f32 v18, v3;
	v4 =	vld [tilespmem:s10+$0x50]  }
0x20b: {  	v7 =	vadd.f32 v7, v12;
	v12 =	vadd.f32 v19, v3;
	v18 =	vld [tilespmem:s10+$0xFFFFFFC0]  }
0x20c: {  	v25 =	vadd.f32 v24, v3;
	v19 =	vld [tilespmem:s10+$0xFFFFFFD0];
	v9 =	vadd.f32 v9, v11  }
0x20d: {  	v10 =	vadd.f32 v10, v12;
	v11 =	vadd.f32 v22, v20;
	v20 =	vld [tilespmem:s10+$0xFFFFFFE0]  }
0x20e: {  	v12 =	vadd.f32 v23, v21;
	v23 =	vadd.f32 v16, v3;
	v22 =	vld [tilespmem:s10+$0xFFFFFFF0]  }
0x20f: {  	v21 =	vld [tilespmem:s10+$0x60];
	v16 =	vadd.f32 v13, v15;
	v15 =	vimm.f32 $0.0e+00;
	v24 =	vadd.f32 v17, v3  }
0x210: {  	s4 =	simm.s32 $0x0;
	v13 =	vimm.f32 $0.0e+00;
	v14 =	vadd.f32 v14, v23;
	v23 =	vld [tilespmem:s10+$0x70];
	s10 =	simm.s32 $0xCD80;
	v17 =	vimm.f32 $0.0e+00  }
.LBB2_12:
0x211: {  	v26 =	vld [tilespmem:s10+$0x0];
	v25 =	vadd.f32 v1, v25;
	v24 =	vadd.f32 v2, v24  }
0x212: {  	v3 =	vadd.f32 v18, v3;
	v17 =	vadd.f32 v19, v17;
	v27 =	vld [tilespmem:s10+$0x10]  }
0x213: {  	v15 =	vadd.f32 v20, v15;
	v1 =	vld [tilespmem:s10+$0x20];
	v13 =	vadd.f32 v22, v13  }
0x214: {  	v3 =	vadd.f32 v0, v3;
	v17 =	vadd.f32 v4, v17;
	v2 =	vld [tilespmem:s10+$0x30]  }
0x215: {  	v15 =	vadd.f32 v21, v15;
	v0 =	vld [tilespmem:s10+$0x40];
	v13 =	vadd.f32 v23, v13  }
0x216: {  	v4 =	vld [tilespmem:s10+$0x50]  }
0x217: {  	v21 =	vld [tilespmem:s10+$0xFFFFFF80]  }
0x218: {  	s0 =	sadd.s32 $0x100, s0;
	v22 =	vld [tilespmem:s10+$0xFFFFFF90]  }
0x219: {  	v18 =	vld [tilespmem:s0+$0x0]  }
0x21a: {  	v19 =	vld [tilespmem:s0+$0x10]  }
0x21b: {  	v20 =	vld [tilespmem:s0+$0x20]  }
0x21c: {  	v23 =	vld [tilespmem:s0+$0x30]  }
0x21d: {  	v28 =	vld [tilespmem:s0+$0x40]  }
0x21e: {  	v29 =	vld [tilespmem:s0+$0x50]  }
0x21f: {  	v30 =	vld [tilespmem:s0+$0xFFFFFF80]  }
0x220: {  	v31 =	vld [tilespmem:s0+$0xFFFFFF90]  }
0x221: {  	v32 =	vld [tilespmem:s0+$0xFFFFFFA0]  }
0x222: {  	v33 =	vld [tilespmem:s0+$0xFFFFFFB0]  }
0x223: {  	v34 =	vld [tilespmem:s0+$0xFFFFFFC0]  }
0x224: {  	v35 =	vld [tilespmem:s0+$0xFFFFFFD0]  }
0x225: {  	v36 =	vld [tilespmem:s0+$0xFFFFFFE0]  }
0x226: {  	v5 =	vadd.f32 v30, v5;
	v6 =	vadd.f32 v31, v6;
	v30 =	vld [tilespmem:s0+$0xFFFFFFF0]  }
0x227: {  	v7 =	vadd.f32 v32, v7;
	v8 =	vadd.f32 v33, v8;
	v31 =	vld [tilespmem:s0+$0x60]  }
0x228: {  	v5 =	vadd.f32 v18, v5;
	v6 =	vadd.f32 v19, v6;
	v32 =	vld [tilespmem:s0+$0x70]  }
0x229: {  	v7 =	vadd.f32 v20, v7;
	v33 =	vld [tilespmem:s10+$0xFFFFFFA0];
	v8 =	vadd.f32 v23, v8  }
0x22a: {  	s4 =	sadd.s32 $0x2, s4;
	v9 =	vadd.f32 v34, v9;
	v10 =	vadd.f32 v35, v10;
	v23 =	vld [tilespmem:s10+$0xFFFFFFB0]  }
0x22b: {  	p0 =	slt.u32 s4, $0xC6;
	v11 =	vadd.f32 v36, v11;
	v12 =	vadd.f32 v30, v12;
	v18 =	vld [tilespmem:s10+$0xFFFFFFC0]  }
.Ltmp5:
0x22c: {  	v9 =	vadd.f32 v28, v9;
	v10 =	vadd.f32 v29, v10;
	v19 =	vld [tilespmem:s10+$0xFFFFFFD0];
	(pc) =	sbr.rel @p0 .LBB2_12-.Ltmp5, $4  }
0x22d: {  	v11 =	vadd.f32 v31, v11;
	v20 =	vld [tilespmem:s10+$0xFFFFFFE0];
	v12 =	vadd.f32 v32, v12  }
0x22e: {  	v16 =	vadd.f32 v21, v16;
	v14 =	vadd.f32 v22, v14;
	v22 =	vld [tilespmem:s10+$0xFFFFFFF0]  }
0x22f: {  	v25 =	vadd.f32 v33, v25;
	v24 =	vadd.f32 v23, v24;
	v21 =	vld [tilespmem:s10+$0x60]  }
0x230: {  	v16 =	vadd.f32 v26, v16;
	v14 =	vadd.f32 v27, v14;
	v23 =	vld [tilespmem:s10+$0x70];
	s10 =	sadd.s32 $0x100, s10  }
0x231: {  	[tilespmem:$0x19400] =	vst v5  }
0x232: {  	[tilespmem:$0x19410] =	vst v6  }
0x233: {  	[tilespmem:$0x19420] =	vst v7  }
0x234: {  	[tilespmem:$0x19430] =	vst v8  }
0x235: {  	[tilespmem:$0x19440] =	vst v9  }
0x236: {  	[tilespmem:$0x19450] =	vst v10  }
0x237: {  	[tilespmem:$0x19460] =	vst v11  }
0x238: {  	[tilespmem:$0x19470] =	vst v12  }
0x239: {  	v1 =	vadd.f32 v1, v25;
	v3 =	vadd.f32 v18, v3;
	[tilespmem:$0x19480] =	vst v16  }
0x23a: {  	v2 =	vadd.f32 v2, v24;
	v5 =	vadd.f32 v19, v17;
	[tilespmem:$0x19490] =	vst v14  }
0x23b: {  	v6 =	vadd.f32 v20, v15;
	v0 =	vadd.f32 v0, v3;
	[tilespmem:$0x194A0] =	vst v1  }
0x23c: {  	v1 =	vadd.f32 v22, v13;
	v3 =	vadd.f32 v4, v5;
	[tilespmem:$0x194B0] =	vst v2  }
0x23d: {  	v2 =	vadd.f32 v21, v6;
	[tilespmem:$0x194C0] =	vst v0  }
0x23e: {  	v0 =	vadd.f32 v23, v1;
	[tilespmem:$0x194D0] =	vst v3  }
0x23f: {  	[tilespmem:$0x194E0] =	vst v2  }
0x240: {  	s0 =	rddreg [dreg:$0xf];
	[tilespmem:$0x194F0] =	vst v0  }
0x241: {  	[hbm4b:s0+s22] =	stream.strided.scatter [tilespmem:s18], [sflag:$0x5], $0x100, s23, s22, $0x38;
	[tilespmem:$0x19600] =	vst v63  }
0x242: {  	_ =	swait.ge [sflag:s19], $0x6400  }
0x243: {  	[sflag:s19] =	ssyncset.done $0x0  }
0x244: {  	[sflag:s19] =	ssyncadd.s32 $0xFFFF9C00  }
0x245: {  	_ =	swait.ge [sflag:s19], $0x6400  }
0x246: {  	[sflag:s19] =	ssyncset.done $0x0  }
0x247: {  	[sflag:s19] =	ssyncadd.s32 $0xFFFF9C00  }
0x248: {  	_ =	swait.ge [sflag:s15], $0x80  }
0x249: {  	[sflag:s15] =	ssyncset.done $0x0  }
0x24a: {  	[sflag:s15] =	ssyncadd.s32 $0xFFFFFF80  }
0x24b: {  	_ =	swait.ge [sflag:s15], $0x80  }
0x24c: {  	[sflag:s15] =	ssyncset.done $0x0  }
0x24d: {  	s10 =	simm.s32 $0x13080;
	[sflag:s15] =	ssyncadd.s32 $0xFFFFFF80  }
0x24e: {  	v13 =	vld [tilespmem:s10+$0x0]  }
0x24f: {  	v14 =	vld [tilespmem:s10+$0x10]  }
0x250: {  	v1 =	vld [tilespmem:s10+$0x20]  }
0x251: {  	v2 =	vld [tilespmem:s10+$0x30]  }
0x252: {  	v0 =	vld [tilespmem:s10+$0x40]  }
0x253: {  	v15 =	vld [tilespmem:s10+$0xFFFFFF80]  }
0x254: {  	s0 =	simm.s32 $0x6880;
	v16 =	vld [tilespmem:s10+$0xFFFFFF90]  }
0x255: {  	v4 =	vld [tilespmem:s0+$0x0]  }
0x256: {  	v6 =	vld [tilespmem:s0+$0x10]  }
0x257: {  	v7 =	vld [tilespmem:s0+$0x20]  }
0x258: {  	v8 =	vld [tilespmem:s0+$0x30]  }
0x259: {  	v9 =	vld [tilespmem:s0+$0x40]  }
0x25a: {  	v10 =	vld [tilespmem:s0+$0x50]  }
0x25b: {  	v5 =	vld [tilespmem:s0+$0xFFFFFF80]  }
0x25c: {  	v11 =	vld [tilespmem:s0+$0xFFFFFF90]  }
0x25d: {  	v12 =	vld [tilespmem:s0+$0xFFFFFFA0]  }
0x25e: {  	v17 =	vld [tilespmem:s0+$0xFFFFFFB0]  }
0x25f: {  	v20 =	vld [tilespmem:s0+$0xFFFFFFE0]  }
0x260: {  	v21 =	vld [tilespmem:s0+$0xFFFFFFF0]  }
0x261: {  	v3 =	vimm.f32 $0.0e+00;
	v18 =	vld [tilespmem:s0+$0xFFFFFFC0]  }
0x262: {  	v19 =	vld [tilespmem:s0+$0xFFFFFFD0];
	v5 =	vadd.f32 v5, v3  }
0x263: {  	v22 =	vld [tilespmem:s0+$0x60];
	v11 =	vadd.f32 v11, v3;
	v12 =	vadd.f32 v12, v3  }
0x264: {  	v24 =	vld [tilespmem:s10+$0xFFFFFFA0];
	v17 =	vadd.f32 v17, v3;
	v20 =	vadd.f32 v20, v3  }
0x265: {  	v23 =	vld [tilespmem:s0+$0x70];
	v21 =	vadd.f32 v21, v3;
	v15 =	vadd.f32 v15, v3  }
0x266: {  	v5 =	vadd.f32 v4, v5;
	v8 =	vadd.f32 v8, v17;
	v17 =	vld [tilespmem:s10+$0xFFFFFFB0]  }
0x267: {  	v6 =	vadd.f32 v6, v11;
	v11 =	vadd.f32 v18, v3;
	v4 =	vld [tilespmem:s10+$0x50]  }
0x268: {  	v7 =	vadd.f32 v7, v12;
	v12 =	vadd.f32 v19, v3;
	v18 =	vld [tilespmem:s10+$0xFFFFFFC0]  }
0x269: {  	v25 =	vadd.f32 v24, v3;
	v19 =	vld [tilespmem:s10+$0xFFFFFFD0];
	v9 =	vadd.f32 v9, v11  }
0x26a: {  	v10 =	vadd.f32 v10, v12;
	v11 =	vadd.f32 v22, v20;
	v20 =	vld [tilespmem:s10+$0xFFFFFFE0]  }
0x26b: {  	v12 =	vadd.f32 v23, v21;
	v23 =	vadd.f32 v16, v3;
	v22 =	vld [tilespmem:s10+$0xFFFFFFF0]  }
0x26c: {  	v21 =	vld [tilespmem:s10+$0x60];
	v16 =	vadd.f32 v13, v15;
	v15 =	vimm.f32 $0.0e+00;
	v24 =	vadd.f32 v17, v3  }
0x26d: {  	s4 =	simm.s32 $0x0;
	v13 =	vimm.f32 $0.0e+00;
	v14 =	vadd.f32 v14, v23;
	v23 =	vld [tilespmem:s10+$0x70];
	s10 =	simm.s32 $0x13180;
	v17 =	vimm.f32 $0.0e+00  }
.LBB2_14:
0x26e: {  	v26 =	vld [tilespmem:s10+$0x0];
	v25 =	vadd.f32 v1, v25;
	v24 =	vadd.f32 v2, v24  }
0x26f: {  	v3 =	vadd.f32 v18, v3;
	v17 =	vadd.f32 v19, v17;
	v27 =	vld [tilespmem:s10+$0x10]  }
0x270: {  	v15 =	vadd.f32 v20, v15;
	v1 =	vld [tilespmem:s10+$0x20];
	v13 =	vadd.f32 v22, v13  }
0x271: {  	v3 =	vadd.f32 v0, v3;
	v17 =	vadd.f32 v4, v17;
	v2 =	vld [tilespmem:s10+$0x30]  }
0x272: {  	v15 =	vadd.f32 v21, v15;
	v0 =	vld [tilespmem:s10+$0x40];
	v13 =	vadd.f32 v23, v13  }
0x273: {  	v4 =	vld [tilespmem:s10+$0x50]  }
0x274: {  	v21 =	vld [tilespmem:s10+$0xFFFFFF80]  }
0x275: {  	s0 =	sadd.s32 $0x100, s0;
	v22 =	vld [tilespmem:s10+$0xFFFFFF90]  }
0x276: {  	v18 =	vld [tilespmem:s0+$0x0]  }
0x277: {  	v19 =	vld [tilespmem:s0+$0x10]  }
0x278: {  	v20 =	vld [tilespmem:s0+$0x20]  }
0x279: {  	v23 =	vld [tilespmem:s0+$0x30]  }
0x27a: {  	v28 =	vld [tilespmem:s0+$0x40]  }
0x27b: {  	v29 =	vld [tilespmem:s0+$0x50]  }
0x27c: {  	v30 =	vld [tilespmem:s0+$0xFFFFFF80]  }
0x27d: {  	v31 =	vld [tilespmem:s0+$0xFFFFFF90]  }
0x27e: {  	v32 =	vld [tilespmem:s0+$0xFFFFFFA0]  }
0x27f: {  	v33 =	vld [tilespmem:s0+$0xFFFFFFB0]  }
0x280: {  	v34 =	vld [tilespmem:s0+$0xFFFFFFC0]  }
0x281: {  	v35 =	vld [tilespmem:s0+$0xFFFFFFD0]  }
0x282: {  	v36 =	vld [tilespmem:s0+$0xFFFFFFE0]  }
0x283: {  	v5 =	vadd.f32 v30, v5;
	v6 =	vadd.f32 v31, v6;
	v30 =	vld [tilespmem:s0+$0xFFFFFFF0]  }
0x284: {  	v7 =	vadd.f32 v32, v7;
	v8 =	vadd.f32 v33, v8;
	v31 =	vld [tilespmem:s0+$0x60]  }
0x285: {  	v5 =	vadd.f32 v18, v5;
	v6 =	vadd.f32 v19, v6;
	v32 =	vld [tilespmem:s0+$0x70]  }
0x286: {  	v7 =	vadd.f32 v20, v7;
	v33 =	vld [tilespmem:s10+$0xFFFFFFA0];
	v8 =	vadd.f32 v23, v8  }
0x287: {  	s4 =	sadd.s32 $0x2, s4;
	v9 =	vadd.f32 v34, v9;
	v10 =	vadd.f32 v35, v10;
	v23 =	vld [tilespmem:s10+$0xFFFFFFB0]  }
0x288: {  	p0 =	slt.u32 s4, $0xC6;
	v11 =	vadd.f32 v36, v11;
	v12 =	vadd.f32 v30, v12;
	v18 =	vld [tilespmem:s10+$0xFFFFFFC0]  }
.Ltmp6:
0x289: {  	v9 =	vadd.f32 v28, v9;
	v10 =	vadd.f32 v29, v10;
	v19 =	vld [tilespmem:s10+$0xFFFFFFD0];
	(pc) =	sbr.rel @p0 .LBB2_14-.Ltmp6, $4  }
0x28a: {  	v11 =	vadd.f32 v31, v11;
	v20 =	vld [tilespmem:s10+$0xFFFFFFE0];
	v12 =	vadd.f32 v32, v12  }
0x28b: {  	v16 =	vadd.f32 v21, v16;
	v14 =	vadd.f32 v22, v14;
	v22 =	vld [tilespmem:s10+$0xFFFFFFF0]  }
0x28c: {  	v25 =	vadd.f32 v33, v25;
	v24 =	vadd.f32 v23, v24;
	v21 =	vld [tilespmem:s10+$0x60]  }
0x28d: {  	v16 =	vadd.f32 v26, v16;
	v14 =	vadd.f32 v27, v14;
	v23 =	vld [tilespmem:s10+$0x70];
	s10 =	sadd.s32 $0x100, s10  }
0x28e: {  	[tilespmem:$0x19500] =	vst v5  }
0x28f: {  	[tilespmem:$0x19510] =	vst v6  }
0x290: {  	[tilespmem:$0x19520] =	vst v7  }
0x291: {  	[tilespmem:$0x19530] =	vst v8  }
0x292: {  	[tilespmem:$0x19540] =	vst v9  }
0x293: {  	[tilespmem:$0x19550] =	vst v10  }
0x294: {  	[tilespmem:$0x19560] =	vst v11  }
0x295: {  	[tilespmem:$0x19570] =	vst v12  }
0x296: {  	v1 =	vadd.f32 v1, v25;
	v3 =	vadd.f32 v18, v3;
	[tilespmem:$0x19580] =	vst v16  }
0x297: {  	v2 =	vadd.f32 v2, v24;
	v58 =	vadd.f32 v19, v17;
	[tilespmem:$0x19590] =	vst v14  }
0x298: {  	v59 =	vadd.f32 v20, v15;
	v0 =	vadd.f32 v0, v3;
	[tilespmem:$0x195A0] =	vst v1  }
0x299: {  	v60 =	vadd.f32 v22, v13;
	v61 =	vadd.f32 v4, v58;
	[tilespmem:$0x195B0] =	vst v2  }
0x29a: {  	v62 =	vadd.f32 v21, v59;
	[tilespmem:$0x195C0] =	vst v0  }
0x29b: {  	v63 =	vadd.f32 v23, v60;
	[tilespmem:$0x195D0] =	vst v61  }
0x29c: {  	[tilespmem:$0x195E0] =	vst v62  }
0x29d: {  	s0 =	rddreg [dreg:$0x10];
	[tilespmem:$0x195F0] =	vst v63  }
0x29e: {  	[hbm4b:s0+s22] =	stream.strided.scatter [tilespmem:s20], [sflag:$0x6], $0x100, s23, s22, $0x38;
	[tilespmem:$0x19600] =	vst v63  }
0x29f: {  	_ =	swait.ge [sflag:s21], $0x80  }
0x2a0: {  	[sflag:s21] =	ssyncset.done $0x0  }
0x2a1: {  	[sflag:s21] =	ssyncadd.s32 $0xFFFFFF80  }
0x2a2: {  	_ =	swait.ge [sflag:s21], $0x80  }
0x2a3: {  	[sflag:s21] =	ssyncset.done $0x0  }
0x2a4: {  	[sflag:s21] =	ssyncadd.s32 $0xFFFFFF80  }
0x2a5: {  	_ =	swait.ge [sflag:s15], $0x80  }
0x2a6: {  	[sflag:s15] =	ssyncset.done $0x0  }
0x2a7: {  	[sflag:s15] =	ssyncadd.s32 $0xFFFFFF80  }
0x2a8: {  	_ =	swait.ge [sflag:s15], $0x80  }
0x2a9: {  	s4 =	rddreg [dreg:$0x12]  }
0x2aa: {  	s31 =	rddreg [dreg:$0x11];
	s4 =	sadd.s32 $0x1, s4  }
0x2ab: {  	p0 =	sne.s32 s4, s31  }
.Ltmp7:
0x2ac: {  	_ = 	snop;
	(pc) =	sbr.rel @p0 .LBB2_1-.Ltmp7, $3  }
0x2ad: {  	_ =	sdelay $0x1  }
0x2ae: {  	[sflag:s15] =	ssyncset.done $0x0  }
0x2af: {  	[sflag:s15] =	ssyncadd.s32 $0xFFFFFF80  }
0x2b0: {  	_ =	sfence.sel $0x180000  }
0x2b1: {  	[bflag:$0x0] =	sbarrier.arrive $0xFFFF  }
0x2b2: {  	_ =	strace $0x90000047  }
0x2b3: {  	s0 =	stileid.u32;
	[bflag:$0x2] =	sbarrier.arrive $0xFFFF  }
0x2b4: {  	p0 =	sne.s32 s0, $0x0;
	s0 =	rddreg [dreg:$0x4]  }
0x2b5: {  	s0 =	sadd.s32 @!p0 $0x100000, s0  }
0x2b6: {  	[sflag:s0] =	ssyncadd.tile.s32 @!p0 $0x1;
	_ =	shalt  }
.Lfunc_end2:
_tile_overlayer_lowered:
.L_overlay_start_2:
0x2b7: {  	(tag) =	ssettag $0x2  }
0x2b8: {  	s0 =	rddreg [dreg:$0x0];
	s2 =	stileid.u32  }
0x2b9: {  	s1 =	rddreg [dreg:$0x1];
	p0 =	sne.s32 s2, $0x0  }
0x2ba: {  	s3 =	rddreg [dreg:$0x2];
	[bflag:$0x3] =	sbarrier.arrive $0xFFFF;
	s2 =	simm.s32 @!p0 $0x1C07  }
0x2bb: {  	[timem:s3], [sflag:s2] =	dma.local @!p0 [hbm:s0], s1  }
0x2bc: {  	s0 =	simm.s32 @!p0 $0x7  }
0x2bd: {  	_ =	swait.ge @!p0 [sflag:s0], s1  }
0x2be: {  	s1 =	ssub.s32 @!p0 $0x0, s1;
	[sflag:s0] =	ssyncset.done @!p0 $0x0  }
0x2bf: {  	[sflag:s0] =	ssyncadd.s32 @!p0 s1  }
0x2c0: {  	[bflag:$0x3] =	sbarrier.arrive $0xFFFF  }
0x2c1: {  	_ =	shalt  }

</sc_bundles>
